<compile_context>
chip_gen: v7x
topology: tpu7x:2x2x1
jax: 0.10.2.dev20260603
libtpu: 0.0.44.dev20260713+nightly
codegen_flags: <defaults>
</compile_context>

<pallas_src>
import functools

import jax
import jax.numpy as jnp
from jax import lax
from jax.experimental import pallas as pl
from jax.experimental.pallas import tpu as pltpu
from jax.experimental.pallas import tpu_sc as plsc

N = 10000
E = 160000
D = 256
HD = 128
B = 128
NS = 16
BPT = 80
EP = NS * BPT * B
NACC = N + 8
CH = 80
NCH = N // CH
CH_PER_TILE = (NCH + NS - 1) // NS
CW = 16


def _zero_fill(zbuf, width):
    z16 = jnp.zeros((16,), jnp.float32)

    def zrow(i, carry):
        for j in range(width // 16):
            zbuf[i, pl.ds(j * 16, 16)] = z16
        return carry

    lax.fori_loop(0, CH, zrow, 0)


def _for_row_chunks(s, body_fn):

    def f(j, carry):
        k = j * NS + s

        @pl.when(k < NCH)
        def _():
            body_fn(pl.multiple_of(k * CH, CH))

        return carry

    lax.fori_loop(0, CH_PER_TILE, f, 0)


_HB = BPT // 2


NBLK = E // B
BLK_PER_TILE = (NBLK + NS - 1) // NS


def _segsum_body(y_h, row_h, col_h, out, acc, rowi, coli, buf,
                 rowi1, coli1, buf1, zbuf, sem, sem1, sems):
    c = lax.axis_index("c")
    s = lax.axis_index("s")
    yoff = c * N

    _zero_fill(zbuf, HD)
    _for_row_chunks(s, lambda r0: pltpu.sync_copy(zbuf, acc.at[pl.ds(r0, CH)]))
    plsc.subcore_barrier()

    def load_idx(j, rowi_n, coli_n):
        e0 = pl.multiple_of((j * NS + s) * B, B)
        pltpu.sync_copy(row_h.at[pl.ds(c * E + e0, B)], rowi_n)
        pltpu.sync_copy(col_h.at[pl.ds(e0, B)], coli_n)

    def zrow1(i, carry):
        for k in range(HD // 16):
            buf1[i, pl.ds(k * 16, 16)] = jnp.zeros((16,), jnp.float32)
        return carry

    lax.fori_loop(0, B, zrow1, 0)
    for k in range(B // 16):
        coli1[pl.ds(k * 16, 16)] = jnp.zeros((16,), jnp.int32)
    pltpu.async_copy(buf1, acc.at[coli1], sems, add=True)

    def blk2(g, carry):
        load_idx(2 * g, rowi, coli)
        pltpu.make_async_copy(y_h.at[pl.ds(0, B)], buf1, sems).wait()
        load_idx(2 * g + 1, rowi1, coli1)
        d0 = pltpu.async_copy(y_h.at[rowi], buf, sem)
        d1 = pltpu.async_copy(y_h.at[rowi1], buf1, sem1)
        d0.wait()
        pltpu.sync_copy(buf, acc.at[coli], add=True)
        d1.wait()
        pltpu.async_copy(buf1, acc.at[coli1], sems, add=True)
        return carry

    lax.fori_loop(0, (BLK_PER_TILE - 1) // 2, blk2, 0)
    pltpu.make_async_copy(y_h.at[pl.ds(0, B)], buf1, sems).wait()

    @pl.when(78 * NS + s < NBLK)
    def _():
        load_idx(78, rowi, coli)
        pltpu.async_copy(y_h.at[rowi], buf, sem).wait()
        pltpu.sync_copy(buf, acc.at[coli], add=True)

    plsc.subcore_barrier()

    def wb(r0):
        pltpu.sync_copy(acc.at[pl.ds(r0, CH)], zbuf)
        pltpu.sync_copy(zbuf, out.at[pl.ds(yoff + r0, CH)])

    _for_row_chunks(s, wb)


@functools.cache
def _get_segsum():
    return pl.kernel(
        _segsum_body,
        out_type=jax.ShapeDtypeStruct((2 * N, HD), jnp.float32),
        mesh=plsc.VectorSubcoreMesh(core_axis_name="c", subcore_axis_name="s"),
        scratch_types=[
            pltpu.VMEM_SHARED((N, HD), jnp.float32),
            pltpu.VMEM((B,), jnp.int32),
            pltpu.VMEM((B,), jnp.int32),
            pltpu.VMEM((B, HD), jnp.float32),
            pltpu.VMEM((B,), jnp.int32),
            pltpu.VMEM((B,), jnp.int32),
            pltpu.VMEM((B, HD), jnp.float32),
            pltpu.VMEM((CH, HD), jnp.float32),
            pltpu.SemaphoreType.DMA,
            pltpu.SemaphoreType.DMA,
            pltpu.SemaphoreType.DMA,
        ],
    )


def _counts_body(cols_h, out, acc, colb, ones, zbuf, sem0, sem1):
    c = lax.axis_index("c")
    s = lax.axis_index("s")
    yoff = c * N

    t0 = pl.multiple_of(c * (EP // B) + s * BPT, BPT)
    pltpu.sync_copy(cols_h.at[pl.ds(t0, BPT)], colb)

    one16 = jnp.ones((16,), jnp.float32)

    def orow(i, carry):
        for j in range(CW // 16):
            ones[i, pl.ds(j * 16, 16)] = one16
        return carry

    lax.fori_loop(0, B, orow, 0)

    _zero_fill(zbuf, CW)
    _for_row_chunks(s, lambda r0: pltpu.sync_copy(zbuf, acc.at[pl.ds(r0, CH)]))
    plsc.subcore_barrier()

    def sstart(j, sem):
        pltpu.async_copy(ones, acc.at[colb.at[j]], sem, add=True)

    def sdrain(sem):
        pltpu.make_async_copy(out.at[pl.ds(0, B)], ones, sem).wait()

    sstart(0, sem0)

    def blk(g, carry):
        j0 = g * 2
        sstart(j0 + 1, sem1)
        sdrain(sem0)

        @pl.when(g < BPT // 2 - 1)
        def _():
            sstart(j0 + 2, sem0)

        sdrain(sem1)
        return carry

    lax.fori_loop(0, BPT // 2, blk, 0)
    plsc.subcore_barrier()

    def wb(r0):
        pltpu.sync_copy(acc.at[pl.ds(r0, CH)], zbuf)
        pltpu.sync_copy(zbuf, out.at[pl.ds(yoff + r0, CH)])

    _for_row_chunks(s, wb)


@functools.cache
def _get_counts():
    return pl.kernel(
        _counts_body,
        out_type=jax.ShapeDtypeStruct((2 * N, CW), jnp.float32),
        mesh=plsc.VectorSubcoreMesh(core_axis_name="c", subcore_axis_name="s"),
        compiler_params=pltpu.CompilerParams(use_tc_tiling_on_sc=False),
        scratch_types=[
            pltpu.VMEM_SHARED((NACC, CW), jnp.float32),
            pltpu.VMEM((BPT, B), jnp.int32),
            pltpu.VMEM((B, CW), jnp.float32),
            pltpu.VMEM((CH, CW), jnp.float32),
            pltpu.SemaphoreType.DMA,
            pltpu.SemaphoreType.DMA,
        ],
    )



_R = 1000
_CONTRACT = (((1,), (1,)), ((), ()))


def _tca_body(xa_ref, xp_ref, wl1_ref, wr1_ref, wr2_ref, bl1_ref, bl2_ref,
              y1_ref, z1_ref, z2_ref):
    xa = xa_ref[...]
    y1 = lax.dot_general(xa, wl1_ref[...], _CONTRACT,
                         preferred_element_type=jnp.float32)
    y1_ref[0] = y1[:, :HD]
    y1_ref[1] = y1[:, HD:]
    z1_ref[...] = lax.dot_general(xp_ref[...], wr1_ref[...], _CONTRACT,
                                  preferred_element_type=jnp.float32) + bl1_ref[...]
    z2_ref[...] = lax.dot_general(xa, wr2_ref[...], _CONTRACT,
                                  preferred_element_type=jnp.float32) + bl2_ref[...]


_tc_a = pl.pallas_call(
    _tca_body,
    grid=(N // _R,),
    in_specs=[
        pl.BlockSpec((_R, D), lambda i: (i, 0)),
        pl.BlockSpec((_R, D), lambda i: (i, 0)),
        pl.BlockSpec((D, D), lambda i: (0, 0)),
        pl.BlockSpec((D, D), lambda i: (0, 0)),
        pl.BlockSpec((D, D), lambda i: (0, 0)),
        pl.BlockSpec((1, D), lambda i: (0, 0)),
        pl.BlockSpec((1, D), lambda i: (0, 0)),
    ],
    out_specs=[
        pl.BlockSpec((2, _R, HD), lambda i: (0, i, 0)),
        pl.BlockSpec((_R, D), lambda i: (i, 0)),
        pl.BlockSpec((_R, D), lambda i: (i, 0)),
    ],
    out_shape=[
        jax.ShapeDtypeStruct((2, N, HD), jnp.float32),
        jax.ShapeDtypeStruct((N, D), jnp.float32),
        jax.ShapeDtypeStruct((N, D), jnp.float32),
    ],
)


def _tcb_body(s_ref, cnt_ref, z1_ref, wl2_ref, y2_ref):
    inv = 1.0 / jnp.maximum(cnt_ref[...], 1.0)
    h = jnp.concatenate([s_ref[0], s_ref[1]], axis=1) * inv + z1_ref[...]
    h = jnp.maximum(h, 0.0)
    y2 = lax.dot_general(h, wl2_ref[...], _CONTRACT,
                         preferred_element_type=jnp.float32)
    y2_ref[0] = y2[:, :HD]
    y2_ref[1] = y2[:, HD:]


_tc_b = pl.pallas_call(
    _tcb_body,
    grid=(N // _R,),
    in_specs=[
        pl.BlockSpec((2, _R, HD), lambda i: (0, i, 0)),
        pl.BlockSpec((_R, 1), lambda i: (i, 0)),
        pl.BlockSpec((_R, D), lambda i: (i, 0)),
        pl.BlockSpec((D, D), lambda i: (0, 0)),
    ],
    out_specs=pl.BlockSpec((2, _R, HD), lambda i: (0, i, 0)),
    out_shape=jax.ShapeDtypeStruct((2, N, HD), jnp.float32),
)


def _tcc_body(s_ref, cnt_ref, z2_ref, wo_ref, bo_ref, out_ref):
    inv = 1.0 / jnp.maximum(cnt_ref[...], 1.0)
    h = jnp.concatenate([s_ref[0], s_ref[1]], axis=1) * inv + z2_ref[...]
    h = jnp.maximum(h, 0.0)
    out_ref[...] = lax.dot_general(h, wo_ref[...], _CONTRACT,
                                   preferred_element_type=jnp.float32) + bo_ref[...]


_tc_c = pl.pallas_call(
    _tcc_body,
    grid=(N // _R,),
    in_specs=[
        pl.BlockSpec((2, _R, HD), lambda i: (0, i, 0)),
        pl.BlockSpec((_R, 1), lambda i: (i, 0)),
        pl.BlockSpec((_R, D), lambda i: (i, 0)),
        pl.BlockSpec((D, D), lambda i: (0, 0)),
        pl.BlockSpec((1, D), lambda i: (0, 0)),
    ],
    out_specs=pl.BlockSpec((_R, D), lambda i: (i, 0)),
    out_shape=jax.ShapeDtypeStruct((N, D), jnp.float32),
)


def _pad_idx(idx, fill):
    pad = jnp.full((EP - E,), fill, jnp.int32)
    return jnp.concatenate([idx, pad])


def kernel(x_author, x_paper, edge_index_writes, edge_index_written_by,
           Wl1, bl1, Wr1, Wl2, bl2, Wr2, Wo, bo):
    row1, col1 = edge_index_writes[0], edge_index_writes[1]
    row2, col2 = edge_index_written_by[0], edge_index_written_by[1]
    cols = jnp.concatenate([_pad_idx(col1, N), _pad_idx(col2, N)]
                           ).reshape(2 * EP // B, B)

    cntw = _get_counts()(cols)
    cnt1, cnt2 = cntw[:N, :1], cntw[N:, :1]

    rsh1 = jnp.concatenate([row1, row1 + N])
    rsh2 = jnp.concatenate([row2, row2 + N])

    y1s, z1, z2 = _tc_a(x_author, x_paper, Wl1, Wr1, Wr2,
                        bl1.reshape(1, D), bl2.reshape(1, D))
    s1 = _get_segsum()(y1s.reshape(2 * N, HD), rsh1, col1)
    y2s = _tc_b(s1.reshape(2, N, HD), cnt1, z1, Wl2)
    s2 = _get_segsum()(y2s.reshape(2 * N, HD), rsh2, col2)
    return _tc_c(s2.reshape(2, N, HD), cnt2, z2, Wo, bo.reshape(1, D))

# --- scband reference (transcript-rebuilt; emitter-appended) ---
"""Pipeline reference for scband-meta-path-gnn-58987080843871 (READ-ONLY COPY).

The authoritative reference and input builder live on the scoring server;
editing this copy changes nothing except your own understanding.
"""

import jax, jax.numpy as jnp
import numpy as np

N_AUTHOR = 10000
N_PAPER = 10000
E = 160000
D = 256
H = 256
OUT = 256


def setup_inputs(seed: int = 0) -> dict:
    key = jax.random.key(seed)
    ks = jax.random.split(key, 14)
    x_author = jax.random.normal(ks[0], (N_AUTHOR, D), dtype=jnp.float32)
    x_paper = jax.random.normal(ks[1], (N_PAPER, D), dtype=jnp.float32)
    # row 0 = src indices, row 1 = dst indices
    ei_writes = jax.random.randint(ks[2], (2, E), 0, N_PAPER, dtype=jnp.int32)
    ei_written_by = jax.random.randint(ks[3], (2, E), 0, N_AUTHOR, dtype=jnp.int32)
    s = 0.05
    # conv 1: SAGEConv((D_author, D_paper) -> H)
    Wl1 = jax.random.normal(ks[4], (H, D), dtype=jnp.float32) * s
    bl1 = jnp.zeros((H,), dtype=jnp.float32)
    Wr1 = jax.random.normal(ks[5], (H, D), dtype=jnp.float32) * s
    # conv 2: SAGEConv((H_paper, D_author) -> H)
    Wl2 = jax.random.normal(ks[6], (H, H), dtype=jnp.float32) * s
    bl2 = jnp.zeros((H,), dtype=jnp.float32)
    Wr2 = jax.random.normal(ks[7], (H, D), dtype=jnp.float32) * s
    # out_proj: Linear(H -> OUT)
    Wo = jax.random.normal(ks[8], (OUT, H), dtype=jnp.float32) * s
    bo = jnp.zeros((OUT,), dtype=jnp.float32)
    return {
        "x_author": x_author,
        "x_paper": x_paper,
        "edge_index_writes": ei_writes,
        "edge_index_written_by": ei_written_by,
        "Wl1": Wl1, "bl1": bl1, "Wr1": Wr1,
        "Wl2": Wl2, "bl2": bl2, "Wr2": Wr2,
        "Wo": Wo, "bo": bo,
    }


def _sage_conv(x_src, x_dst, edge_index, Wl, bl, Wr):
    # PyG SAGEConv (mean aggregation): out = lin_l(mean_{j in N(i)} x_src[j]) + lin_r(x_dst[i])
    row = edge_index[0]
    col = edge_index[1]
    msg = jnp.take(x_src, row, axis=0)
    n_dst = x_dst.shape[0]
    agg_sum = jax.ops.segment_sum(msg, col, num_segments=n_dst)
    cnt = jax.ops.segment_sum(jnp.ones((edge_index.shape[1],), dtype=x_src.dtype), col, num_segments=n_dst)
    agg = agg_sum / jnp.clip(cnt, 1.0)[:, None]
    return agg @ Wl.T + bl + x_dst @ Wr.T


def reference(x_author, x_paper, edge_index_writes, edge_index_written_by,
              Wl1, bl1, Wr1, Wl2, bl2, Wr2, Wo, bo):
    # metapath step 1: ('author','writes','paper') updates h['paper']
    h_paper = jax.nn.relu(_sage_conv(x_author, x_paper, edge_index_writes, Wl1, bl1, Wr1))
    # metapath step 2: ('paper','written_by','author') updates h['author']
    h_author = jax.nn.relu(_sage_conv(h_paper, x_author, edge_index_written_by, Wl2, bl2, Wr2))
    # out_proj on start_type = 'author'
    return h_author @ Wo.T + bo

if __name__ == "__main__":
    import jax
    _d = setup_inputs()
    print(jax.jit(kernel)(*tuple(_d.values())))

</pallas_src>

<mosaic_0001>
#map = affine_map<(d0, d1) -> (0, 0)>
module attributes {stable_mosaic.version = 14 : i64} {
  func.func @_counts_body(%arg0: i32, %arg1: i32, %arg2: memref<2560x128xi32, #tpu.memory_space<hbm>>, %arg3: memref<20000x16xf32, #tpu.memory_space<hbm>>, %arg4: memref<10008x16xf32, #tpu.memory_space<vmem_shared>>, %arg5: memref<80x128xi32, #tpu.memory_space<vmem>>, %arg6: memref<128x16xf32, #tpu.memory_space<vmem>>, %arg7: memref<80x16xf32, #tpu.memory_space<vmem>>, %arg8: memref<!tpu.dma_semaphore, #tpu.memory_space<semaphore_mem>>, %arg9: memref<!tpu.dma_semaphore, #tpu.memory_space<semaphore_mem>>) attributes {dimension_semantics = [#tpu.dimension_semantics<core_parallel>, #tpu.dimension_semantics<subcore_parallel>], iteration_bounds = array<i64: 2, 16>, scalar_prefetch = 0 : i64, scratch_operands = 6 : i64, tpu.core_type = #tpu.core_type<sc_vector_subcore>, window_params = [{transform_indices = #map}, {transform_indices = #map}]} {
    %mul3A = arith.constant 10000 : i32
    %mul3A_0 = arith.muli %arg0, %mul3A : i32
    %mul3A_1 = arith.constant 1280 : i32
    %mul3A_2 = arith.muli %arg0, %mul3A_1 : i32
    %mul3A_3 = arith.constant 80 : i32
    %mul3A_4 = arith.muli %arg1, %mul3A_3 : i32
    %add3A = arith.addi %mul3A_2, %mul3A_4 : i32
    %multiple_of3A = tpu.assume_multiple %add3A, 80 : i32
    "tpu.region"() ({
      %run_scoped3A = tpu.sem_alloc : memref<!tpu.dma_semaphore, #tpu.memory_space<semaphore_mem>>
      %dma_start3A_44 = arith.constant 0 : i32
      %dma_start3A_45 = tpu.memref_slice %arg2[%multiple_of3A, %dma_start3A_44] : memref<2560x128xi32, #tpu.memory_space<hbm>> -> memref<80x128xi32, #tpu.memory_space<hbm>>
      %dma_start3A_46 = arith.constant 0 : i32
      %dma_start3A_47 = tpu.memref_slice %arg2[%multiple_of3A, %dma_start3A_46] : memref<2560x128xi32, #tpu.memory_space<hbm>> -> memref<80x128xi32, #tpu.memory_space<hbm>>
      tpu.enqueue_dma source(%dma_start3A_47 : memref<80x128xi32, #tpu.memory_space<hbm>>) target(%arg5 : memref<80x128xi32, #tpu.memory_space<vmem>>) target_semaphore(%run_scoped3A : memref<!tpu.dma_semaphore, #tpu.memory_space<semaphore_mem>>)
      %dma_wait3A = arith.constant 0 : i32
      %dma_wait3A_48 = tpu.memref_slice %arg2[%multiple_of3A, %dma_wait3A] : memref<2560x128xi32, #tpu.memory_space<hbm>> -> memref<80x128xi32, #tpu.memory_space<hbm>>
      %dma_wait3A_49 = arith.constant 0 : i32
      %dma_wait3A_50 = tpu.memref_slice %arg2[%multiple_of3A, %dma_wait3A_49] : memref<2560x128xi32, #tpu.memory_space<hbm>> -> memref<80x128xi32, #tpu.memory_space<hbm>>
      tpu.wait_dma2 semaphore(%run_scoped3A : memref<!tpu.dma_semaphore, #tpu.memory_space<semaphore_mem>>) src(%dma_wait3A_50 : memref<80x128xi32, #tpu.memory_space<hbm>>) dst(%arg5 : memref<80x128xi32, #tpu.memory_space<vmem>>)
      tpu.yield
    }) : () -> ()
    %broadcast_in_dim3A = arith.constant 1.000000e+00 : f32
    %broadcast_in_dim3A_5 = vector.broadcast %broadcast_in_dim3A : f32 to vector<16xf32>
    %scan3A = arith.constant 0 : i32
    %scan3A_6 = arith.constant 0 : i32
    %scan3A_7 = arith.constant 128 : i32
    %scan3A_8 = arith.addi %scan3A_6, %scan3A_7 : i32
    %scan3A_9 = arith.constant 1 : i32
    scf.for %scan3A_44 = %scan3A_6 to %scan3A_8 step %scan3A_9  : i32 {
      %swap3A = arith.index_cast %scan3A_44 : i32 to index
      %swap3A_45 = arith.constant 0 : index
      %swap3A_46 = tpu.vector_load %arg6[%swap3A, %swap3A_45] {strides = array<i32>} : memref<128x16xf32, #tpu.memory_space<vmem>>, vector<1x16xf32>,
      %swap3A_47 = vector.shape_cast %swap3A_46 : vector<1x16xf32> to vector<16xf32>
      %swap3A_48 = vector.shape_cast %broadcast_in_dim3A_5 : vector<16xf32> to vector<1x16xf32>
      tpu.vector_store %arg6[%swap3A, %swap3A_45], %swap3A_48 {strides = array<i32>} : memref<128x16xf32, #tpu.memory_space<vmem>>, vector<1x16xf32>,
    }
    %scan3A_10 = arith.constant 128 : i32
    %broadcast_in_dim3A_11 = arith.constant 0.000000e+00 : f32
    %broadcast_in_dim3A_12 = vector.broadcast %broadcast_in_dim3A_11 : f32 to vector<16xf32>
    %scan3A_13 = arith.constant 0 : i32
    %scan3A_14 = arith.constant 0 : i32
    %scan3A_15 = arith.constant 80 : i32
    %scan3A_16 = arith.addi %scan3A_14, %scan3A_15 : i32
    %scan3A_17 = arith.constant 1 : i32
    scf.for %scan3A_44 = %scan3A_14 to %scan3A_16 step %scan3A_17  : i32 {
      %swap3A = arith.index_cast %scan3A_44 : i32 to index
      %swap3A_45 = arith.constant 0 : index
      %swap3A_46 = tpu.vector_load %arg7[%swap3A, %swap3A_45] {strides = array<i32>} : memref<80x16xf32, #tpu.memory_space<vmem>>, vector<1x16xf32>,
      %swap3A_47 = vector.shape_cast %swap3A_46 : vector<1x16xf32> to vector<16xf32>
      %swap3A_48 = vector.shape_cast %broadcast_in_dim3A_12 : vector<16xf32> to vector<1x16xf32>
      tpu.vector_store %arg7[%swap3A, %swap3A_45], %swap3A_48 {strides = array<i32>} : memref<80x16xf32, #tpu.memory_space<vmem>>, vector<1x16xf32>,
    }
    %scan3A_18 = arith.constant 80 : i32
    %scan3A_19 = arith.constant 0 : i32
    %scan3A_20 = arith.constant 0 : i32
    %scan3A_21 = arith.constant 8 : i32
    %scan3A_22 = arith.addi %scan3A_20, %scan3A_21 : i32
    %scan3A_23 = arith.constant 1 : i32
    scf.for %scan3A_44 = %scan3A_20 to %scan3A_22 step %scan3A_23  : i32 {
      %mul3A_45 = arith.constant 16 : i32
      %mul3A_46 = arith.muli %scan3A_44, %mul3A_45 : i32
      %add3A_47 = arith.addi %mul3A_46, %arg1 : i32
      %lt3A = arith.constant 125 : i32
      %lt3A_48 = arith.cmpi slt, %add3A_47, %lt3A : i32
      %convert_element_type3A = arith.extui %lt3A_48 : i1 to i32
      %cond3A = arith.constant 0 : i32
      %cond3A_49 = arith.cmpi ne, %convert_element_type3A, %cond3A : i32
      scf.if %cond3A_49 {
        %mul3A_50 = arith.constant 80 : i32
        %mul3A_51 = arith.muli %add3A_47, %mul3A_50 : i32
        %multiple_of3A_52 = tpu.assume_multiple %mul3A_51, 80 : i32
        "tpu.region"() ({
          %run_scoped3A = tpu.sem_alloc : memref<!tpu.dma_semaphore, #tpu.memory_space<semaphore_mem>>
          %dma_start3A_53 = arith.constant 0 : i32
          %dma_start3A_54 = tpu.memref_slice %arg4[%multiple_of3A_52, %dma_start3A_53] : memref<10008x16xf32, #tpu.memory_space<vmem_shared>> -> memref<80x16xf32, #tpu.memory_space<vmem_shared>>
          %dma_start3A_55 = arith.constant 0 : i32
          %dma_start3A_56 = tpu.memref_slice %arg4[%multiple_of3A_52, %dma_start3A_55] : memref<10008x16xf32, #tpu.memory_space<vmem_shared>> -> memref<80x16xf32, #tpu.memory_space<vmem_shared>>
          tpu.enqueue_dma source(%arg7 : memref<80x16xf32, #tpu.memory_space<vmem>>) target(%dma_start3A_56 : memref<80x16xf32, #tpu.memory_space<vmem_shared>>) target_semaphore(%run_scoped3A : memref<!tpu.dma_semaphore, #tpu.memory_space<semaphore_mem>>)
          %dma_wait3A = arith.constant 0 : i32
          %dma_wait3A_57 = tpu.memref_slice %arg4[%multiple_of3A_52, %dma_wait3A] : memref<10008x16xf32, #tpu.memory_space<vmem_shared>> -> memref<80x16xf32, #tpu.memory_space<vmem_shared>>
          %dma_wait3A_58 = arith.constant 0 : i32
          %dma_wait3A_59 = tpu.memref_slice %arg4[%multiple_of3A_52, %dma_wait3A_58] : memref<10008x16xf32, #tpu.memory_space<vmem_shared>> -> memref<80x16xf32, #tpu.memory_space<vmem_shared>>
          tpu.wait_dma2 semaphore(%run_scoped3A : memref<!tpu.dma_semaphore, #tpu.memory_space<semaphore_mem>>) src(%arg7 : memref<80x16xf32, #tpu.memory_space<vmem>>) dst(%dma_wait3A_59 : memref<80x16xf32, #tpu.memory_space<vmem_shared>>)
          tpu.yield
        }) : () -> ()
      } else {
      }
    }
    %scan3A_24 = arith.constant 8 : i32
    %barrier3A = arith.constant 0 : index
    tpu.barrier barrier_id(%barrier3A)
    %dma_start3A = arith.constant 0 : i32
    %dma_start3A_25 = arith.constant 0 : i32
    %dma_start3A_26 = tpu.memref_slice %arg5[%dma_start3A, %dma_start3A_25] : memref<80x128xi32, #tpu.memory_space<vmem>> -> memref<1x128xi32, #tpu.memory_space<vmem>>
    %dma_start3A_27 = tpu.memref_squeeze %dma_start3A_26 : memref<1x128xi32, #tpu.memory_space<vmem>> -> memref<128xi32, #tpu.memory_space<vmem>>
    %dma_start3A_28 = arith.constant 0 : i32
    %dma_start3A_29 = arith.constant 0 : i32
    %dma_start3A_30 = tpu.memref_slice %arg4[%dma_start3A_28, %dma_start3A_29] : memref<10008x16xf32, #tpu.memory_space<vmem_shared>> -> memref<10008x16xf32, #tpu.memory_space<vmem_shared>>
    tpu.enqueue_indirect_dma source(%arg6 : memref<128x16xf32, #tpu.memory_space<vmem>>) target(%dma_start3A_30 : memref<10008x16xf32, #tpu.memory_space<vmem_shared>>) offsets(%dma_start3A_27 : memref<128xi32, #tpu.memory_space<vmem>>) semaphore(%arg8 : memref<!tpu.dma_semaphore, #tpu.memory_space<semaphore_mem>>) {add = true}
    %scan3A_31 = arith.constant 0 : i32
    %scan3A_32 = arith.constant 0 : i32
    %scan3A_33 = arith.constant 40 : i32
    %scan3A_34 = arith.addi %scan3A_32, %scan3A_33 : i32
    %scan3A_35 = arith.constant 1 : i32
    scf.for %scan3A_44 = %scan3A_32 to %scan3A_34 step %scan3A_35  : i32 {
      %mul3A_45 = arith.constant 2 : i32
      %mul3A_46 = arith.muli %scan3A_44, %mul3A_45 : i32
      %add3A_47 = arith.constant 1 : i32
      %add3A_48 = arith.addi %mul3A_46, %add3A_47 : i32
      %dma_start3A_49 = arith.constant 0 : i32
      %dma_start3A_50 = tpu.memref_slice %arg5[%add3A_48, %dma_start3A_49] : memref<80x128xi32, #tpu.memory_space<vmem>> -> memref<1x128xi32, #tpu.memory_space<vmem>>
      %dma_start3A_51 = tpu.memref_squeeze %dma_start3A_50 : memref<1x128xi32, #tpu.memory_space<vmem>> -> memref<128xi32, #tpu.memory_space<vmem>>
      %dma_start3A_52 = arith.constant 0 : i32
      %dma_start3A_53 = arith.constant 0 : i32
      %dma_start3A_54 = tpu.memref_slice %arg4[%dma_start3A_52, %dma_start3A_53] : memref<10008x16xf32, #tpu.memory_space<vmem_shared>> -> memref<10008x16xf32, #tpu.memory_space<vmem_shared>>
      tpu.enqueue_indirect_dma source(%arg6 : memref<128x16xf32, #tpu.memory_space<vmem>>) target(%dma_start3A_54 : memref<10008x16xf32, #tpu.memory_space<vmem_shared>>) offsets(%dma_start3A_51 : memref<128xi32, #tpu.memory_space<vmem>>) semaphore(%arg9 : memref<!tpu.dma_semaphore, #tpu.memory_space<semaphore_mem>>) {add = true}
      %dma_wait3A = arith.constant 0 : i32
      %dma_wait3A_55 = arith.constant 0 : i32
      %dma_wait3A_56 = tpu.memref_slice %arg3[%dma_wait3A, %dma_wait3A_55] : memref<20000x16xf32, #tpu.memory_space<hbm>> -> memref<128x16xf32, #tpu.memory_space<hbm>>
      %dma_wait3A_57 = arith.constant 0 : i32
      %dma_wait3A_58 = arith.constant 0 : i32
      %dma_wait3A_59 = tpu.memref_slice %arg3[%dma_wait3A_57, %dma_wait3A_58] : memref<20000x16xf32, #tpu.memory_space<hbm>> -> memref<128x16xf32, #tpu.memory_space<hbm>>
      tpu.wait_dma2 semaphore(%arg8 : memref<!tpu.dma_semaphore, #tpu.memory_space<semaphore_mem>>) src(%dma_wait3A_59 : memref<128x16xf32, #tpu.memory_space<hbm>>) dst(%arg6 : memref<128x16xf32, #tpu.memory_space<vmem>>)
      %lt3A = arith.constant 39 : i32
      %lt3A_60 = arith.cmpi slt, %scan3A_44, %lt3A : i32
      %convert_element_type3A = arith.extui %lt3A_60 : i1 to i32
      %cond3A = arith.constant 0 : i32
      %cond3A_61 = arith.cmpi ne, %convert_element_type3A, %cond3A : i32
      scf.if %cond3A_61 {
        %add3A_68 = arith.constant 2 : i32
        %add3A_69 = arith.addi %mul3A_46, %add3A_68 : i32
        %dma_start3A_70 = arith.constant 0 : i32
        %dma_start3A_71 = tpu.memref_slice %arg5[%add3A_69, %dma_start3A_70] : memref<80x128xi32, #tpu.memory_space<vmem>> -> memref<1x128xi32, #tpu.memory_space<vmem>>
        %dma_start3A_72 = tpu.memref_squeeze %dma_start3A_71 : memref<1x128xi32, #tpu.memory_space<vmem>> -> memref<128xi32, #tpu.memory_space<vmem>>
        %dma_start3A_73 = arith.constant 0 : i32
        %dma_start3A_74 = arith.constant 0 : i32
        %dma_start3A_75 = tpu.memref_slice %arg4[%dma_start3A_73, %dma_start3A_74] : memref<10008x16xf32, #tpu.memory_space<vmem_shared>> -> memref<10008x16xf32, #tpu.memory_space<vmem_shared>>
        tpu.enqueue_indirect_dma source(%arg6 : memref<128x16xf32, #tpu.memory_space<vmem>>) target(%dma_start3A_75 : memref<10008x16xf32, #tpu.memory_space<vmem_shared>>) offsets(%dma_start3A_72 : memref<128xi32, #tpu.memory_space<vmem>>) semaphore(%arg8 : memref<!tpu.dma_semaphore, #tpu.memory_space<semaphore_mem>>) {add = true}
      } else {
      }
      %dma_wait3A_62 = arith.constant 0 : i32
      %dma_wait3A_63 = arith.constant 0 : i32
      %dma_wait3A_64 = tpu.memref_slice %arg3[%dma_wait3A_62, %dma_wait3A_63] : memref<20000x16xf32, #tpu.memory_space<hbm>> -> memref<128x16xf32, #tpu.memory_space<hbm>>
      %dma_wait3A_65 = arith.constant 0 : i32
      %dma_wait3A_66 = arith.constant 0 : i32
      %dma_wait3A_67 = tpu.memref_slice %arg3[%dma_wait3A_65, %dma_wait3A_66] : memref<20000x16xf32, #tpu.memory_space<hbm>> -> memref<128x16xf32, #tpu.memory_space<hbm>>
      tpu.wait_dma2 semaphore(%arg9 : memref<!tpu.dma_semaphore, #tpu.memory_space<semaphore_mem>>) src(%dma_wait3A_67 : memref<128x16xf32, #tpu.memory_space<hbm>>) dst(%arg6 : memref<128x16xf32, #tpu.memory_space<vmem>>)
    }
    %scan3A_36 = arith.constant 40 : i32
    %barrier3A_37 = arith.constant 0 : index
    tpu.barrier barrier_id(%barrier3A_37)
    %scan3A_38 = arith.constant 0 : i32
    %scan3A_39 = arith.constant 0 : i32
    %scan3A_40 = arith.constant 8 : i32
    %scan3A_41 = arith.addi %scan3A_39, %scan3A_40 : i32
    %scan3A_42 = arith.constant 1 : i32
    scf.for %scan3A_44 = %scan3A_39 to %scan3A_41 step %scan3A_42  : i32 {
      %mul3A_45 = arith.constant 16 : i32
      %mul3A_46 = arith.muli %scan3A_44, %mul3A_45 : i32
      %add3A_47 = arith.addi %mul3A_46, %arg1 : i32
      %lt3A = arith.constant 125 : i32
      %lt3A_48 = arith.cmpi slt, %add3A_47, %lt3A : i32
      %convert_element_type3A = arith.extui %lt3A_48 : i1 to i32
      %cond3A = arith.constant 0 : i32
      %cond3A_49 = arith.cmpi ne, %convert_element_type3A, %cond3A : i32
      scf.if %cond3A_49 {
        %mul3A_50 = arith.constant 80 : i32
        %mul3A_51 = arith.muli %add3A_47, %mul3A_50 : i32
        %multiple_of3A_52 = tpu.assume_multiple %mul3A_51, 80 : i32
        "tpu.region"() ({
          %run_scoped3A = tpu.sem_alloc : memref<!tpu.dma_semaphore, #tpu.memory_space<semaphore_mem>>
          %dma_start3A_54 = arith.constant 0 : i32
          %dma_start3A_55 = tpu.memref_slice %arg4[%multiple_of3A_52, %dma_start3A_54] : memref<10008x16xf32, #tpu.memory_space<vmem_shared>> -> memref<80x16xf32, #tpu.memory_space<vmem_shared>>
          %dma_start3A_56 = arith.constant 0 : i32
          %dma_start3A_57 = tpu.memref_slice %arg4[%multiple_of3A_52, %dma_start3A_56] : memref<10008x16xf32, #tpu.memory_space<vmem_shared>> -> memref<80x16xf32, #tpu.memory_space<vmem_shared>>
          tpu.enqueue_dma source(%dma_start3A_57 : memref<80x16xf32, #tpu.memory_space<vmem_shared>>) target(%arg7 : memref<80x16xf32, #tpu.memory_space<vmem>>) target_semaphore(%run_scoped3A : memref<!tpu.dma_semaphore, #tpu.memory_space<semaphore_mem>>)
          %dma_wait3A = arith.constant 0 : i32
          %dma_wait3A_58 = tpu.memref_slice %arg4[%multiple_of3A_52, %dma_wait3A] : memref<10008x16xf32, #tpu.memory_space<vmem_shared>> -> memref<80x16xf32, #tpu.memory_space<vmem_shared>>
          %dma_wait3A_59 = arith.constant 0 : i32
          %dma_wait3A_60 = tpu.memref_slice %arg4[%multiple_of3A_52, %dma_wait3A_59] : memref<10008x16xf32, #tpu.memory_space<vmem_shared>> -> memref<80x16xf32, #tpu.memory_space<vmem_shared>>
          tpu.wait_dma2 semaphore(%run_scoped3A : memref<!tpu.dma_semaphore, #tpu.memory_space<semaphore_mem>>) src(%dma_wait3A_60 : memref<80x16xf32, #tpu.memory_space<vmem_shared>>) dst(%arg7 : memref<80x16xf32, #tpu.memory_space<vmem>>)
          tpu.yield
        }) : () -> ()
        %add3A_53 = arith.addi %mul3A_0, %multiple_of3A_52 : i32
        "tpu.region"() ({
          %run_scoped3A = tpu.sem_alloc : memref<!tpu.dma_semaphore, #tpu.memory_space<semaphore_mem>>
          %dma_start3A_54 = arith.constant 0 : i32
          %dma_start3A_55 = tpu.memref_slice %arg3[%add3A_53, %dma_start3A_54] : memref<20000x16xf32, #tpu.memory_space<hbm>> -> memref<80x16xf32, #tpu.memory_space<hbm>>
          %dma_start3A_56 = arith.constant 0 : i32
          %dma_start3A_57 = tpu.memref_slice %arg3[%add3A_53, %dma_start3A_56] : memref<20000x16xf32, #tpu.memory_space<hbm>> -> memref<80x16xf32, #tpu.memory_space<hbm>>
          tpu.enqueue_dma source(%arg7 : memref<80x16xf32, #tpu.memory_space<vmem>>) target(%dma_start3A_57 : memref<80x16xf32, #tpu.memory_space<hbm>>) target_semaphore(%run_scoped3A : memref<!tpu.dma_semaphore, #tpu.memory_space<semaphore_mem>>)
          %dma_wait3A = arith.constant 0 : i32
          %dma_wait3A_58 = tpu.memref_slice %arg3[%add3A_53, %dma_wait3A] : memref<20000x16xf32, #tpu.memory_space<hbm>> -> memref<80x16xf32, #tpu.memory_space<hbm>>
          %dma_wait3A_59 = arith.constant 0 : i32
          %dma_wait3A_60 = tpu.memref_slice %arg3[%add3A_53, %dma_wait3A_59] : memref<20000x16xf32, #tpu.memory_space<hbm>> -> memref<80x16xf32, #tpu.memory_space<hbm>>
          tpu.wait_dma2 semaphore(%run_scoped3A : memref<!tpu.dma_semaphore, #tpu.memory_space<semaphore_mem>>) src(%arg7 : memref<80x16xf32, #tpu.memory_space<vmem>>) dst(%dma_wait3A_60 : memref<80x16xf32, #tpu.memory_space<hbm>>)
          tpu.yield
        }) : () -> ()
      } else {
      }
    }
    %scan3A_43 = arith.constant 8 : i32
    return
  }
}

#map = affine_map<(d0, d1) -> (0, 0)>
#map1 = affine_map<(d0, d1) -> (0)>
module attributes {stable_mosaic.version = 14 : i64} {
  func.func @_segsum_body(%arg0: i32, %arg1: i32, %arg2: memref<20000x128xf32, #tpu.memory_space<hbm>>, %arg3: memref<320000xi32, #tpu.memory_space<hbm>>, %arg4: memref<160000xi32, #tpu.memory_space<hbm>>, %arg5: memref<20000x128xf32, #tpu.memory_space<hbm>>, %arg6: memref<10000x128xf32, #tpu.memory_space<vmem_shared>>, %arg7: memref<128xi32, #tpu.memory_space<vmem>>, %arg8: memref<128xi32, #tpu.memory_space<vmem>>, %arg9: memref<128x128xf32, #tpu.memory_space<vmem>>, %arg10: memref<128xi32, #tpu.memory_space<vmem>>, %arg11: memref<128xi32, #tpu.memory_space<vmem>>, %arg12: memref<128x128xf32, #tpu.memory_space<vmem>>, %arg13: memref<80x128xf32, #tpu.memory_space<vmem>>, %arg14: memref<!tpu.dma_semaphore, #tpu.memory_space<semaphore_mem>>, %arg15: memref<!tpu.dma_semaphore, #tpu.memory_space<semaphore_mem>>, %arg16: memref<!tpu.dma_semaphore, #tpu.memory_space<semaphore_mem>>) attributes {dimension_semantics = [#tpu.dimension_semantics<core_parallel>, #tpu.dimension_semantics<subcore_parallel>], iteration_bounds = array<i64: 2, 16>, scalar_prefetch = 0 : i64, scratch_operands = 11 : i64, tpu.core_type = #tpu.core_type<sc_vector_subcore>, window_params = [{transform_indices = #map}, {transform_indices = #map1}, {transform_indices = #map1}, {transform_indices = #map}]} {
    %mul3A = arith.constant 10000 : i32
    %mul3A_0 = arith.muli %arg0, %mul3A : i32
    %broadcast_in_dim3A = arith.constant 0.000000e+00 : f32
    %broadcast_in_dim3A_1 = vector.broadcast %broadcast_in_dim3A : f32 to vector<16xf32>
    %scan3A = arith.constant 0 : i32
    %scan3A_2 = arith.constant 0 : i32
    %scan3A_3 = arith.constant 80 : i32
    %scan3A_4 = arith.addi %scan3A_2, %scan3A_3 : i32
    %scan3A_5 = arith.constant 1 : i32
    scf.for %scan3A_89 = %scan3A_2 to %scan3A_4 step %scan3A_5  : i32 {
      %swap3A_90 = arith.index_cast %scan3A_89 : i32 to index
      %swap3A_91 = arith.constant 0 : index
      %swap3A_92 = tpu.vector_load %arg13[%swap3A_90, %swap3A_91] {strides = array<i32>} : memref<80x128xf32, #tpu.memory_space<vmem>>, vector<1x16xf32>,
      %swap3A_93 = vector.shape_cast %swap3A_92 : vector<1x16xf32> to vector<16xf32>
      %swap3A_94 = vector.shape_cast %broadcast_in_dim3A_1 : vector<16xf32> to vector<1x16xf32>
      tpu.vector_store %arg13[%swap3A_90, %swap3A_91], %swap3A_94 {strides = array<i32>} : memref<80x128xf32, #tpu.memory_space<vmem>>, vector<1x16xf32>,
      %swap3A_95 = arith.index_cast %scan3A_89 : i32 to index
      %swap3A_96 = arith.constant 16 : index
      %swap3A_97 = tpu.vector_load %arg13[%swap3A_95, %swap3A_96] {strides = array<i32>} : memref<80x128xf32, #tpu.memory_space<vmem>>, vector<1x16xf32>,
      %swap3A_98 = vector.shape_cast %swap3A_97 : vector<1x16xf32> to vector<16xf32>
      %swap3A_99 = vector.shape_cast %broadcast_in_dim3A_1 : vector<16xf32> to vector<1x16xf32>
      tpu.vector_store %arg13[%swap3A_95, %swap3A_96], %swap3A_99 {strides = array<i32>} : memref<80x128xf32, #tpu.memory_space<vmem>>, vector<1x16xf32>,
      %swap3A_100 = arith.index_cast %scan3A_89 : i32 to index
      %swap3A_101 = arith.constant 32 : index
      %swap3A_102 = tpu.vector_load %arg13[%swap3A_100, %swap3A_101] {strides = array<i32>} : memref<80x128xf32, #tpu.memory_space<vmem>>, vector<1x16xf32>,
      %swap3A_103 = vector.shape_cast %swap3A_102 : vector<1x16xf32> to vector<16xf32>
      %swap3A_104 = vector.shape_cast %broadcast_in_dim3A_1 : vector<16xf32> to vector<1x16xf32>
      tpu.vector_store %arg13[%swap3A_100, %swap3A_101], %swap3A_104 {strides = array<i32>} : memref<80x128xf32, #tpu.memory_space<vmem>>, vector<1x16xf32>,
      %swap3A_105 = arith.index_cast %scan3A_89 : i32 to index
      %swap3A_106 = arith.constant 48 : index
      %swap3A_107 = tpu.vector_load %arg13[%swap3A_105, %swap3A_106] {strides = array<i32>} : memref<80x128xf32, #tpu.memory_space<vmem>>, vector<1x16xf32>,
      %swap3A_108 = vector.shape_cast %swap3A_107 : vector<1x16xf32> to vector<16xf32>
      %swap3A_109 = vector.shape_cast %broadcast_in_dim3A_1 : vector<16xf32> to vector<1x16xf32>
      tpu.vector_store %arg13[%swap3A_105, %swap3A_106], %swap3A_109 {strides = array<i32>} : memref<80x128xf32, #tpu.memory_space<vmem>>, vector<1x16xf32>,
      %swap3A_110 = arith.index_cast %scan3A_89 : i32 to index
      %swap3A_111 = arith.constant 64 : index
      %swap3A_112 = tpu.vector_load %arg13[%swap3A_110, %swap3A_111] {strides = array<i32>} : memref<80x128xf32, #tpu.memory_space<vmem>>, vector<1x16xf32>,
      %swap3A_113 = vector.shape_cast %swap3A_112 : vector<1x16xf32> to vector<16xf32>
      %swap3A_114 = vector.shape_cast %broadcast_in_dim3A_1 : vector<16xf32> to vector<1x16xf32>
      tpu.vector_store %arg13[%swap3A_110, %swap3A_111], %swap3A_114 {strides = array<i32>} : memref<80x128xf32, #tpu.memory_space<vmem>>, vector<1x16xf32>,
      %swap3A_115 = arith.index_cast %scan3A_89 : i32 to index
      %swap3A_116 = arith.constant 80 : index
      %swap3A_117 = tpu.vector_load %arg13[%swap3A_115, %swap3A_116] {strides = array<i32>} : memref<80x128xf32, #tpu.memory_space<vmem>>, vector<1x16xf32>,
      %swap3A_118 = vector.shape_cast %swap3A_117 : vector<1x16xf32> to vector<16xf32>
      %swap3A_119 = vector.shape_cast %broadcast_in_dim3A_1 : vector<16xf32> to vector<1x16xf32>
      tpu.vector_store %arg13[%swap3A_115, %swap3A_116], %swap3A_119 {strides = array<i32>} : memref<80x128xf32, #tpu.memory_space<vmem>>, vector<1x16xf32>,
      %swap3A_120 = arith.index_cast %scan3A_89 : i32 to index
      %swap3A_121 = arith.constant 96 : index
      %swap3A_122 = tpu.vector_load %arg13[%swap3A_120, %swap3A_121] {strides = array<i32>} : memref<80x128xf32, #tpu.memory_space<vmem>>, vector<1x16xf32>,
      %swap3A_123 = vector.shape_cast %swap3A_122 : vector<1x16xf32> to vector<16xf32>
      %swap3A_124 = vector.shape_cast %broadcast_in_dim3A_1 : vector<16xf32> to vector<1x16xf32>
      tpu.vector_store %arg13[%swap3A_120, %swap3A_121], %swap3A_124 {strides = array<i32>} : memref<80x128xf32, #tpu.memory_space<vmem>>, vector<1x16xf32>,
      %swap3A_125 = arith.index_cast %scan3A_89 : i32 to index
      %swap3A_126 = arith.constant 112 : index
      %swap3A_127 = tpu.vector_load %arg13[%swap3A_125, %swap3A_126] {strides = array<i32>} : memref<80x128xf32, #tpu.memory_space<vmem>>, vector<1x16xf32>,
      %swap3A_128 = vector.shape_cast %swap3A_127 : vector<1x16xf32> to vector<16xf32>
      %swap3A_129 = vector.shape_cast %broadcast_in_dim3A_1 : vector<16xf32> to vector<1x16xf32>
      tpu.vector_store %arg13[%swap3A_125, %swap3A_126], %swap3A_129 {strides = array<i32>} : memref<80x128xf32, #tpu.memory_space<vmem>>, vector<1x16xf32>,
    }
    %scan3A_6 = arith.constant 80 : i32
    %scan3A_7 = arith.constant 0 : i32
    %scan3A_8 = arith.constant 0 : i32
    %scan3A_9 = arith.constant 8 : i32
    %scan3A_10 = arith.addi %scan3A_8, %scan3A_9 : i32
    %scan3A_11 = arith.constant 1 : i32
    scf.for %scan3A_89 = %scan3A_8 to %scan3A_10 step %scan3A_11  : i32 {
      %mul3A_90 = arith.constant 16 : i32
      %mul3A_91 = arith.muli %scan3A_89, %mul3A_90 : i32
      %add3A_92 = arith.addi %mul3A_91, %arg1 : i32
      %lt3A_93 = arith.constant 125 : i32
      %lt3A_94 = arith.cmpi slt, %add3A_92, %lt3A_93 : i32
      %convert_element_type3A_95 = arith.extui %lt3A_94 : i1 to i32
      %cond3A_96 = arith.constant 0 : i32
      %cond3A_97 = arith.cmpi ne, %convert_element_type3A_95, %cond3A_96 : i32
      scf.if %cond3A_97 {
        %mul3A_98 = arith.constant 80 : i32
        %mul3A_99 = arith.muli %add3A_92, %mul3A_98 : i32
        %multiple_of3A = tpu.assume_multiple %mul3A_99, 80 : i32
        "tpu.region"() ({
          %run_scoped3A = tpu.sem_alloc : memref<!tpu.dma_semaphore, #tpu.memory_space<semaphore_mem>>
          %dma_start3A_100 = arith.constant 0 : i32
          %dma_start3A_101 = tpu.memref_slice %arg6[%multiple_of3A, %dma_start3A_100] : memref<10000x128xf32, #tpu.memory_space<vmem_shared>> -> memref<80x128xf32, #tpu.memory_space<vmem_shared>>
          %dma_start3A_102 = arith.constant 0 : i32
          %dma_start3A_103 = tpu.memref_slice %arg6[%multiple_of3A, %dma_start3A_102] : memref<10000x128xf32, #tpu.memory_space<vmem_shared>> -> memref<80x128xf32, #tpu.memory_space<vmem_shared>>
          tpu.enqueue_dma source(%arg13 : memref<80x128xf32, #tpu.memory_space<vmem>>) target(%dma_start3A_103 : memref<80x128xf32, #tpu.memory_space<vmem_shared>>) target_semaphore(%run_scoped3A : memref<!tpu.dma_semaphore, #tpu.memory_space<semaphore_mem>>)
          %dma_wait3A_104 = arith.constant 0 : i32
          %dma_wait3A_105 = tpu.memref_slice %arg6[%multiple_of3A, %dma_wait3A_104] : memref<10000x128xf32, #tpu.memory_space<vmem_shared>> -> memref<80x128xf32, #tpu.memory_space<vmem_shared>>
          %dma_wait3A_106 = arith.constant 0 : i32
          %dma_wait3A_107 = tpu.memref_slice %arg6[%multiple_of3A, %dma_wait3A_106] : memref<10000x128xf32, #tpu.memory_space<vmem_shared>> -> memref<80x128xf32, #tpu.memory_space<vmem_shared>>
          tpu.wait_dma2 semaphore(%run_scoped3A : memref<!tpu.dma_semaphore, #tpu.memory_space<semaphore_mem>>) src(%arg13 : memref<80x128xf32, #tpu.memory_space<vmem>>) dst(%dma_wait3A_107 : memref<80x128xf32, #tpu.memory_space<vmem_shared>>)
          tpu.yield
        }) : () -> ()
      } else {
      }
    }
    %scan3A_12 = arith.constant 8 : i32
    %barrier3A = arith.constant 0 : index
    tpu.barrier barrier_id(%barrier3A)
    %scan3A_13 = arith.constant 0 : i32
    %scan3A_14 = arith.constant 0 : i32
    %scan3A_15 = arith.constant 128 : i32
    %scan3A_16 = arith.addi %scan3A_14, %scan3A_15 : i32
    %scan3A_17 = arith.constant 1 : i32
    scf.for %scan3A_89 = %scan3A_14 to %scan3A_16 step %scan3A_17  : i32 {
      %broadcast_in_dim3A_90 = arith.constant 0.000000e+00 : f32
      %broadcast_in_dim3A_91 = vector.broadcast %broadcast_in_dim3A_90 : f32 to vector<16xf32>
      %swap3A_92 = arith.index_cast %scan3A_89 : i32 to index
      %swap3A_93 = arith.constant 0 : index
      %swap3A_94 = tpu.vector_load %arg12[%swap3A_92, %swap3A_93] {strides = array<i32>} : memref<128x128xf32, #tpu.memory_space<vmem>>, vector<1x16xf32>,
      %swap3A_95 = vector.shape_cast %swap3A_94 : vector<1x16xf32> to vector<16xf32>
      %swap3A_96 = vector.shape_cast %broadcast_in_dim3A_91 : vector<16xf32> to vector<1x16xf32>
      tpu.vector_store %arg12[%swap3A_92, %swap3A_93], %swap3A_96 {strides = array<i32>} : memref<128x128xf32, #tpu.memory_space<vmem>>, vector<1x16xf32>,
      %broadcast_in_dim3A_97 = arith.constant 0.000000e+00 : f32
      %broadcast_in_dim3A_98 = vector.broadcast %broadcast_in_dim3A_97 : f32 to vector<16xf32>
      %swap3A_99 = arith.index_cast %scan3A_89 : i32 to index
      %swap3A_100 = arith.constant 16 : index
      %swap3A_101 = tpu.vector_load %arg12[%swap3A_99, %swap3A_100] {strides = array<i32>} : memref<128x128xf32, #tpu.memory_space<vmem>>, vector<1x16xf32>,
      %swap3A_102 = vector.shape_cast %swap3A_101 : vector<1x16xf32> to vector<16xf32>
      %swap3A_103 = vector.shape_cast %broadcast_in_dim3A_98 : vector<16xf32> to vector<1x16xf32>
      tpu.vector_store %arg12[%swap3A_99, %swap3A_100], %swap3A_103 {strides = array<i32>} : memref<128x128xf32, #tpu.memory_space<vmem>>, vector<1x16xf32>,
      %broadcast_in_dim3A_104 = arith.constant 0.000000e+00 : f32
      %broadcast_in_dim3A_105 = vector.broadcast %broadcast_in_dim3A_104 : f32 to vector<16xf32>
      %swap3A_106 = arith.index_cast %scan3A_89 : i32 to index
      %swap3A_107 = arith.constant 32 : index
      %swap3A_108 = tpu.vector_load %arg12[%swap3A_106, %swap3A_107] {strides = array<i32>} : memref<128x128xf32, #tpu.memory_space<vmem>>, vector<1x16xf32>,
      %swap3A_109 = vector.shape_cast %swap3A_108 : vector<1x16xf32> to vector<16xf32>
      %swap3A_110 = vector.shape_cast %broadcast_in_dim3A_105 : vector<16xf32> to vector<1x16xf32>
      tpu.vector_store %arg12[%swap3A_106, %swap3A_107], %swap3A_110 {strides = array<i32>} : memref<128x128xf32, #tpu.memory_space<vmem>>, vector<1x16xf32>,
      %broadcast_in_dim3A_111 = arith.constant 0.000000e+00 : f32
      %broadcast_in_dim3A_112 = vector.broadcast %broadcast_in_dim3A_111 : f32 to vector<16xf32>
      %swap3A_113 = arith.index_cast %scan3A_89 : i32 to index
      %swap3A_114 = arith.constant 48 : index
      %swap3A_115 = tpu.vector_load %arg12[%swap3A_113, %swap3A_114] {strides = array<i32>} : memref<128x128xf32, #tpu.memory_space<vmem>>, vector<1x16xf32>,
      %swap3A_116 = vector.shape_cast %swap3A_115 : vector<1x16xf32> to vector<16xf32>
      %swap3A_117 = vector.shape_cast %broadcast_in_dim3A_112 : vector<16xf32> to vector<1x16xf32>
      tpu.vector_store %arg12[%swap3A_113, %swap3A_114], %swap3A_117 {strides = array<i32>} : memref<128x128xf32, #tpu.memory_space<vmem>>, vector<1x16xf32>,
      %broadcast_in_dim3A_118 = arith.constant 0.000000e+00 : f32
      %broadcast_in_dim3A_119 = vector.broadcast %broadcast_in_dim3A_118 : f32 to vector<16xf32>
      %swap3A_120 = arith.index_cast %scan3A_89 : i32 to index
      %swap3A_121 = arith.constant 64 : index
      %swap3A_122 = tpu.vector_load %arg12[%swap3A_120, %swap3A_121] {strides = array<i32>} : memref<128x128xf32, #tpu.memory_space<vmem>>, vector<1x16xf32>,
      %swap3A_123 = vector.shape_cast %swap3A_122 : vector<1x16xf32> to vector<16xf32>
      %swap3A_124 = vector.shape_cast %broadcast_in_dim3A_119 : vector<16xf32> to vector<1x16xf32>
      tpu.vector_store %arg12[%swap3A_120, %swap3A_121], %swap3A_124 {strides = array<i32>} : memref<128x128xf32, #tpu.memory_space<vmem>>, vector<1x16xf32>,
      %broadcast_in_dim3A_125 = arith.constant 0.000000e+00 : f32
      %broadcast_in_dim3A_126 = vector.broadcast %broadcast_in_dim3A_125 : f32 to vector<16xf32>
      %swap3A_127 = arith.index_cast %scan3A_89 : i32 to index
      %swap3A_128 = arith.constant 80 : index
      %swap3A_129 = tpu.vector_load %arg12[%swap3A_127, %swap3A_128] {strides = array<i32>} : memref<128x128xf32, #tpu.memory_space<vmem>>, vector<1x16xf32>,
      %swap3A_130 = vector.shape_cast %swap3A_129 : vector<1x16xf32> to vector<16xf32>
      %swap3A_131 = vector.shape_cast %broadcast_in_dim3A_126 : vector<16xf32> to vector<1x16xf32>
      tpu.vector_store %arg12[%swap3A_127, %swap3A_128], %swap3A_131 {strides = array<i32>} : memref<128x128xf32, #tpu.memory_space<vmem>>, vector<1x16xf32>,
      %broadcast_in_dim3A_132 = arith.constant 0.000000e+00 : f32
      %broadcast_in_dim3A_133 = vector.broadcast %broadcast_in_dim3A_132 : f32 to vector<16xf32>
      %swap3A_134 = arith.index_cast %scan3A_89 : i32 to index
      %swap3A_135 = arith.constant 96 : index
      %swap3A_136 = tpu.vector_load %arg12[%swap3A_134, %swap3A_135] {strides = array<i32>} : memref<128x128xf32, #tpu.memory_space<vmem>>, vector<1x16xf32>,
      %swap3A_137 = vector.shape_cast %swap3A_136 : vector<1x16xf32> to vector<16xf32>
      %swap3A_138 = vector.shape_cast %broadcast_in_dim3A_133 : vector<16xf32> to vector<1x16xf32>
      tpu.vector_store %arg12[%swap3A_134, %swap3A_135], %swap3A_138 {strides = array<i32>} : memref<128x128xf32, #tpu.memory_space<vmem>>, vector<1x16xf32>,
      %broadcast_in_dim3A_139 = arith.constant 0.000000e+00 : f32
      %broadcast_in_dim3A_140 = vector.broadcast %broadcast_in_dim3A_139 : f32 to vector<16xf32>
      %swap3A_141 = arith.index_cast %scan3A_89 : i32 to index
      %swap3A_142 = arith.constant 112 : index
      %swap3A_143 = tpu.vector_load %arg12[%swap3A_141, %swap3A_142] {strides = array<i32>} : memref<128x128xf32, #tpu.memory_space<vmem>>, vector<1x16xf32>,
      %swap3A_144 = vector.shape_cast %swap3A_143 : vector<1x16xf32> to vector<16xf32>
      %swap3A_145 = vector.shape_cast %broadcast_in_dim3A_140 : vector<16xf32> to vector<1x16xf32>
      tpu.vector_store %arg12[%swap3A_141, %swap3A_142], %swap3A_145 {strides = array<i32>} : memref<128x128xf32, #tpu.memory_space<vmem>>, vector<1x16xf32>,
    }
    %scan3A_18 = arith.constant 128 : i32
    %broadcast_in_dim3A_19 = arith.constant 0 : i32
    %broadcast_in_dim3A_20 = vector.broadcast %broadcast_in_dim3A_19 : i32 to vector<16xi32>
    %swap3A = arith.constant 0 : index
    %swap3A_21 = tpu.vector_load %arg11[%swap3A] {strides = array<i32>} : memref<128xi32, #tpu.memory_space<vmem>>, vector<16xi32>,
    %swap3A_22 = vector.shape_cast %swap3A_21 : vector<16xi32> to vector<16xi32>
    %swap3A_23 = vector.shape_cast %broadcast_in_dim3A_20 : vector<16xi32> to vector<16xi32>
    tpu.vector_store %arg11[%swap3A], %swap3A_23 {strides = array<i32>} : memref<128xi32, #tpu.memory_space<vmem>>, vector<16xi32>,
    %broadcast_in_dim3A_24 = arith.constant 0 : i32
    %broadcast_in_dim3A_25 = vector.broadcast %broadcast_in_dim3A_24 : i32 to vector<16xi32>
    %swap3A_26 = arith.constant 16 : index
    %swap3A_27 = tpu.vector_load %arg11[%swap3A_26] {strides = array<i32>} : memref<128xi32, #tpu.memory_space<vmem>>, vector<16xi32>,
    %swap3A_28 = vector.shape_cast %swap3A_27 : vector<16xi32> to vector<16xi32>
    %swap3A_29 = vector.shape_cast %broadcast_in_dim3A_25 : vector<16xi32> to vector<16xi32>
    tpu.vector_store %arg11[%swap3A_26], %swap3A_29 {strides = array<i32>} : memref<128xi32, #tpu.memory_space<vmem>>, vector<16xi32>,
    %broadcast_in_dim3A_30 = arith.constant 0 : i32
    %broadcast_in_dim3A_31 = vector.broadcast %broadcast_in_dim3A_30 : i32 to vector<16xi32>
    %swap3A_32 = arith.constant 32 : index
    %swap3A_33 = tpu.vector_load %arg11[%swap3A_32] {strides = array<i32>} : memref<128xi32, #tpu.memory_space<vmem>>, vector<16xi32>,
    %swap3A_34 = vector.shape_cast %swap3A_33 : vector<16xi32> to vector<16xi32>
    %swap3A_35 = vector.shape_cast %broadcast_in_dim3A_31 : vector<16xi32> to vector<16xi32>
    tpu.vector_store %arg11[%swap3A_32], %swap3A_35 {strides = array<i32>} : memref<128xi32, #tpu.memory_space<vmem>>, vector<16xi32>,
    %broadcast_in_dim3A_36 = arith.constant 0 : i32
    %broadcast_in_dim3A_37 = vector.broadcast %broadcast_in_dim3A_36 : i32 to vector<16xi32>
    %swap3A_38 = arith.constant 48 : index
    %swap3A_39 = tpu.vector_load %arg11[%swap3A_38] {strides = array<i32>} : memref<128xi32, #tpu.memory_space<vmem>>, vector<16xi32>,
    %swap3A_40 = vector.shape_cast %swap3A_39 : vector<16xi32> to vector<16xi32>
    %swap3A_41 = vector.shape_cast %broadcast_in_dim3A_37 : vector<16xi32> to vector<16xi32>
    tpu.vector_store %arg11[%swap3A_38], %swap3A_41 {strides = array<i32>} : memref<128xi32, #tpu.memory_space<vmem>>, vector<16xi32>,
    %broadcast_in_dim3A_42 = arith.constant 0 : i32
    %broadcast_in_dim3A_43 = vector.broadcast %broadcast_in_dim3A_42 : i32 to vector<16xi32>
    %swap3A_44 = arith.constant 64 : index
    %swap3A_45 = tpu.vector_load %arg11[%swap3A_44] {strides = array<i32>} : memref<128xi32, #tpu.memory_space<vmem>>, vector<16xi32>,
    %swap3A_46 = vector.shape_cast %swap3A_45 : vector<16xi32> to vector<16xi32>
    %swap3A_47 = vector.shape_cast %broadcast_in_dim3A_43 : vector<16xi32> to vector<16xi32>
    tpu.vector_store %arg11[%swap3A_44], %swap3A_47 {strides = array<i32>} : memref<128xi32, #tpu.memory_space<vmem>>, vector<16xi32>,
    %broadcast_in_dim3A_48 = arith.constant 0 : i32
    %broadcast_in_dim3A_49 = vector.broadcast %broadcast_in_dim3A_48 : i32 to vector<16xi32>
    %swap3A_50 = arith.constant 80 : index
    %swap3A_51 = tpu.vector_load %arg11[%swap3A_50] {strides = array<i32>} : memref<128xi32, #tpu.memory_space<vmem>>, vector<16xi32>,
    %swap3A_52 = vector.shape_cast %swap3A_51 : vector<16xi32> to vector<16xi32>
    %swap3A_53 = vector.shape_cast %broadcast_in_dim3A_49 : vector<16xi32> to vector<16xi32>
    tpu.vector_store %arg11[%swap3A_50], %swap3A_53 {strides = array<i32>} : memref<128xi32, #tpu.memory_space<vmem>>, vector<16xi32>,
    %broadcast_in_dim3A_54 = arith.constant 0 : i32
    %broadcast_in_dim3A_55 = vector.broadcast %broadcast_in_dim3A_54 : i32 to vector<16xi32>
    %swap3A_56 = arith.constant 96 : index
    %swap3A_57 = tpu.vector_load %arg11[%swap3A_56] {strides = array<i32>} : memref<128xi32, #tpu.memory_space<vmem>>, vector<16xi32>,
    %swap3A_58 = vector.shape_cast %swap3A_57 : vector<16xi32> to vector<16xi32>
    %swap3A_59 = vector.shape_cast %broadcast_in_dim3A_55 : vector<16xi32> to vector<16xi32>
    tpu.vector_store %arg11[%swap3A_56], %swap3A_59 {strides = array<i32>} : memref<128xi32, #tpu.memory_space<vmem>>, vector<16xi32>,
    %broadcast_in_dim3A_60 = arith.constant 0 : i32
    %broadcast_in_dim3A_61 = vector.broadcast %broadcast_in_dim3A_60 : i32 to vector<16xi32>
    %swap3A_62 = arith.constant 112 : index
    %swap3A_63 = tpu.vector_load %arg11[%swap3A_62] {strides = array<i32>} : memref<128xi32, #tpu.memory_space<vmem>>, vector<16xi32>,
    %swap3A_64 = vector.shape_cast %swap3A_63 : vector<16xi32> to vector<16xi32>
    %swap3A_65 = vector.shape_cast %broadcast_in_dim3A_61 : vector<16xi32> to vector<16xi32>
    tpu.vector_store %arg11[%swap3A_62], %swap3A_65 {strides = array<i32>} : memref<128xi32, #tpu.memory_space<vmem>>, vector<16xi32>,
    %dma_start3A = arith.constant 0 : i32
    %dma_start3A_66 = arith.constant 0 : i32
    %dma_start3A_67 = tpu.memref_slice %arg6[%dma_start3A, %dma_start3A_66] : memref<10000x128xf32, #tpu.memory_space<vmem_shared>> -> memref<10000x128xf32, #tpu.memory_space<vmem_shared>>
    tpu.enqueue_indirect_dma source(%arg12 : memref<128x128xf32, #tpu.memory_space<vmem>>) target(%dma_start3A_67 : memref<10000x128xf32, #tpu.memory_space<vmem_shared>>) offsets(%arg11 : memref<128xi32, #tpu.memory_space<vmem>>) semaphore(%arg16 : memref<!tpu.dma_semaphore, #tpu.memory_space<semaphore_mem>>) {add = true}
    %scan3A_68 = arith.constant 0 : i32
    %scan3A_69 = arith.constant 0 : i32
    %scan3A_70 = arith.constant 39 : i32
    %scan3A_71 = arith.addi %scan3A_69, %scan3A_70 : i32
    %scan3A_72 = arith.constant 1 : i32
    scf.for %scan3A_89 = %scan3A_69 to %scan3A_71 step %scan3A_72  : i32 {
      %mul3A_90 = arith.constant 2 : i32
      %mul3A_91 = arith.muli %mul3A_90, %scan3A_89 : i32
      %mul3A_92 = arith.constant 16 : i32
      %mul3A_93 = arith.muli %mul3A_91, %mul3A_92 : i32
      %add3A_94 = arith.addi %mul3A_93, %arg1 : i32
      %mul3A_95 = arith.constant 128 : i32
      %mul3A_96 = arith.muli %add3A_94, %mul3A_95 : i32
      %multiple_of3A = tpu.assume_multiple %mul3A_96, 128 : i32
      %mul3A_97 = arith.constant 160000 : i32
      %mul3A_98 = arith.muli %arg0, %mul3A_97 : i32
      %add3A_99 = arith.addi %mul3A_98, %multiple_of3A : i32
      "tpu.region"() ({
        %run_scoped3A = tpu.sem_alloc : memref<!tpu.dma_semaphore, #tpu.memory_space<semaphore_mem>>
        %dma_start3A_134 = tpu.memref_slice %arg3[%add3A_99] : memref<320000xi32, #tpu.memory_space<hbm>> -> memref<128xi32, #tpu.memory_space<hbm>>
        %dma_start3A_135 = tpu.memref_slice %arg3[%add3A_99] : memref<320000xi32, #tpu.memory_space<hbm>> -> memref<128xi32, #tpu.memory_space<hbm>>
        tpu.enqueue_dma source(%dma_start3A_135 : memref<128xi32, #tpu.memory_space<hbm>>) target(%arg7 : memref<128xi32, #tpu.memory_space<vmem>>) target_semaphore(%run_scoped3A : memref<!tpu.dma_semaphore, #tpu.memory_space<semaphore_mem>>)
        %dma_wait3A_136 = tpu.memref_slice %arg3[%add3A_99] : memref<320000xi32, #tpu.memory_space<hbm>> -> memref<128xi32, #tpu.memory_space<hbm>>
        %dma_wait3A_137 = tpu.memref_slice %arg3[%add3A_99] : memref<320000xi32, #tpu.memory_space<hbm>> -> memref<128xi32, #tpu.memory_space<hbm>>
        tpu.wait_dma2 semaphore(%run_scoped3A : memref<!tpu.dma_semaphore, #tpu.memory_space<semaphore_mem>>) src(%dma_wait3A_137 : memref<128xi32, #tpu.memory_space<hbm>>) dst(%arg7 : memref<128xi32, #tpu.memory_space<vmem>>)
        tpu.yield
      }) : () -> ()
      "tpu.region"() ({
        %run_scoped3A = tpu.sem_alloc : memref<!tpu.dma_semaphore, #tpu.memory_space<semaphore_mem>>
        %dma_start3A_134 = tpu.memref_slice %arg4[%multiple_of3A] : memref<160000xi32, #tpu.memory_space<hbm>> -> memref<128xi32, #tpu.memory_space<hbm>>
        %dma_start3A_135 = tpu.memref_slice %arg4[%multiple_of3A] : memref<160000xi32, #tpu.memory_space<hbm>> -> memref<128xi32, #tpu.memory_space<hbm>>
        tpu.enqueue_dma source(%dma_start3A_135 : memref<128xi32, #tpu.memory_space<hbm>>) target(%arg8 : memref<128xi32, #tpu.memory_space<vmem>>) target_semaphore(%run_scoped3A : memref<!tpu.dma_semaphore, #tpu.memory_space<semaphore_mem>>)
        %dma_wait3A_136 = tpu.memref_slice %arg4[%multiple_of3A] : memref<160000xi32, #tpu.memory_space<hbm>> -> memref<128xi32, #tpu.memory_space<hbm>>
        %dma_wait3A_137 = tpu.memref_slice %arg4[%multiple_of3A] : memref<160000xi32, #tpu.memory_space<hbm>> -> memref<128xi32, #tpu.memory_space<hbm>>
        tpu.wait_dma2 semaphore(%run_scoped3A : memref<!tpu.dma_semaphore, #tpu.memory_space<semaphore_mem>>) src(%dma_wait3A_137 : memref<128xi32, #tpu.memory_space<hbm>>) dst(%arg8 : memref<128xi32, #tpu.memory_space<vmem>>)
        tpu.yield
      }) : () -> ()
      %dma_wait3A_100 = arith.constant 0 : i32
      %dma_wait3A_101 = arith.constant 0 : i32
      %dma_wait3A_102 = tpu.memref_slice %arg2[%dma_wait3A_100, %dma_wait3A_101] : memref<20000x128xf32, #tpu.memory_space<hbm>> -> memref<128x128xf32, #tpu.memory_space<hbm>>
      %dma_wait3A_103 = arith.constant 0 : i32
      %dma_wait3A_104 = arith.constant 0 : i32
      %dma_wait3A_105 = tpu.memref_slice %arg2[%dma_wait3A_103, %dma_wait3A_104] : memref<20000x128xf32, #tpu.memory_space<hbm>> -> memref<128x128xf32, #tpu.memory_space<hbm>>
      tpu.wait_dma2 semaphore(%arg16 : memref<!tpu.dma_semaphore, #tpu.memory_space<semaphore_mem>>) src(%dma_wait3A_105 : memref<128x128xf32, #tpu.memory_space<hbm>>) dst(%arg12 : memref<128x128xf32, #tpu.memory_space<vmem>>)
      %mul3A_106 = arith.constant 2 : i32
      %mul3A_107 = arith.muli %mul3A_106, %scan3A_89 : i32
      %add3A_108 = arith.constant 1 : i32
      %add3A_109 = arith.addi %mul3A_107, %add3A_108 : i32
      %mul3A_110 = arith.constant 16 : i32
      %mul3A_111 = arith.muli %add3A_109, %mul3A_110 : i32
      %add3A_112 = arith.addi %mul3A_111, %arg1 : i32
      %mul3A_113 = arith.constant 128 : i32
      %mul3A_114 = arith.muli %add3A_112, %mul3A_113 : i32
      %multiple_of3A_115 = tpu.assume_multiple %mul3A_114, 128 : i32
      %mul3A_116 = arith.constant 160000 : i32
      %mul3A_117 = arith.muli %arg0, %mul3A_116 : i32
      %add3A_118 = arith.addi %mul3A_117, %multiple_of3A_115 : i32
      "tpu.region"() ({
        %run_scoped3A = tpu.sem_alloc : memref<!tpu.dma_semaphore, #tpu.memory_space<semaphore_mem>>
        %dma_start3A_134 = tpu.memref_slice %arg3[%add3A_118] : memref<320000xi32, #tpu.memory_space<hbm>> -> memref<128xi32, #tpu.memory_space<hbm>>
        %dma_start3A_135 = tpu.memref_slice %arg3[%add3A_118] : memref<320000xi32, #tpu.memory_space<hbm>> -> memref<128xi32, #tpu.memory_space<hbm>>
        tpu.enqueue_dma source(%dma_start3A_135 : memref<128xi32, #tpu.memory_space<hbm>>) target(%arg10 : memref<128xi32, #tpu.memory_space<vmem>>) target_semaphore(%run_scoped3A : memref<!tpu.dma_semaphore, #tpu.memory_space<semaphore_mem>>)
        %dma_wait3A_136 = tpu.memref_slice %arg3[%add3A_118] : memref<320000xi32, #tpu.memory_space<hbm>> -> memref<128xi32, #tpu.memory_space<hbm>>
        %dma_wait3A_137 = tpu.memref_slice %arg3[%add3A_118] : memref<320000xi32, #tpu.memory_space<hbm>> -> memref<128xi32, #tpu.memory_space<hbm>>
        tpu.wait_dma2 semaphore(%run_scoped3A : memref<!tpu.dma_semaphore, #tpu.memory_space<semaphore_mem>>) src(%dma_wait3A_137 : memref<128xi32, #tpu.memory_space<hbm>>) dst(%arg10 : memref<128xi32, #tpu.memory_space<vmem>>)
        tpu.yield
      }) : () -> ()
      "tpu.region"() ({
        %run_scoped3A = tpu.sem_alloc : memref<!tpu.dma_semaphore, #tpu.memory_space<semaphore_mem>>
        %dma_start3A_134 = tpu.memref_slice %arg4[%multiple_of3A_115] : memref<160000xi32, #tpu.memory_space<hbm>> -> memref<128xi32, #tpu.memory_space<hbm>>
        %dma_start3A_135 = tpu.memref_slice %arg4[%multiple_of3A_115] : memref<160000xi32, #tpu.memory_space<hbm>> -> memref<128xi32, #tpu.memory_space<hbm>>
        tpu.enqueue_dma source(%dma_start3A_135 : memref<128xi32, #tpu.memory_space<hbm>>) target(%arg11 : memref<128xi32, #tpu.memory_space<vmem>>) target_semaphore(%run_scoped3A : memref<!tpu.dma_semaphore, #tpu.memory_space<semaphore_mem>>)
        %dma_wait3A_136 = tpu.memref_slice %arg4[%multiple_of3A_115] : memref<160000xi32, #tpu.memory_space<hbm>> -> memref<128xi32, #tpu.memory_space<hbm>>
        %dma_wait3A_137 = tpu.memref_slice %arg4[%multiple_of3A_115] : memref<160000xi32, #tpu.memory_space<hbm>> -> memref<128xi32, #tpu.memory_space<hbm>>
        tpu.wait_dma2 semaphore(%run_scoped3A : memref<!tpu.dma_semaphore, #tpu.memory_space<semaphore_mem>>) src(%dma_wait3A_137 : memref<128xi32, #tpu.memory_space<hbm>>) dst(%arg11 : memref<128xi32, #tpu.memory_space<vmem>>)
        tpu.yield
      }) : () -> ()
      %dma_start3A_119 = arith.constant 0 : i32
      %dma_start3A_120 = arith.constant 0 : i32
      %dma_start3A_121 = tpu.memref_slice %arg2[%dma_start3A_119, %dma_start3A_120] : memref<20000x128xf32, #tpu.memory_space<hbm>> -> memref<20000x128xf32, #tpu.memory_space<hbm>>
      tpu.enqueue_indirect_dma source(%dma_start3A_121 : memref<20000x128xf32, #tpu.memory_space<hbm>>) target(%arg9 : memref<128x128xf32, #tpu.memory_space<vmem>>) offsets(%arg7 : memref<128xi32, #tpu.memory_space<vmem>>) semaphore(%arg14 : memref<!tpu.dma_semaphore, #tpu.memory_space<semaphore_mem>>)
      %dma_start3A_122 = arith.constant 0 : i32
      %dma_start3A_123 = arith.constant 0 : i32
      %dma_start3A_124 = tpu.memref_slice %arg2[%dma_start3A_122, %dma_start3A_123] : memref<20000x128xf32, #tpu.memory_space<hbm>> -> memref<20000x128xf32, #tpu.memory_space<hbm>>
      tpu.enqueue_indirect_dma source(%dma_start3A_124 : memref<20000x128xf32, #tpu.memory_space<hbm>>) target(%arg12 : memref<128x128xf32, #tpu.memory_space<vmem>>) offsets(%arg10 : memref<128xi32, #tpu.memory_space<vmem>>) semaphore(%arg15 : memref<!tpu.dma_semaphore, #tpu.memory_space<semaphore_mem>>)
      %dma_wait3A_125 = arith.constant 0 : i32
      %dma_wait3A_126 = arith.constant 0 : i32
      %dma_wait3A_127 = tpu.memref_slice %arg2[%dma_wait3A_125, %dma_wait3A_126] : memref<20000x128xf32, #tpu.memory_space<hbm>> -> memref<20000x128xf32, #tpu.memory_space<hbm>>
      tpu.wait_indirect_dma semaphore(%arg14 : memref<!tpu.dma_semaphore, #tpu.memory_space<semaphore_mem>>) src(%dma_wait3A_127 : memref<20000x128xf32, #tpu.memory_space<hbm>>) dst(%arg9 : memref<128x128xf32, #tpu.memory_space<vmem>>)
      "tpu.region"() ({
        %run_scoped3A = tpu.sem_alloc : memref<!tpu.dma_semaphore, #tpu.memory_space<semaphore_mem>>
        %dma_start3A_134 = arith.constant 0 : i32
        %dma_start3A_135 = arith.constant 0 : i32
        %dma_start3A_136 = tpu.memref_slice %arg6[%dma_start3A_134, %dma_start3A_135] : memref<10000x128xf32, #tpu.memory_space<vmem_shared>> -> memref<10000x128xf32, #tpu.memory_space<vmem_shared>>
        tpu.enqueue_indirect_dma source(%arg9 : memref<128x128xf32, #tpu.memory_space<vmem>>) target(%dma_start3A_136 : memref<10000x128xf32, #tpu.memory_space<vmem_shared>>) offsets(%arg8 : memref<128xi32, #tpu.memory_space<vmem>>) semaphore(%run_scoped3A : memref<!tpu.dma_semaphore, #tpu.memory_space<semaphore_mem>>) {add = true}
        %dma_wait3A_137 = arith.constant 0 : i32
        %dma_wait3A_138 = arith.constant 0 : i32
        %dma_wait3A_139 = tpu.memref_slice %arg6[%dma_wait3A_137, %dma_wait3A_138] : memref<10000x128xf32, #tpu.memory_space<vmem_shared>> -> memref<10000x128xf32, #tpu.memory_space<vmem_shared>>
        tpu.wait_indirect_dma semaphore(%run_scoped3A : memref<!tpu.dma_semaphore, #tpu.memory_space<semaphore_mem>>) src(%arg9 : memref<128x128xf32, #tpu.memory_space<vmem>>) dst(%dma_wait3A_139 : memref<10000x128xf32, #tpu.memory_space<vmem_shared>>)
        tpu.yield
      }) : () -> ()
      %dma_wait3A_128 = arith.constant 0 : i32
      %dma_wait3A_129 = arith.constant 0 : i32
      %dma_wait3A_130 = tpu.memref_slice %arg2[%dma_wait3A_128, %dma_wait3A_129] : memref<20000x128xf32, #tpu.memory_space<hbm>> -> memref<20000x128xf32, #tpu.memory_space<hbm>>
      tpu.wait_indirect_dma semaphore(%arg15 : memref<!tpu.dma_semaphore, #tpu.memory_space<semaphore_mem>>) src(%dma_wait3A_130 : memref<20000x128xf32, #tpu.memory_space<hbm>>) dst(%arg12 : memref<128x128xf32, #tpu.memory_space<vmem>>)
      %dma_start3A_131 = arith.constant 0 : i32
      %dma_start3A_132 = arith.constant 0 : i32
      %dma_start3A_133 = tpu.memref_slice %arg6[%dma_start3A_131, %dma_start3A_132] : memref<10000x128xf32, #tpu.memory_space<vmem_shared>> -> memref<10000x128xf32, #tpu.memory_space<vmem_shared>>
      tpu.enqueue_indirect_dma source(%arg12 : memref<128x128xf32, #tpu.memory_space<vmem>>) target(%dma_start3A_133 : memref<10000x128xf32, #tpu.memory_space<vmem_shared>>) offsets(%arg11 : memref<128xi32, #tpu.memory_space<vmem>>) semaphore(%arg16 : memref<!tpu.dma_semaphore, #tpu.memory_space<semaphore_mem>>) {add = true}
    }
    %scan3A_73 = arith.constant 39 : i32
    %dma_wait3A = arith.constant 0 : i32
    %dma_wait3A_74 = arith.constant 0 : i32
    %dma_wait3A_75 = tpu.memref_slice %arg2[%dma_wait3A, %dma_wait3A_74] : memref<20000x128xf32, #tpu.memory_space<hbm>> -> memref<128x128xf32, #tpu.memory_space<hbm>>
    %dma_wait3A_76 = arith.constant 0 : i32
    %dma_wait3A_77 = arith.constant 0 : i32
    %dma_wait3A_78 = tpu.memref_slice %arg2[%dma_wait3A_76, %dma_wait3A_77] : memref<20000x128xf32, #tpu.memory_space<hbm>> -> memref<128x128xf32, #tpu.memory_space<hbm>>
    tpu.wait_dma2 semaphore(%arg16 : memref<!tpu.dma_semaphore, #tpu.memory_space<semaphore_mem>>) src(%dma_wait3A_78 : memref<128x128xf32, #tpu.memory_space<hbm>>) dst(%arg12 : memref<128x128xf32, #tpu.memory_space<vmem>>)
    %add3A = arith.constant 1248 : i32
    %add3A_79 = arith.addi %add3A, %arg1 : i32
    %lt3A = arith.constant 1250 : i32
    %lt3A_80 = arith.cmpi slt, %add3A_79, %lt3A : i32
    %convert_element_type3A = arith.extui %lt3A_80 : i1 to i32
    %cond3A = arith.constant 0 : i32
    %cond3A_81 = arith.cmpi ne, %convert_element_type3A, %cond3A : i32
    scf.if %cond3A_81 {
      %add3A_89 = arith.constant 1248 : i32
      %add3A_90 = arith.addi %add3A_89, %arg1 : i32
      %mul3A_91 = arith.constant 128 : i32
      %mul3A_92 = arith.muli %add3A_90, %mul3A_91 : i32
      %multiple_of3A = tpu.assume_multiple %mul3A_92, 128 : i32
      %mul3A_93 = arith.constant 160000 : i32
      %mul3A_94 = arith.muli %arg0, %mul3A_93 : i32
      %add3A_95 = arith.addi %mul3A_94, %multiple_of3A : i32
      "tpu.region"() ({
        %run_scoped3A = tpu.sem_alloc : memref<!tpu.dma_semaphore, #tpu.memory_space<semaphore_mem>>
        %dma_start3A_102 = tpu.memref_slice %arg3[%add3A_95] : memref<320000xi32, #tpu.memory_space<hbm>> -> memref<128xi32, #tpu.memory_space<hbm>>
        %dma_start3A_103 = tpu.memref_slice %arg3[%add3A_95] : memref<320000xi32, #tpu.memory_space<hbm>> -> memref<128xi32, #tpu.memory_space<hbm>>
        tpu.enqueue_dma source(%dma_start3A_103 : memref<128xi32, #tpu.memory_space<hbm>>) target(%arg7 : memref<128xi32, #tpu.memory_space<vmem>>) target_semaphore(%run_scoped3A : memref<!tpu.dma_semaphore, #tpu.memory_space<semaphore_mem>>)
        %dma_wait3A_104 = tpu.memref_slice %arg3[%add3A_95] : memref<320000xi32, #tpu.memory_space<hbm>> -> memref<128xi32, #tpu.memory_space<hbm>>
        %dma_wait3A_105 = tpu.memref_slice %arg3[%add3A_95] : memref<320000xi32, #tpu.memory_space<hbm>> -> memref<128xi32, #tpu.memory_space<hbm>>
        tpu.wait_dma2 semaphore(%run_scoped3A : memref<!tpu.dma_semaphore, #tpu.memory_space<semaphore_mem>>) src(%dma_wait3A_105 : memref<128xi32, #tpu.memory_space<hbm>>) dst(%arg7 : memref<128xi32, #tpu.memory_space<vmem>>)
        tpu.yield
      }) : () -> ()
      "tpu.region"() ({
        %run_scoped3A = tpu.sem_alloc : memref<!tpu.dma_semaphore, #tpu.memory_space<semaphore_mem>>
        %dma_start3A_102 = tpu.memref_slice %arg4[%multiple_of3A] : memref<160000xi32, #tpu.memory_space<hbm>> -> memref<128xi32, #tpu.memory_space<hbm>>
        %dma_start3A_103 = tpu.memref_slice %arg4[%multiple_of3A] : memref<160000xi32, #tpu.memory_space<hbm>> -> memref<128xi32, #tpu.memory_space<hbm>>
        tpu.enqueue_dma source(%dma_start3A_103 : memref<128xi32, #tpu.memory_space<hbm>>) target(%arg8 : memref<128xi32, #tpu.memory_space<vmem>>) target_semaphore(%run_scoped3A : memref<!tpu.dma_semaphore, #tpu.memory_space<semaphore_mem>>)
        %dma_wait3A_104 = tpu.memref_slice %arg4[%multiple_of3A] : memref<160000xi32, #tpu.memory_space<hbm>> -> memref<128xi32, #tpu.memory_space<hbm>>
        %dma_wait3A_105 = tpu.memref_slice %arg4[%multiple_of3A] : memref<160000xi32, #tpu.memory_space<hbm>> -> memref<128xi32, #tpu.memory_space<hbm>>
        tpu.wait_dma2 semaphore(%run_scoped3A : memref<!tpu.dma_semaphore, #tpu.memory_space<semaphore_mem>>) src(%dma_wait3A_105 : memref<128xi32, #tpu.memory_space<hbm>>) dst(%arg8 : memref<128xi32, #tpu.memory_space<vmem>>)
        tpu.yield
      }) : () -> ()
      %dma_start3A_96 = arith.constant 0 : i32
      %dma_start3A_97 = arith.constant 0 : i32
      %dma_start3A_98 = tpu.memref_slice %arg2[%dma_start3A_96, %dma_start3A_97] : memref<20000x128xf32, #tpu.memory_space<hbm>> -> memref<20000x128xf32, #tpu.memory_space<hbm>>
      tpu.enqueue_indirect_dma source(%dma_start3A_98 : memref<20000x128xf32, #tpu.memory_space<hbm>>) target(%arg9 : memref<128x128xf32, #tpu.memory_space<vmem>>) offsets(%arg7 : memref<128xi32, #tpu.memory_space<vmem>>) semaphore(%arg14 : memref<!tpu.dma_semaphore, #tpu.memory_space<semaphore_mem>>)
      %dma_wait3A_99 = arith.constant 0 : i32
      %dma_wait3A_100 = arith.constant 0 : i32
      %dma_wait3A_101 = tpu.memref_slice %arg2[%dma_wait3A_99, %dma_wait3A_100] : memref<20000x128xf32, #tpu.memory_space<hbm>> -> memref<20000x128xf32, #tpu.memory_space<hbm>>
      tpu.wait_indirect_dma semaphore(%arg14 : memref<!tpu.dma_semaphore, #tpu.memory_space<semaphore_mem>>) src(%dma_wait3A_101 : memref<20000x128xf32, #tpu.memory_space<hbm>>) dst(%arg9 : memref<128x128xf32, #tpu.memory_space<vmem>>)
      "tpu.region"() ({
        %run_scoped3A = tpu.sem_alloc : memref<!tpu.dma_semaphore, #tpu.memory_space<semaphore_mem>>
        %dma_start3A_102 = arith.constant 0 : i32
        %dma_start3A_103 = arith.constant 0 : i32
        %dma_start3A_104 = tpu.memref_slice %arg6[%dma_start3A_102, %dma_start3A_103] : memref<10000x128xf32, #tpu.memory_space<vmem_shared>> -> memref<10000x128xf32, #tpu.memory_space<vmem_shared>>
        tpu.enqueue_indirect_dma source(%arg9 : memref<128x128xf32, #tpu.memory_space<vmem>>) target(%dma_start3A_104 : memref<10000x128xf32, #tpu.memory_space<vmem_shared>>) offsets(%arg8 : memref<128xi32, #tpu.memory_space<vmem>>) semaphore(%run_scoped3A : memref<!tpu.dma_semaphore, #tpu.memory_space<semaphore_mem>>) {add = true}
        %dma_wait3A_105 = arith.constant 0 : i32
        %dma_wait3A_106 = arith.constant 0 : i32
        %dma_wait3A_107 = tpu.memref_slice %arg6[%dma_wait3A_105, %dma_wait3A_106] : memref<10000x128xf32, #tpu.memory_space<vmem_shared>> -> memref<10000x128xf32, #tpu.memory_space<vmem_shared>>
        tpu.wait_indirect_dma semaphore(%run_scoped3A : memref<!tpu.dma_semaphore, #tpu.memory_space<semaphore_mem>>) src(%arg9 : memref<128x128xf32, #tpu.memory_space<vmem>>) dst(%dma_wait3A_107 : memref<10000x128xf32, #tpu.memory_space<vmem_shared>>)
        tpu.yield
      }) : () -> ()
    } else {
    }
    %barrier3A_82 = arith.constant 0 : index
    tpu.barrier barrier_id(%barrier3A_82)
    %scan3A_83 = arith.constant 0 : i32
    %scan3A_84 = arith.constant 0 : i32
    %scan3A_85 = arith.constant 8 : i32
    %scan3A_86 = arith.addi %scan3A_84, %scan3A_85 : i32
    %scan3A_87 = arith.constant 1 : i32
    scf.for %scan3A_89 = %scan3A_84 to %scan3A_86 step %scan3A_87  : i32 {
      %mul3A_90 = arith.constant 16 : i32
      %mul3A_91 = arith.muli %scan3A_89, %mul3A_90 : i32
      %add3A_92 = arith.addi %mul3A_91, %arg1 : i32
      %lt3A_93 = arith.constant 125 : i32
      %lt3A_94 = arith.cmpi slt, %add3A_92, %lt3A_93 : i32
      %convert_element_type3A_95 = arith.extui %lt3A_94 : i1 to i32
      %cond3A_96 = arith.constant 0 : i32
      %cond3A_97 = arith.cmpi ne, %convert_element_type3A_95, %cond3A_96 : i32
      scf.if %cond3A_97 {
        %mul3A_98 = arith.constant 80 : i32
        %mul3A_99 = arith.muli %add3A_92, %mul3A_98 : i32
        %multiple_of3A = tpu.assume_multiple %mul3A_99, 80 : i32
        "tpu.region"() ({
          %run_scoped3A = tpu.sem_alloc : memref<!tpu.dma_semaphore, #tpu.memory_space<semaphore_mem>>
          %dma_start3A_101 = arith.constant 0 : i32
          %dma_start3A_102 = tpu.memref_slice %arg6[%multiple_of3A, %dma_start3A_101] : memref<10000x128xf32, #tpu.memory_space<vmem_shared>> -> memref<80x128xf32, #tpu.memory_space<vmem_shared>>
          %dma_start3A_103 = arith.constant 0 : i32
          %dma_start3A_104 = tpu.memref_slice %arg6[%multiple_of3A, %dma_start3A_103] : memref<10000x128xf32, #tpu.memory_space<vmem_shared>> -> memref<80x128xf32, #tpu.memory_space<vmem_shared>>
          tpu.enqueue_dma source(%dma_start3A_104 : memref<80x128xf32, #tpu.memory_space<vmem_shared>>) target(%arg13 : memref<80x128xf32, #tpu.memory_space<vmem>>) target_semaphore(%run_scoped3A : memref<!tpu.dma_semaphore, #tpu.memory_space<semaphore_mem>>)
          %dma_wait3A_105 = arith.constant 0 : i32
          %dma_wait3A_106 = tpu.memref_slice %arg6[%multiple_of3A, %dma_wait3A_105] : memref<10000x128xf32, #tpu.memory_space<vmem_shared>> -> memref<80x128xf32, #tpu.memory_space<vmem_shared>>
          %dma_wait3A_107 = arith.constant 0 : i32
          %dma_wait3A_108 = tpu.memref_slice %arg6[%multiple_of3A, %dma_wait3A_107] : memref<10000x128xf32, #tpu.memory_space<vmem_shared>> -> memref<80x128xf32, #tpu.memory_space<vmem_shared>>
          tpu.wait_dma2 semaphore(%run_scoped3A : memref<!tpu.dma_semaphore, #tpu.memory_space<semaphore_mem>>) src(%dma_wait3A_108 : memref<80x128xf32, #tpu.memory_space<vmem_shared>>) dst(%arg13 : memref<80x128xf32, #tpu.memory_space<vmem>>)
          tpu.yield
        }) : () -> ()
        %add3A_100 = arith.addi %mul3A_0, %multiple_of3A : i32
        "tpu.region"() ({
          %run_scoped3A = tpu.sem_alloc : memref<!tpu.dma_semaphore, #tpu.memory_space<semaphore_mem>>
          %dma_start3A_101 = arith.constant 0 : i32
          %dma_start3A_102 = tpu.memref_slice %arg5[%add3A_100, %dma_start3A_101] : memref<20000x128xf32, #tpu.memory_space<hbm>> -> memref<80x128xf32, #tpu.memory_space<hbm>>
          %dma_start3A_103 = arith.constant 0 : i32
          %dma_start3A_104 = tpu.memref_slice %arg5[%add3A_100, %dma_start3A_103] : memref<20000x128xf32, #tpu.memory_space<hbm>> -> memref<80x128xf32, #tpu.memory_space<hbm>>
          tpu.enqueue_dma source(%arg13 : memref<80x128xf32, #tpu.memory_space<vmem>>) target(%dma_start3A_104 : memref<80x128xf32, #tpu.memory_space<hbm>>) target_semaphore(%run_scoped3A : memref<!tpu.dma_semaphore, #tpu.memory_space<semaphore_mem>>)
          %dma_wait3A_105 = arith.constant 0 : i32
          %dma_wait3A_106 = tpu.memref_slice %arg5[%add3A_100, %dma_wait3A_105] : memref<20000x128xf32, #tpu.memory_space<hbm>> -> memref<80x128xf32, #tpu.memory_space<hbm>>
          %dma_wait3A_107 = arith.constant 0 : i32
          %dma_wait3A_108 = tpu.memref_slice %arg5[%add3A_100, %dma_wait3A_107] : memref<20000x128xf32, #tpu.memory_space<hbm>> -> memref<80x128xf32, #tpu.memory_space<hbm>>
          tpu.wait_dma2 semaphore(%run_scoped3A : memref<!tpu.dma_semaphore, #tpu.memory_space<semaphore_mem>>) src(%arg13 : memref<80x128xf32, #tpu.memory_space<vmem>>) dst(%dma_wait3A_108 : memref<80x128xf32, #tpu.memory_space<hbm>>)
          tpu.yield
        }) : () -> ()
      } else {
      }
    }
    %scan3A_88 = arith.constant 8 : i32
    return
  }
}

#map = affine_map<(d0, d1) -> (0, 0)>
#map1 = affine_map<(d0, d1) -> (0)>
module attributes {stable_mosaic.version = 14 : i64} {
  func.func @_segsum_body(%arg0: i32, %arg1: i32, %arg2: memref<20000x128xf32, #tpu.memory_space<hbm>>, %arg3: memref<320000xi32, #tpu.memory_space<hbm>>, %arg4: memref<160000xi32, #tpu.memory_space<hbm>>, %arg5: memref<20000x128xf32, #tpu.memory_space<hbm>>, %arg6: memref<10000x128xf32, #tpu.memory_space<vmem_shared>>, %arg7: memref<128xi32, #tpu.memory_space<vmem>>, %arg8: memref<128xi32, #tpu.memory_space<vmem>>, %arg9: memref<128x128xf32, #tpu.memory_space<vmem>>, %arg10: memref<128xi32, #tpu.memory_space<vmem>>, %arg11: memref<128xi32, #tpu.memory_space<vmem>>, %arg12: memref<128x128xf32, #tpu.memory_space<vmem>>, %arg13: memref<80x128xf32, #tpu.memory_space<vmem>>, %arg14: memref<!tpu.dma_semaphore, #tpu.memory_space<semaphore_mem>>, %arg15: memref<!tpu.dma_semaphore, #tpu.memory_space<semaphore_mem>>, %arg16: memref<!tpu.dma_semaphore, #tpu.memory_space<semaphore_mem>>) attributes {dimension_semantics = [#tpu.dimension_semantics<core_parallel>, #tpu.dimension_semantics<subcore_parallel>], iteration_bounds = array<i64: 2, 16>, scalar_prefetch = 0 : i64, scratch_operands = 11 : i64, tpu.core_type = #tpu.core_type<sc_vector_subcore>, window_params = [{transform_indices = #map}, {transform_indices = #map1}, {transform_indices = #map1}, {transform_indices = #map}]} {
    %mul3A = arith.constant 10000 : i32
    %mul3A_0 = arith.muli %arg0, %mul3A : i32
    %broadcast_in_dim3A = arith.constant 0.000000e+00 : f32
    %broadcast_in_dim3A_1 = vector.broadcast %broadcast_in_dim3A : f32 to vector<16xf32>
    %scan3A = arith.constant 0 : i32
    %scan3A_2 = arith.constant 0 : i32
    %scan3A_3 = arith.constant 80 : i32
    %scan3A_4 = arith.addi %scan3A_2, %scan3A_3 : i32
    %scan3A_5 = arith.constant 1 : i32
    scf.for %scan3A_89 = %scan3A_2 to %scan3A_4 step %scan3A_5  : i32 {
      %swap3A_90 = arith.index_cast %scan3A_89 : i32 to index
      %swap3A_91 = arith.constant 0 : index
      %swap3A_92 = tpu.vector_load %arg13[%swap3A_90, %swap3A_91] {strides = array<i32>} : memref<80x128xf32, #tpu.memory_space<vmem>>, vector<1x16xf32>,
      %swap3A_93 = vector.shape_cast %swap3A_92 : vector<1x16xf32> to vector<16xf32>
      %swap3A_94 = vector.shape_cast %broadcast_in_dim3A_1 : vector<16xf32> to vector<1x16xf32>
      tpu.vector_store %arg13[%swap3A_90, %swap3A_91], %swap3A_94 {strides = array<i32>} : memref<80x128xf32, #tpu.memory_space<vmem>>, vector<1x16xf32>,
      %swap3A_95 = arith.index_cast %scan3A_89 : i32 to index
      %swap3A_96 = arith.constant 16 : index
      %swap3A_97 = tpu.vector_load %arg13[%swap3A_95, %swap3A_96] {strides = array<i32>} : memref<80x128xf32, #tpu.memory_space<vmem>>, vector<1x16xf32>,
      %swap3A_98 = vector.shape_cast %swap3A_97 : vector<1x16xf32> to vector<16xf32>
      %swap3A_99 = vector.shape_cast %broadcast_in_dim3A_1 : vector<16xf32> to vector<1x16xf32>
      tpu.vector_store %arg13[%swap3A_95, %swap3A_96], %swap3A_99 {strides = array<i32>} : memref<80x128xf32, #tpu.memory_space<vmem>>, vector<1x16xf32>,
      %swap3A_100 = arith.index_cast %scan3A_89 : i32 to index
      %swap3A_101 = arith.constant 32 : index
      %swap3A_102 = tpu.vector_load %arg13[%swap3A_100, %swap3A_101] {strides = array<i32>} : memref<80x128xf32, #tpu.memory_space<vmem>>, vector<1x16xf32>,
      %swap3A_103 = vector.shape_cast %swap3A_102 : vector<1x16xf32> to vector<16xf32>
      %swap3A_104 = vector.shape_cast %broadcast_in_dim3A_1 : vector<16xf32> to vector<1x16xf32>
      tpu.vector_store %arg13[%swap3A_100, %swap3A_101], %swap3A_104 {strides = array<i32>} : memref<80x128xf32, #tpu.memory_space<vmem>>, vector<1x16xf32>,
      %swap3A_105 = arith.index_cast %scan3A_89 : i32 to index
      %swap3A_106 = arith.constant 48 : index
      %swap3A_107 = tpu.vector_load %arg13[%swap3A_105, %swap3A_106] {strides = array<i32>} : memref<80x128xf32, #tpu.memory_space<vmem>>, vector<1x16xf32>,
      %swap3A_108 = vector.shape_cast %swap3A_107 : vector<1x16xf32> to vector<16xf32>
      %swap3A_109 = vector.shape_cast %broadcast_in_dim3A_1 : vector<16xf32> to vector<1x16xf32>
      tpu.vector_store %arg13[%swap3A_105, %swap3A_106], %swap3A_109 {strides = array<i32>} : memref<80x128xf32, #tpu.memory_space<vmem>>, vector<1x16xf32>,
      %swap3A_110 = arith.index_cast %scan3A_89 : i32 to index
      %swap3A_111 = arith.constant 64 : index
      %swap3A_112 = tpu.vector_load %arg13[%swap3A_110, %swap3A_111] {strides = array<i32>} : memref<80x128xf32, #tpu.memory_space<vmem>>, vector<1x16xf32>,
      %swap3A_113 = vector.shape_cast %swap3A_112 : vector<1x16xf32> to vector<16xf32>
      %swap3A_114 = vector.shape_cast %broadcast_in_dim3A_1 : vector<16xf32> to vector<1x16xf32>
      tpu.vector_store %arg13[%swap3A_110, %swap3A_111], %swap3A_114 {strides = array<i32>} : memref<80x128xf32, #tpu.memory_space<vmem>>, vector<1x16xf32>,
      %swap3A_115 = arith.index_cast %scan3A_89 : i32 to index
      %swap3A_116 = arith.constant 80 : index
      %swap3A_117 = tpu.vector_load %arg13[%swap3A_115, %swap3A_116] {strides = array<i32>} : memref<80x128xf32, #tpu.memory_space<vmem>>, vector<1x16xf32>,
      %swap3A_118 = vector.shape_cast %swap3A_117 : vector<1x16xf32> to vector<16xf32>
      %swap3A_119 = vector.shape_cast %broadcast_in_dim3A_1 : vector<16xf32> to vector<1x16xf32>
      tpu.vector_store %arg13[%swap3A_115, %swap3A_116], %swap3A_119 {strides = array<i32>} : memref<80x128xf32, #tpu.memory_space<vmem>>, vector<1x16xf32>,
      %swap3A_120 = arith.index_cast %scan3A_89 : i32 to index
      %swap3A_121 = arith.constant 96 : index
      %swap3A_122 = tpu.vector_load %arg13[%swap3A_120, %swap3A_121] {strides = array<i32>} : memref<80x128xf32, #tpu.memory_space<vmem>>, vector<1x16xf32>,
      %swap3A_123 = vector.shape_cast %swap3A_122 : vector<1x16xf32> to vector<16xf32>
      %swap3A_124 = vector.shape_cast %broadcast_in_dim3A_1 : vector<16xf32> to vector<1x16xf32>
      tpu.vector_store %arg13[%swap3A_120, %swap3A_121], %swap3A_124 {strides = array<i32>} : memref<80x128xf32, #tpu.memory_space<vmem>>, vector<1x16xf32>,
      %swap3A_125 = arith.index_cast %scan3A_89 : i32 to index
      %swap3A_126 = arith.constant 112 : index
      %swap3A_127 = tpu.vector_load %arg13[%swap3A_125, %swap3A_126] {strides = array<i32>} : memref<80x128xf32, #tpu.memory_space<vmem>>, vector<1x16xf32>,
      %swap3A_128 = vector.shape_cast %swap3A_127 : vector<1x16xf32> to vector<16xf32>
      %swap3A_129 = vector.shape_cast %broadcast_in_dim3A_1 : vector<16xf32> to vector<1x16xf32>
      tpu.vector_store %arg13[%swap3A_125, %swap3A_126], %swap3A_129 {strides = array<i32>} : memref<80x128xf32, #tpu.memory_space<vmem>>, vector<1x16xf32>,
    }
    %scan3A_6 = arith.constant 80 : i32
    %scan3A_7 = arith.constant 0 : i32
    %scan3A_8 = arith.constant 0 : i32
    %scan3A_9 = arith.constant 8 : i32
    %scan3A_10 = arith.addi %scan3A_8, %scan3A_9 : i32
    %scan3A_11 = arith.constant 1 : i32
    scf.for %scan3A_89 = %scan3A_8 to %scan3A_10 step %scan3A_11  : i32 {
      %mul3A_90 = arith.constant 16 : i32
      %mul3A_91 = arith.muli %scan3A_89, %mul3A_90 : i32
      %add3A_92 = arith.addi %mul3A_91, %arg1 : i32
      %lt3A_93 = arith.constant 125 : i32
      %lt3A_94 = arith.cmpi slt, %add3A_92, %lt3A_93 : i32
      %convert_element_type3A_95 = arith.extui %lt3A_94 : i1 to i32
      %cond3A_96 = arith.constant 0 : i32
      %cond3A_97 = arith.cmpi ne, %convert_element_type3A_95, %cond3A_96 : i32
      scf.if %cond3A_97 {
        %mul3A_98 = arith.constant 80 : i32
        %mul3A_99 = arith.muli %add3A_92, %mul3A_98 : i32
        %multiple_of3A = tpu.assume_multiple %mul3A_99, 80 : i32
        "tpu.region"() ({
          %run_scoped3A = tpu.sem_alloc : memref<!tpu.dma_semaphore, #tpu.memory_space<semaphore_mem>>
          %dma_start3A_100 = arith.constant 0 : i32
          %dma_start3A_101 = tpu.memref_slice %arg6[%multiple_of3A, %dma_start3A_100] : memref<10000x128xf32, #tpu.memory_space<vmem_shared>> -> memref<80x128xf32, #tpu.memory_space<vmem_shared>>
          %dma_start3A_102 = arith.constant 0 : i32
          %dma_start3A_103 = tpu.memref_slice %arg6[%multiple_of3A, %dma_start3A_102] : memref<10000x128xf32, #tpu.memory_space<vmem_shared>> -> memref<80x128xf32, #tpu.memory_space<vmem_shared>>
          tpu.enqueue_dma source(%arg13 : memref<80x128xf32, #tpu.memory_space<vmem>>) target(%dma_start3A_103 : memref<80x128xf32, #tpu.memory_space<vmem_shared>>) target_semaphore(%run_scoped3A : memref<!tpu.dma_semaphore, #tpu.memory_space<semaphore_mem>>)
          %dma_wait3A_104 = arith.constant 0 : i32
          %dma_wait3A_105 = tpu.memref_slice %arg6[%multiple_of3A, %dma_wait3A_104] : memref<10000x128xf32, #tpu.memory_space<vmem_shared>> -> memref<80x128xf32, #tpu.memory_space<vmem_shared>>
          %dma_wait3A_106 = arith.constant 0 : i32
          %dma_wait3A_107 = tpu.memref_slice %arg6[%multiple_of3A, %dma_wait3A_106] : memref<10000x128xf32, #tpu.memory_space<vmem_shared>> -> memref<80x128xf32, #tpu.memory_space<vmem_shared>>
          tpu.wait_dma2 semaphore(%run_scoped3A : memref<!tpu.dma_semaphore, #tpu.memory_space<semaphore_mem>>) src(%arg13 : memref<80x128xf32, #tpu.memory_space<vmem>>) dst(%dma_wait3A_107 : memref<80x128xf32, #tpu.memory_space<vmem_shared>>)
          tpu.yield
        }) : () -> ()
      } else {
      }
    }
    %scan3A_12 = arith.constant 8 : i32
    %barrier3A = arith.constant 0 : index
    tpu.barrier barrier_id(%barrier3A)
    %scan3A_13 = arith.constant 0 : i32
    %scan3A_14 = arith.constant 0 : i32
    %scan3A_15 = arith.constant 128 : i32
    %scan3A_16 = arith.addi %scan3A_14, %scan3A_15 : i32
    %scan3A_17 = arith.constant 1 : i32
    scf.for %scan3A_89 = %scan3A_14 to %scan3A_16 step %scan3A_17  : i32 {
      %broadcast_in_dim3A_90 = arith.constant 0.000000e+00 : f32
      %broadcast_in_dim3A_91 = vector.broadcast %broadcast_in_dim3A_90 : f32 to vector<16xf32>
      %swap3A_92 = arith.index_cast %scan3A_89 : i32 to index
      %swap3A_93 = arith.constant 0 : index
      %swap3A_94 = tpu.vector_load %arg12[%swap3A_92, %swap3A_93] {strides = array<i32>} : memref<128x128xf32, #tpu.memory_space<vmem>>, vector<1x16xf32>,
      %swap3A_95 = vector.shape_cast %swap3A_94 : vector<1x16xf32> to vector<16xf32>
      %swap3A_96 = vector.shape_cast %broadcast_in_dim3A_91 : vector<16xf32> to vector<1x16xf32>
      tpu.vector_store %arg12[%swap3A_92, %swap3A_93], %swap3A_96 {strides = array<i32>} : memref<128x128xf32, #tpu.memory_space<vmem>>, vector<1x16xf32>,
      %broadcast_in_dim3A_97 = arith.constant 0.000000e+00 : f32
      %broadcast_in_dim3A_98 = vector.broadcast %broadcast_in_dim3A_97 : f32 to vector<16xf32>
      %swap3A_99 = arith.index_cast %scan3A_89 : i32 to index
      %swap3A_100 = arith.constant 16 : index
      %swap3A_101 = tpu.vector_load %arg12[%swap3A_99, %swap3A_100] {strides = array<i32>} : memref<128x128xf32, #tpu.memory_space<vmem>>, vector<1x16xf32>,
      %swap3A_102 = vector.shape_cast %swap3A_101 : vector<1x16xf32> to vector<16xf32>
      %swap3A_103 = vector.shape_cast %broadcast_in_dim3A_98 : vector<16xf32> to vector<1x16xf32>
      tpu.vector_store %arg12[%swap3A_99, %swap3A_100], %swap3A_103 {strides = array<i32>} : memref<128x128xf32, #tpu.memory_space<vmem>>, vector<1x16xf32>,
      %broadcast_in_dim3A_104 = arith.constant 0.000000e+00 : f32
      %broadcast_in_dim3A_105 = vector.broadcast %broadcast_in_dim3A_104 : f32 to vector<16xf32>
      %swap3A_106 = arith.index_cast %scan3A_89 : i32 to index
      %swap3A_107 = arith.constant 32 : index
      %swap3A_108 = tpu.vector_load %arg12[%swap3A_106, %swap3A_107] {strides = array<i32>} : memref<128x128xf32, #tpu.memory_space<vmem>>, vector<1x16xf32>,
      %swap3A_109 = vector.shape_cast %swap3A_108 : vector<1x16xf32> to vector<16xf32>
      %swap3A_110 = vector.shape_cast %broadcast_in_dim3A_105 : vector<16xf32> to vector<1x16xf32>
      tpu.vector_store %arg12[%swap3A_106, %swap3A_107], %swap3A_110 {strides = array<i32>} : memref<128x128xf32, #tpu.memory_space<vmem>>, vector<1x16xf32>,
      %broadcast_in_dim3A_111 = arith.constant 0.000000e+00 : f32
      %broadcast_in_dim3A_112 = vector.broadcast %broadcast_in_dim3A_111 : f32 to vector<16xf32>
      %swap3A_113 = arith.index_cast %scan3A_89 : i32 to index
      %swap3A_114 = arith.constant 48 : index
      %swap3A_115 = tpu.vector_load %arg12[%swap3A_113, %swap3A_114] {strides = array<i32>} : memref<128x128xf32, #tpu.memory_space<vmem>>, vector<1x16xf32>,
      %swap3A_116 = vector.shape_cast %swap3A_115 : vector<1x16xf32> to vector<16xf32>
      %swap3A_117 = vector.shape_cast %broadcast_in_dim3A_112 : vector<16xf32> to vector<1x16xf32>
      tpu.vector_store %arg12[%swap3A_113, %swap3A_114], %swap3A_117 {strides = array<i32>} : memref<128x128xf32, #tpu.memory_space<vmem>>, vector<1x16xf32>,
      %broadcast_in_dim3A_118 = arith.constant 0.000000e+00 : f32
      %broadcast_in_dim3A_119 = vector.broadcast %broadcast_in_dim3A_118 : f32 to vector<16xf32>
      %swap3A_120 = arith.index_cast %scan3A_89 : i32 to index
      %swap3A_121 = arith.constant 64 : index
      %swap3A_122 = tpu.vector_load %arg12[%swap3A_120, %swap3A_121] {strides = array<i32>} : memref<128x128xf32, #tpu.memory_space<vmem>>, vector<1x16xf32>,
      %swap3A_123 = vector.shape_cast %swap3A_122 : vector<1x16xf32> to vector<16xf32>
      %swap3A_124 = vector.shape_cast %broadcast_in_dim3A_119 : vector<16xf32> to vector<1x16xf32>
      tpu.vector_store %arg12[%swap3A_120, %swap3A_121], %swap3A_124 {strides = array<i32>} : memref<128x128xf32, #tpu.memory_space<vmem>>, vector<1x16xf32>,
      %broadcast_in_dim3A_125 = arith.constant 0.000000e+00 : f32
      %broadcast_in_dim3A_126 = vector.broadcast %broadcast_in_dim3A_125 : f32 to vector<16xf32>
      %swap3A_127 = arith.index_cast %scan3A_89 : i32 to index
      %swap3A_128 = arith.constant 80 : index
      %swap3A_129 = tpu.vector_load %arg12[%swap3A_127, %swap3A_128] {strides = array<i32>} : memref<128x128xf32, #tpu.memory_space<vmem>>, vector<1x16xf32>,
      %swap3A_130 = vector.shape_cast %swap3A_129 : vector<1x16xf32> to vector<16xf32>
      %swap3A_131 = vector.shape_cast %broadcast_in_dim3A_126 : vector<16xf32> to vector<1x16xf32>
      tpu.vector_store %arg12[%swap3A_127, %swap3A_128], %swap3A_131 {strides = array<i32>} : memref<128x128xf32, #tpu.memory_space<vmem>>, vector<1x16xf32>,
      %broadcast_in_dim3A_132 = arith.constant 0.000000e+00 : f32
      %broadcast_in_dim3A_133 = vector.broadcast %broadcast_in_dim3A_132 : f32 to vector<16xf32>
      %swap3A_134 = arith.index_cast %scan3A_89 : i32 to index
      %swap3A_135 = arith.constant 96 : index
      %swap3A_136 = tpu.vector_load %arg12[%swap3A_134, %swap3A_135] {strides = array<i32>} : memref<128x128xf32, #tpu.memory_space<vmem>>, vector<1x16xf32>,
      %swap3A_137 = vector.shape_cast %swap3A_136 : vector<1x16xf32> to vector<16xf32>
      %swap3A_138 = vector.shape_cast %broadcast_in_dim3A_133 : vector<16xf32> to vector<1x16xf32>
      tpu.vector_store %arg12[%swap3A_134, %swap3A_135], %swap3A_138 {strides = array<i32>} : memref<128x128xf32, #tpu.memory_space<vmem>>, vector<1x16xf32>,
      %broadcast_in_dim3A_139 = arith.constant 0.000000e+00 : f32
      %broadcast_in_dim3A_140 = vector.broadcast %broadcast_in_dim3A_139 : f32 to vector<16xf32>
      %swap3A_141 = arith.index_cast %scan3A_89 : i32 to index
      %swap3A_142 = arith.constant 112 : index
      %swap3A_143 = tpu.vector_load %arg12[%swap3A_141, %swap3A_142] {strides = array<i32>} : memref<128x128xf32, #tpu.memory_space<vmem>>, vector<1x16xf32>,
      %swap3A_144 = vector.shape_cast %swap3A_143 : vector<1x16xf32> to vector<16xf32>
      %swap3A_145 = vector.shape_cast %broadcast_in_dim3A_140 : vector<16xf32> to vector<1x16xf32>
      tpu.vector_store %arg12[%swap3A_141, %swap3A_142], %swap3A_145 {strides = array<i32>} : memref<128x128xf32, #tpu.memory_space<vmem>>, vector<1x16xf32>,
    }
    %scan3A_18 = arith.constant 128 : i32
    %broadcast_in_dim3A_19 = arith.constant 0 : i32
    %broadcast_in_dim3A_20 = vector.broadcast %broadcast_in_dim3A_19 : i32 to vector<16xi32>
    %swap3A = arith.constant 0 : index
    %swap3A_21 = tpu.vector_load %arg11[%swap3A] {strides = array<i32>} : memref<128xi32, #tpu.memory_space<vmem>>, vector<16xi32>,
    %swap3A_22 = vector.shape_cast %swap3A_21 : vector<16xi32> to vector<16xi32>
    %swap3A_23 = vector.shape_cast %broadcast_in_dim3A_20 : vector<16xi32> to vector<16xi32>
    tpu.vector_store %arg11[%swap3A], %swap3A_23 {strides = array<i32>} : memref<128xi32, #tpu.memory_space<vmem>>, vector<16xi32>,
    %broadcast_in_dim3A_24 = arith.constant 0 : i32
    %broadcast_in_dim3A_25 = vector.broadcast %broadcast_in_dim3A_24 : i32 to vector<16xi32>
    %swap3A_26 = arith.constant 16 : index
    %swap3A_27 = tpu.vector_load %arg11[%swap3A_26] {strides = array<i32>} : memref<128xi32, #tpu.memory_space<vmem>>, vector<16xi32>,
    %swap3A_28 = vector.shape_cast %swap3A_27 : vector<16xi32> to vector<16xi32>
    %swap3A_29 = vector.shape_cast %broadcast_in_dim3A_25 : vector<16xi32> to vector<16xi32>
    tpu.vector_store %arg11[%swap3A_26], %swap3A_29 {strides = array<i32>} : memref<128xi32, #tpu.memory_space<vmem>>, vector<16xi32>,
    %broadcast_in_dim3A_30 = arith.constant 0 : i32
    %broadcast_in_dim3A_31 = vector.broadcast %broadcast_in_dim3A_30 : i32 to vector<16xi32>
    %swap3A_32 = arith.constant 32 : index
    %swap3A_33 = tpu.vector_load %arg11[%swap3A_32] {strides = array<i32>} : memref<128xi32, #tpu.memory_space<vmem>>, vector<16xi32>,
    %swap3A_34 = vector.shape_cast %swap3A_33 : vector<16xi32> to vector<16xi32>
    %swap3A_35 = vector.shape_cast %broadcast_in_dim3A_31 : vector<16xi32> to vector<16xi32>
    tpu.vector_store %arg11[%swap3A_32], %swap3A_35 {strides = array<i32>} : memref<128xi32, #tpu.memory_space<vmem>>, vector<16xi32>,
    %broadcast_in_dim3A_36 = arith.constant 0 : i32
    %broadcast_in_dim3A_37 = vector.broadcast %broadcast_in_dim3A_36 : i32 to vector<16xi32>
    %swap3A_38 = arith.constant 48 : index
    %swap3A_39 = tpu.vector_load %arg11[%swap3A_38] {strides = array<i32>} : memref<128xi32, #tpu.memory_space<vmem>>, vector<16xi32>,
    %swap3A_40 = vector.shape_cast %swap3A_39 : vector<16xi32> to vector<16xi32>
    %swap3A_41 = vector.shape_cast %broadcast_in_dim3A_37 : vector<16xi32> to vector<16xi32>
    tpu.vector_store %arg11[%swap3A_38], %swap3A_41 {strides = array<i32>} : memref<128xi32, #tpu.memory_space<vmem>>, vector<16xi32>,
    %broadcast_in_dim3A_42 = arith.constant 0 : i32
    %broadcast_in_dim3A_43 = vector.broadcast %broadcast_in_dim3A_42 : i32 to vector<16xi32>
    %swap3A_44 = arith.constant 64 : index
    %swap3A_45 = tpu.vector_load %arg11[%swap3A_44] {strides = array<i32>} : memref<128xi32, #tpu.memory_space<vmem>>, vector<16xi32>,
    %swap3A_46 = vector.shape_cast %swap3A_45 : vector<16xi32> to vector<16xi32>
    %swap3A_47 = vector.shape_cast %broadcast_in_dim3A_43 : vector<16xi32> to vector<16xi32>
    tpu.vector_store %arg11[%swap3A_44], %swap3A_47 {strides = array<i32>} : memref<128xi32, #tpu.memory_space<vmem>>, vector<16xi32>,
    %broadcast_in_dim3A_48 = arith.constant 0 : i32
    %broadcast_in_dim3A_49 = vector.broadcast %broadcast_in_dim3A_48 : i32 to vector<16xi32>
    %swap3A_50 = arith.constant 80 : index
    %swap3A_51 = tpu.vector_load %arg11[%swap3A_50] {strides = array<i32>} : memref<128xi32, #tpu.memory_space<vmem>>, vector<16xi32>,
    %swap3A_52 = vector.shape_cast %swap3A_51 : vector<16xi32> to vector<16xi32>
    %swap3A_53 = vector.shape_cast %broadcast_in_dim3A_49 : vector<16xi32> to vector<16xi32>
    tpu.vector_store %arg11[%swap3A_50], %swap3A_53 {strides = array<i32>} : memref<128xi32, #tpu.memory_space<vmem>>, vector<16xi32>,
    %broadcast_in_dim3A_54 = arith.constant 0 : i32
    %broadcast_in_dim3A_55 = vector.broadcast %broadcast_in_dim3A_54 : i32 to vector<16xi32>
    %swap3A_56 = arith.constant 96 : index
    %swap3A_57 = tpu.vector_load %arg11[%swap3A_56] {strides = array<i32>} : memref<128xi32, #tpu.memory_space<vmem>>, vector<16xi32>,
    %swap3A_58 = vector.shape_cast %swap3A_57 : vector<16xi32> to vector<16xi32>
    %swap3A_59 = vector.shape_cast %broadcast_in_dim3A_55 : vector<16xi32> to vector<16xi32>
    tpu.vector_store %arg11[%swap3A_56], %swap3A_59 {strides = array<i32>} : memref<128xi32, #tpu.memory_space<vmem>>, vector<16xi32>,
    %broadcast_in_dim3A_60 = arith.constant 0 : i32
    %broadcast_in_dim3A_61 = vector.broadcast %broadcast_in_dim3A_60 : i32 to vector<16xi32>
    %swap3A_62 = arith.constant 112 : index
    %swap3A_63 = tpu.vector_load %arg11[%swap3A_62] {strides = array<i32>} : memref<128xi32, #tpu.memory_space<vmem>>, vector<16xi32>,
    %swap3A_64 = vector.shape_cast %swap3A_63 : vector<16xi32> to vector<16xi32>
    %swap3A_65 = vector.shape_cast %broadcast_in_dim3A_61 : vector<16xi32> to vector<16xi32>
    tpu.vector_store %arg11[%swap3A_62], %swap3A_65 {strides = array<i32>} : memref<128xi32, #tpu.memory_space<vmem>>, vector<16xi32>,
    %dma_start3A = arith.constant 0 : i32
    %dma_start3A_66 = arith.constant 0 : i32
    %dma_start3A_67 = tpu.memref_slice %arg6[%dma_start3A, %dma_start3A_66] : memref<10000x128xf32, #tpu.memory_space<vmem_shared>> -> memref<10000x128xf32, #tpu.memory_space<vmem_shared>>
    tpu.enqueue_indirect_dma source(%arg12 : memref<128x128xf32, #tpu.memory_space<vmem>>) target(%dma_start3A_67 : memref<10000x128xf32, #tpu.memory_space<vmem_shared>>) offsets(%arg11 : memref<128xi32, #tpu.memory_space<vmem>>) semaphore(%arg16 : memref<!tpu.dma_semaphore, #tpu.memory_space<semaphore_mem>>) {add = true}
    %scan3A_68 = arith.constant 0 : i32
    %scan3A_69 = arith.constant 0 : i32
    %scan3A_70 = arith.constant 39 : i32
    %scan3A_71 = arith.addi %scan3A_69, %scan3A_70 : i32
    %scan3A_72 = arith.constant 1 : i32
    scf.for %scan3A_89 = %scan3A_69 to %scan3A_71 step %scan3A_72  : i32 {
      %mul3A_90 = arith.constant 2 : i32
      %mul3A_91 = arith.muli %mul3A_90, %scan3A_89 : i32
      %mul3A_92 = arith.constant 16 : i32
      %mul3A_93 = arith.muli %mul3A_91, %mul3A_92 : i32
      %add3A_94 = arith.addi %mul3A_93, %arg1 : i32
      %mul3A_95 = arith.constant 128 : i32
      %mul3A_96 = arith.muli %add3A_94, %mul3A_95 : i32
      %multiple_of3A = tpu.assume_multiple %mul3A_96, 128 : i32
      %mul3A_97 = arith.constant 160000 : i32
      %mul3A_98 = arith.muli %arg0, %mul3A_97 : i32
      %add3A_99 = arith.addi %mul3A_98, %multiple_of3A : i32
      "tpu.region"() ({
        %run_scoped3A = tpu.sem_alloc : memref<!tpu.dma_semaphore, #tpu.memory_space<semaphore_mem>>
        %dma_start3A_134 = tpu.memref_slice %arg3[%add3A_99] : memref<320000xi32, #tpu.memory_space<hbm>> -> memref<128xi32, #tpu.memory_space<hbm>>
        %dma_start3A_135 = tpu.memref_slice %arg3[%add3A_99] : memref<320000xi32, #tpu.memory_space<hbm>> -> memref<128xi32, #tpu.memory_space<hbm>>
        tpu.enqueue_dma source(%dma_start3A_135 : memref<128xi32, #tpu.memory_space<hbm>>) target(%arg7 : memref<128xi32, #tpu.memory_space<vmem>>) target_semaphore(%run_scoped3A : memref<!tpu.dma_semaphore, #tpu.memory_space<semaphore_mem>>)
        %dma_wait3A_136 = tpu.memref_slice %arg3[%add3A_99] : memref<320000xi32, #tpu.memory_space<hbm>> -> memref<128xi32, #tpu.memory_space<hbm>>
        %dma_wait3A_137 = tpu.memref_slice %arg3[%add3A_99] : memref<320000xi32, #tpu.memory_space<hbm>> -> memref<128xi32, #tpu.memory_space<hbm>>
        tpu.wait_dma2 semaphore(%run_scoped3A : memref<!tpu.dma_semaphore, #tpu.memory_space<semaphore_mem>>) src(%dma_wait3A_137 : memref<128xi32, #tpu.memory_space<hbm>>) dst(%arg7 : memref<128xi32, #tpu.memory_space<vmem>>)
        tpu.yield
      }) : () -> ()
      "tpu.region"() ({
        %run_scoped3A = tpu.sem_alloc : memref<!tpu.dma_semaphore, #tpu.memory_space<semaphore_mem>>
        %dma_start3A_134 = tpu.memref_slice %arg4[%multiple_of3A] : memref<160000xi32, #tpu.memory_space<hbm>> -> memref<128xi32, #tpu.memory_space<hbm>>
        %dma_start3A_135 = tpu.memref_slice %arg4[%multiple_of3A] : memref<160000xi32, #tpu.memory_space<hbm>> -> memref<128xi32, #tpu.memory_space<hbm>>
        tpu.enqueue_dma source(%dma_start3A_135 : memref<128xi32, #tpu.memory_space<hbm>>) target(%arg8 : memref<128xi32, #tpu.memory_space<vmem>>) target_semaphore(%run_scoped3A : memref<!tpu.dma_semaphore, #tpu.memory_space<semaphore_mem>>)
        %dma_wait3A_136 = tpu.memref_slice %arg4[%multiple_of3A] : memref<160000xi32, #tpu.memory_space<hbm>> -> memref<128xi32, #tpu.memory_space<hbm>>
        %dma_wait3A_137 = tpu.memref_slice %arg4[%multiple_of3A] : memref<160000xi32, #tpu.memory_space<hbm>> -> memref<128xi32, #tpu.memory_space<hbm>>
        tpu.wait_dma2 semaphore(%run_scoped3A : memref<!tpu.dma_semaphore, #tpu.memory_space<semaphore_mem>>) src(%dma_wait3A_137 : memref<128xi32, #tpu.memory_space<hbm>>) dst(%arg8 : memref<128xi32, #tpu.memory_space<vmem>>)
        tpu.yield
      }) : () -> ()
      %dma_wait3A_100 = arith.constant 0 : i32
      %dma_wait3A_101 = arith.constant 0 : i32
      %dma_wait3A_102 = tpu.memref_slice %arg2[%dma_wait3A_100, %dma_wait3A_101] : memref<20000x128xf32, #tpu.memory_space<hbm>> -> memref<128x128xf32, #tpu.memory_space<hbm>>
      %dma_wait3A_103 = arith.constant 0 : i32
      %dma_wait3A_104 = arith.constant 0 : i32
      %dma_wait3A_105 = tpu.memref_slice %arg2[%dma_wait3A_103, %dma_wait3A_104] : memref<20000x128xf32, #tpu.memory_space<hbm>> -> memref<128x128xf32, #tpu.memory_space<hbm>>
      tpu.wait_dma2 semaphore(%arg16 : memref<!tpu.dma_semaphore, #tpu.memory_space<semaphore_mem>>) src(%dma_wait3A_105 : memref<128x128xf32, #tpu.memory_space<hbm>>) dst(%arg12 : memref<128x128xf32, #tpu.memory_space<vmem>>)
      %mul3A_106 = arith.constant 2 : i32
      %mul3A_107 = arith.muli %mul3A_106, %scan3A_89 : i32
      %add3A_108 = arith.constant 1 : i32
      %add3A_109 = arith.addi %mul3A_107, %add3A_108 : i32
      %mul3A_110 = arith.constant 16 : i32
      %mul3A_111 = arith.muli %add3A_109, %mul3A_110 : i32
      %add3A_112 = arith.addi %mul3A_111, %arg1 : i32
      %mul3A_113 = arith.constant 128 : i32
      %mul3A_114 = arith.muli %add3A_112, %mul3A_113 : i32
      %multiple_of3A_115 = tpu.assume_multiple %mul3A_114, 128 : i32
      %mul3A_116 = arith.constant 160000 : i32
      %mul3A_117 = arith.muli %arg0, %mul3A_116 : i32
      %add3A_118 = arith.addi %mul3A_117, %multiple_of3A_115 : i32
      "tpu.region"() ({
        %run_scoped3A = tpu.sem_alloc : memref<!tpu.dma_semaphore, #tpu.memory_space<semaphore_mem>>
        %dma_start3A_134 = tpu.memref_slice %arg3[%add3A_118] : memref<320000xi32, #tpu.memory_space<hbm>> -> memref<128xi32, #tpu.memory_space<hbm>>
        %dma_start3A_135 = tpu.memref_slice %arg3[%add3A_118] : memref<320000xi32, #tpu.memory_space<hbm>> -> memref<128xi32, #tpu.memory_space<hbm>>
        tpu.enqueue_dma source(%dma_start3A_135 : memref<128xi32, #tpu.memory_space<hbm>>) target(%arg10 : memref<128xi32, #tpu.memory_space<vmem>>) target_semaphore(%run_scoped3A : memref<!tpu.dma_semaphore, #tpu.memory_space<semaphore_mem>>)
        %dma_wait3A_136 = tpu.memref_slice %arg3[%add3A_118] : memref<320000xi32, #tpu.memory_space<hbm>> -> memref<128xi32, #tpu.memory_space<hbm>>
        %dma_wait3A_137 = tpu.memref_slice %arg3[%add3A_118] : memref<320000xi32, #tpu.memory_space<hbm>> -> memref<128xi32, #tpu.memory_space<hbm>>
        tpu.wait_dma2 semaphore(%run_scoped3A : memref<!tpu.dma_semaphore, #tpu.memory_space<semaphore_mem>>) src(%dma_wait3A_137 : memref<128xi32, #tpu.memory_space<hbm>>) dst(%arg10 : memref<128xi32, #tpu.memory_space<vmem>>)
        tpu.yield
      }) : () -> ()
      "tpu.region"() ({
        %run_scoped3A = tpu.sem_alloc : memref<!tpu.dma_semaphore, #tpu.memory_space<semaphore_mem>>
        %dma_start3A_134 = tpu.memref_slice %arg4[%multiple_of3A_115] : memref<160000xi32, #tpu.memory_space<hbm>> -> memref<128xi32, #tpu.memory_space<hbm>>
        %dma_start3A_135 = tpu.memref_slice %arg4[%multiple_of3A_115] : memref<160000xi32, #tpu.memory_space<hbm>> -> memref<128xi32, #tpu.memory_space<hbm>>
        tpu.enqueue_dma source(%dma_start3A_135 : memref<128xi32, #tpu.memory_space<hbm>>) target(%arg11 : memref<128xi32, #tpu.memory_space<vmem>>) target_semaphore(%run_scoped3A : memref<!tpu.dma_semaphore, #tpu.memory_space<semaphore_mem>>)
        %dma_wait3A_136 = tpu.memref_slice %arg4[%multiple_of3A_115] : memref<160000xi32, #tpu.memory_space<hbm>> -> memref<128xi32, #tpu.memory_space<hbm>>
        %dma_wait3A_137 = tpu.memref_slice %arg4[%multiple_of3A_115] : memref<160000xi32, #tpu.memory_space<hbm>> -> memref<128xi32, #tpu.memory_space<hbm>>
        tpu.wait_dma2 semaphore(%run_scoped3A : memref<!tpu.dma_semaphore, #tpu.memory_space<semaphore_mem>>) src(%dma_wait3A_137 : memref<128xi32, #tpu.memory_space<hbm>>) dst(%arg11 : memref<128xi32, #tpu.memory_space<vmem>>)
        tpu.yield
      }) : () -> ()
      %dma_start3A_119 = arith.constant 0 : i32
      %dma_start3A_120 = arith.constant 0 : i32
      %dma_start3A_121 = tpu.memref_slice %arg2[%dma_start3A_119, %dma_start3A_120] : memref<20000x128xf32, #tpu.memory_space<hbm>> -> memref<20000x128xf32, #tpu.memory_space<hbm>>
      tpu.enqueue_indirect_dma source(%dma_start3A_121 : memref<20000x128xf32, #tpu.memory_space<hbm>>) target(%arg9 : memref<128x128xf32, #tpu.memory_space<vmem>>) offsets(%arg7 : memref<128xi32, #tpu.memory_space<vmem>>) semaphore(%arg14 : memref<!tpu.dma_semaphore, #tpu.memory_space<semaphore_mem>>)
      %dma_start3A_122 = arith.constant 0 : i32
      %dma_start3A_123 = arith.constant 0 : i32
      %dma_start3A_124 = tpu.memref_slice %arg2[%dma_start3A_122, %dma_start3A_123] : memref<20000x128xf32, #tpu.memory_space<hbm>> -> memref<20000x128xf32, #tpu.memory_space<hbm>>
      tpu.enqueue_indirect_dma source(%dma_start3A_124 : memref<20000x128xf32, #tpu.memory_space<hbm>>) target(%arg12 : memref<128x128xf32, #tpu.memory_space<vmem>>) offsets(%arg10 : memref<128xi32, #tpu.memory_space<vmem>>) semaphore(%arg15 : memref<!tpu.dma_semaphore, #tpu.memory_space<semaphore_mem>>)
      %dma_wait3A_125 = arith.constant 0 : i32
      %dma_wait3A_126 = arith.constant 0 : i32
      %dma_wait3A_127 = tpu.memref_slice %arg2[%dma_wait3A_125, %dma_wait3A_126] : memref<20000x128xf32, #tpu.memory_space<hbm>> -> memref<20000x128xf32, #tpu.memory_space<hbm>>
      tpu.wait_indirect_dma semaphore(%arg14 : memref<!tpu.dma_semaphore, #tpu.memory_space<semaphore_mem>>) src(%dma_wait3A_127 : memref<20000x128xf32, #tpu.memory_space<hbm>>) dst(%arg9 : memref<128x128xf32, #tpu.memory_space<vmem>>)
      "tpu.region"() ({
        %run_scoped3A = tpu.sem_alloc : memref<!tpu.dma_semaphore, #tpu.memory_space<semaphore_mem>>
        %dma_start3A_134 = arith.constant 0 : i32
        %dma_start3A_135 = arith.constant 0 : i32
        %dma_start3A_136 = tpu.memref_slice %arg6[%dma_start3A_134, %dma_start3A_135] : memref<10000x128xf32, #tpu.memory_space<vmem_shared>> -> memref<10000x128xf32, #tpu.memory_space<vmem_shared>>
        tpu.enqueue_indirect_dma source(%arg9 : memref<128x128xf32, #tpu.memory_space<vmem>>) target(%dma_start3A_136 : memref<10000x128xf32, #tpu.memory_space<vmem_shared>>) offsets(%arg8 : memref<128xi32, #tpu.memory_space<vmem>>) semaphore(%run_scoped3A : memref<!tpu.dma_semaphore, #tpu.memory_space<semaphore_mem>>) {add = true}
        %dma_wait3A_137 = arith.constant 0 : i32
        %dma_wait3A_138 = arith.constant 0 : i32
        %dma_wait3A_139 = tpu.memref_slice %arg6[%dma_wait3A_137, %dma_wait3A_138] : memref<10000x128xf32, #tpu.memory_space<vmem_shared>> -> memref<10000x128xf32, #tpu.memory_space<vmem_shared>>
        tpu.wait_indirect_dma semaphore(%run_scoped3A : memref<!tpu.dma_semaphore, #tpu.memory_space<semaphore_mem>>) src(%arg9 : memref<128x128xf32, #tpu.memory_space<vmem>>) dst(%dma_wait3A_139 : memref<10000x128xf32, #tpu.memory_space<vmem_shared>>)
        tpu.yield
      }) : () -> ()
      %dma_wait3A_128 = arith.constant 0 : i32
      %dma_wait3A_129 = arith.constant 0 : i32
      %dma_wait3A_130 = tpu.memref_slice %arg2[%dma_wait3A_128, %dma_wait3A_129] : memref<20000x128xf32, #tpu.memory_space<hbm>> -> memref<20000x128xf32, #tpu.memory_space<hbm>>
      tpu.wait_indirect_dma semaphore(%arg15 : memref<!tpu.dma_semaphore, #tpu.memory_space<semaphore_mem>>) src(%dma_wait3A_130 : memref<20000x128xf32, #tpu.memory_space<hbm>>) dst(%arg12 : memref<128x128xf32, #tpu.memory_space<vmem>>)
      %dma_start3A_131 = arith.constant 0 : i32
      %dma_start3A_132 = arith.constant 0 : i32
      %dma_start3A_133 = tpu.memref_slice %arg6[%dma_start3A_131, %dma_start3A_132] : memref<10000x128xf32, #tpu.memory_space<vmem_shared>> -> memref<10000x128xf32, #tpu.memory_space<vmem_shared>>
      tpu.enqueue_indirect_dma source(%arg12 : memref<128x128xf32, #tpu.memory_space<vmem>>) target(%dma_start3A_133 : memref<10000x128xf32, #tpu.memory_space<vmem_shared>>) offsets(%arg11 : memref<128xi32, #tpu.memory_space<vmem>>) semaphore(%arg16 : memref<!tpu.dma_semaphore, #tpu.memory_space<semaphore_mem>>) {add = true}
    }
    %scan3A_73 = arith.constant 39 : i32
    %dma_wait3A = arith.constant 0 : i32
    %dma_wait3A_74 = arith.constant 0 : i32
    %dma_wait3A_75 = tpu.memref_slice %arg2[%dma_wait3A, %dma_wait3A_74] : memref<20000x128xf32, #tpu.memory_space<hbm>> -> memref<128x128xf32, #tpu.memory_space<hbm>>
    %dma_wait3A_76 = arith.constant 0 : i32
    %dma_wait3A_77 = arith.constant 0 : i32
    %dma_wait3A_78 = tpu.memref_slice %arg2[%dma_wait3A_76, %dma_wait3A_77] : memref<20000x128xf32, #tpu.memory_space<hbm>> -> memref<128x128xf32, #tpu.memory_space<hbm>>
    tpu.wait_dma2 semaphore(%arg16 : memref<!tpu.dma_semaphore, #tpu.memory_space<semaphore_mem>>) src(%dma_wait3A_78 : memref<128x128xf32, #tpu.memory_space<hbm>>) dst(%arg12 : memref<128x128xf32, #tpu.memory_space<vmem>>)
    %add3A = arith.constant 1248 : i32
    %add3A_79 = arith.addi %add3A, %arg1 : i32
    %lt3A = arith.constant 1250 : i32
    %lt3A_80 = arith.cmpi slt, %add3A_79, %lt3A : i32
    %convert_element_type3A = arith.extui %lt3A_80 : i1 to i32
    %cond3A = arith.constant 0 : i32
    %cond3A_81 = arith.cmpi ne, %convert_element_type3A, %cond3A : i32
    scf.if %cond3A_81 {
      %add3A_89 = arith.constant 1248 : i32
      %add3A_90 = arith.addi %add3A_89, %arg1 : i32
      %mul3A_91 = arith.constant 128 : i32
      %mul3A_92 = arith.muli %add3A_90, %mul3A_91 : i32
      %multiple_of3A = tpu.assume_multiple %mul3A_92, 128 : i32
      %mul3A_93 = arith.constant 160000 : i32
      %mul3A_94 = arith.muli %arg0, %mul3A_93 : i32
      %add3A_95 = arith.addi %mul3A_94, %multiple_of3A : i32
      "tpu.region"() ({
        %run_scoped3A = tpu.sem_alloc : memref<!tpu.dma_semaphore, #tpu.memory_space<semaphore_mem>>
        %dma_start3A_102 = tpu.memref_slice %arg3[%add3A_95] : memref<320000xi32, #tpu.memory_space<hbm>> -> memref<128xi32, #tpu.memory_space<hbm>>
        %dma_start3A_103 = tpu.memref_slice %arg3[%add3A_95] : memref<320000xi32, #tpu.memory_space<hbm>> -> memref<128xi32, #tpu.memory_space<hbm>>
        tpu.enqueue_dma source(%dma_start3A_103 : memref<128xi32, #tpu.memory_space<hbm>>) target(%arg7 : memref<128xi32, #tpu.memory_space<vmem>>) target_semaphore(%run_scoped3A : memref<!tpu.dma_semaphore, #tpu.memory_space<semaphore_mem>>)
        %dma_wait3A_104 = tpu.memref_slice %arg3[%add3A_95] : memref<320000xi32, #tpu.memory_space<hbm>> -> memref<128xi32, #tpu.memory_space<hbm>>
        %dma_wait3A_105 = tpu.memref_slice %arg3[%add3A_95] : memref<320000xi32, #tpu.memory_space<hbm>> -> memref<128xi32, #tpu.memory_space<hbm>>
        tpu.wait_dma2 semaphore(%run_scoped3A : memref<!tpu.dma_semaphore, #tpu.memory_space<semaphore_mem>>) src(%dma_wait3A_105 : memref<128xi32, #tpu.memory_space<hbm>>) dst(%arg7 : memref<128xi32, #tpu.memory_space<vmem>>)
        tpu.yield
      }) : () -> ()
      "tpu.region"() ({
        %run_scoped3A = tpu.sem_alloc : memref<!tpu.dma_semaphore, #tpu.memory_space<semaphore_mem>>
        %dma_start3A_102 = tpu.memref_slice %arg4[%multiple_of3A] : memref<160000xi32, #tpu.memory_space<hbm>> -> memref<128xi32, #tpu.memory_space<hbm>>
        %dma_start3A_103 = tpu.memref_slice %arg4[%multiple_of3A] : memref<160000xi32, #tpu.memory_space<hbm>> -> memref<128xi32, #tpu.memory_space<hbm>>
        tpu.enqueue_dma source(%dma_start3A_103 : memref<128xi32, #tpu.memory_space<hbm>>) target(%arg8 : memref<128xi32, #tpu.memory_space<vmem>>) target_semaphore(%run_scoped3A : memref<!tpu.dma_semaphore, #tpu.memory_space<semaphore_mem>>)
        %dma_wait3A_104 = tpu.memref_slice %arg4[%multiple_of3A] : memref<160000xi32, #tpu.memory_space<hbm>> -> memref<128xi32, #tpu.memory_space<hbm>>
        %dma_wait3A_105 = tpu.memref_slice %arg4[%multiple_of3A] : memref<160000xi32, #tpu.memory_space<hbm>> -> memref<128xi32, #tpu.memory_space<hbm>>
        tpu.wait_dma2 semaphore(%run_scoped3A : memref<!tpu.dma_semaphore, #tpu.memory_space<semaphore_mem>>) src(%dma_wait3A_105 : memref<128xi32, #tpu.memory_space<hbm>>) dst(%arg8 : memref<128xi32, #tpu.memory_space<vmem>>)
        tpu.yield
      }) : () -> ()
      %dma_start3A_96 = arith.constant 0 : i32
      %dma_start3A_97 = arith.constant 0 : i32
      %dma_start3A_98 = tpu.memref_slice %arg2[%dma_start3A_96, %dma_start3A_97] : memref<20000x128xf32, #tpu.memory_space<hbm>> -> memref<20000x128xf32, #tpu.memory_space<hbm>>
      tpu.enqueue_indirect_dma source(%dma_start3A_98 : memref<20000x128xf32, #tpu.memory_space<hbm>>) target(%arg9 : memref<128x128xf32, #tpu.memory_space<vmem>>) offsets(%arg7 : memref<128xi32, #tpu.memory_space<vmem>>) semaphore(%arg14 : memref<!tpu.dma_semaphore, #tpu.memory_space<semaphore_mem>>)
      %dma_wait3A_99 = arith.constant 0 : i32
      %dma_wait3A_100 = arith.constant 0 : i32
      %dma_wait3A_101 = tpu.memref_slice %arg2[%dma_wait3A_99, %dma_wait3A_100] : memref<20000x128xf32, #tpu.memory_space<hbm>> -> memref<20000x128xf32, #tpu.memory_space<hbm>>
      tpu.wait_indirect_dma semaphore(%arg14 : memref<!tpu.dma_semaphore, #tpu.memory_space<semaphore_mem>>) src(%dma_wait3A_101 : memref<20000x128xf32, #tpu.memory_space<hbm>>) dst(%arg9 : memref<128x128xf32, #tpu.memory_space<vmem>>)
      "tpu.region"() ({
        %run_scoped3A = tpu.sem_alloc : memref<!tpu.dma_semaphore, #tpu.memory_space<semaphore_mem>>
        %dma_start3A_102 = arith.constant 0 : i32
        %dma_start3A_103 = arith.constant 0 : i32
        %dma_start3A_104 = tpu.memref_slice %arg6[%dma_start3A_102, %dma_start3A_103] : memref<10000x128xf32, #tpu.memory_space<vmem_shared>> -> memref<10000x128xf32, #tpu.memory_space<vmem_shared>>
        tpu.enqueue_indirect_dma source(%arg9 : memref<128x128xf32, #tpu.memory_space<vmem>>) target(%dma_start3A_104 : memref<10000x128xf32, #tpu.memory_space<vmem_shared>>) offsets(%arg8 : memref<128xi32, #tpu.memory_space<vmem>>) semaphore(%run_scoped3A : memref<!tpu.dma_semaphore, #tpu.memory_space<semaphore_mem>>) {add = true}
        %dma_wait3A_105 = arith.constant 0 : i32
        %dma_wait3A_106 = arith.constant 0 : i32
        %dma_wait3A_107 = tpu.memref_slice %arg6[%dma_wait3A_105, %dma_wait3A_106] : memref<10000x128xf32, #tpu.memory_space<vmem_shared>> -> memref<10000x128xf32, #tpu.memory_space<vmem_shared>>
        tpu.wait_indirect_dma semaphore(%run_scoped3A : memref<!tpu.dma_semaphore, #tpu.memory_space<semaphore_mem>>) src(%arg9 : memref<128x128xf32, #tpu.memory_space<vmem>>) dst(%dma_wait3A_107 : memref<10000x128xf32, #tpu.memory_space<vmem_shared>>)
        tpu.yield
      }) : () -> ()
    } else {
    }
    %barrier3A_82 = arith.constant 0 : index
    tpu.barrier barrier_id(%barrier3A_82)
    %scan3A_83 = arith.constant 0 : i32
    %scan3A_84 = arith.constant 0 : i32
    %scan3A_85 = arith.constant 8 : i32
    %scan3A_86 = arith.addi %scan3A_84, %scan3A_85 : i32
    %scan3A_87 = arith.constant 1 : i32
    scf.for %scan3A_89 = %scan3A_84 to %scan3A_86 step %scan3A_87  : i32 {
      %mul3A_90 = arith.constant 16 : i32
      %mul3A_91 = arith.muli %scan3A_89, %mul3A_90 : i32
      %add3A_92 = arith.addi %mul3A_91, %arg1 : i32
      %lt3A_93 = arith.constant 125 : i32
      %lt3A_94 = arith.cmpi slt, %add3A_92, %lt3A_93 : i32
      %convert_element_type3A_95 = arith.extui %lt3A_94 : i1 to i32
      %cond3A_96 = arith.constant 0 : i32
      %cond3A_97 = arith.cmpi ne, %convert_element_type3A_95, %cond3A_96 : i32
      scf.if %cond3A_97 {
        %mul3A_98 = arith.constant 80 : i32
        %mul3A_99 = arith.muli %add3A_92, %mul3A_98 : i32
        %multiple_of3A = tpu.assume_multiple %mul3A_99, 80 : i32
        "tpu.region"() ({
          %run_scoped3A = tpu.sem_alloc : memref<!tpu.dma_semaphore, #tpu.memory_space<semaphore_mem>>
          %dma_start3A_101 = arith.constant 0 : i32
          %dma_start3A_102 = tpu.memref_slice %arg6[%multiple_of3A, %dma_start3A_101] : memref<10000x128xf32, #tpu.memory_space<vmem_shared>> -> memref<80x128xf32, #tpu.memory_space<vmem_shared>>
          %dma_start3A_103 = arith.constant 0 : i32
          %dma_start3A_104 = tpu.memref_slice %arg6[%multiple_of3A, %dma_start3A_103] : memref<10000x128xf32, #tpu.memory_space<vmem_shared>> -> memref<80x128xf32, #tpu.memory_space<vmem_shared>>
          tpu.enqueue_dma source(%dma_start3A_104 : memref<80x128xf32, #tpu.memory_space<vmem_shared>>) target(%arg13 : memref<80x128xf32, #tpu.memory_space<vmem>>) target_semaphore(%run_scoped3A : memref<!tpu.dma_semaphore, #tpu.memory_space<semaphore_mem>>)
          %dma_wait3A_105 = arith.constant 0 : i32
          %dma_wait3A_106 = tpu.memref_slice %arg6[%multiple_of3A, %dma_wait3A_105] : memref<10000x128xf32, #tpu.memory_space<vmem_shared>> -> memref<80x128xf32, #tpu.memory_space<vmem_shared>>
          %dma_wait3A_107 = arith.constant 0 : i32
          %dma_wait3A_108 = tpu.memref_slice %arg6[%multiple_of3A, %dma_wait3A_107] : memref<10000x128xf32, #tpu.memory_space<vmem_shared>> -> memref<80x128xf32, #tpu.memory_space<vmem_shared>>
          tpu.wait_dma2 semaphore(%run_scoped3A : memref<!tpu.dma_semaphore, #tpu.memory_space<semaphore_mem>>) src(%dma_wait3A_108 : memref<80x128xf32, #tpu.memory_space<vmem_shared>>) dst(%arg13 : memref<80x128xf32, #tpu.memory_space<vmem>>)
          tpu.yield
        }) : () -> ()
        %add3A_100 = arith.addi %mul3A_0, %multiple_of3A : i32
        "tpu.region"() ({
          %run_scoped3A = tpu.sem_alloc : memref<!tpu.dma_semaphore, #tpu.memory_space<semaphore_mem>>
          %dma_start3A_101 = arith.constant 0 : i32
          %dma_start3A_102 = tpu.memref_slice %arg5[%add3A_100, %dma_start3A_101] : memref<20000x128xf32, #tpu.memory_space<hbm>> -> memref<80x128xf32, #tpu.memory_space<hbm>>
          %dma_start3A_103 = arith.constant 0 : i32
          %dma_start3A_104 = tpu.memref_slice %arg5[%add3A_100, %dma_start3A_103] : memref<20000x128xf32, #tpu.memory_space<hbm>> -> memref<80x128xf32, #tpu.memory_space<hbm>>
          tpu.enqueue_dma source(%arg13 : memref<80x128xf32, #tpu.memory_space<vmem>>) target(%dma_start3A_104 : memref<80x128xf32, #tpu.memory_space<hbm>>) target_semaphore(%run_scoped3A : memref<!tpu.dma_semaphore, #tpu.memory_space<semaphore_mem>>)
          %dma_wait3A_105 = arith.constant 0 : i32
          %dma_wait3A_106 = tpu.memref_slice %arg5[%add3A_100, %dma_wait3A_105] : memref<20000x128xf32, #tpu.memory_space<hbm>> -> memref<80x128xf32, #tpu.memory_space<hbm>>
          %dma_wait3A_107 = arith.constant 0 : i32
          %dma_wait3A_108 = tpu.memref_slice %arg5[%add3A_100, %dma_wait3A_107] : memref<20000x128xf32, #tpu.memory_space<hbm>> -> memref<80x128xf32, #tpu.memory_space<hbm>>
          tpu.wait_dma2 semaphore(%run_scoped3A : memref<!tpu.dma_semaphore, #tpu.memory_space<semaphore_mem>>) src(%arg13 : memref<80x128xf32, #tpu.memory_space<vmem>>) dst(%dma_wait3A_108 : memref<80x128xf32, #tpu.memory_space<hbm>>)
          tpu.yield
        }) : () -> ()
      } else {
      }
    }
    %scan3A_88 = arith.constant 8 : i32
    return
  }
}

module attributes {stable_mosaic.version = 14 : i64} {
  func.func @_tca_body(%arg0: i32, %arg1: memref<1000x256xf32, #tpu.memory_space<vmem>>, %arg2: memref<1000x256xf32, #tpu.memory_space<vmem>>, %arg3: memref<256x256xf32, #tpu.memory_space<vmem>>, %arg4: memref<256x256xf32, #tpu.memory_space<vmem>>, %arg5: memref<256x256xf32, #tpu.memory_space<vmem>>, %arg6: memref<1x256xf32, #tpu.memory_space<vmem>>, %arg7: memref<1x256xf32, #tpu.memory_space<vmem>>, %arg8: memref<2x1000x128xf32, #tpu.memory_space<vmem>>, %arg9: memref<1000x256xf32, #tpu.memory_space<vmem>>, %arg10: memref<1000x256xf32, #tpu.memory_space<vmem>>) attributes {dimension_semantics = [#tpu.dimension_semantics<arbitrary>], iteration_bounds = array<i64: 10>, scalar_prefetch = 0 : i64, scratch_operands = 0 : i64, tpu.core_type = #tpu.core_type<tc>, window_params = [{transform_indices = @transform_0, window_bounds = array<i64: 1000, 256>}, {transform_indices = @transform_1, window_bounds = array<i64: 1000, 256>}, {pipeline_mode = #tpu.pipeline_mode<synchronous>, transform_indices = @transform_2, window_bounds = array<i64: 256, 256>}, {pipeline_mode = #tpu.pipeline_mode<synchronous>, transform_indices = @transform_3, window_bounds = array<i64: 256, 256>}, {pipeline_mode = #tpu.pipeline_mode<synchronous>, transform_indices = @transform_4, window_bounds = array<i64: 256, 256>}, {pipeline_mode = #tpu.pipeline_mode<synchronous>, transform_indices = @transform_5, window_bounds = array<i64: 1, 256>}, {pipeline_mode = #tpu.pipeline_mode<synchronous>, transform_indices = @transform_6, window_bounds = array<i64: 1, 256>}, {transform_indices = @transform_7, window_bounds = array<i64: 2, 1000, 128>}, {transform_indices = @transform_8, window_bounds = array<i64: 1000, 256>}, {transform_indices = @transform_9, window_bounds = array<i64: 1000, 256>}]} {
    %get3A = arith.constant 0 : index
    %get3A_0 = arith.constant 0 : index
    %get3A_1 = vector.load %arg1[%get3A, %get3A_0] : memref<1000x256xf32, #tpu.memory_space<vmem>>, vector<1000x256xf32>
    %get3A_2 = arith.constant 0 : index
    %get3A_3 = arith.constant 0 : index
    %get3A_4 = vector.load %arg3[%get3A_2, %get3A_3] : memref<256x256xf32, #tpu.memory_space<vmem>>, vector<256x256xf32>
    %dot_general3A = arith.constant dense<0.000000e+00> : vector<1000x256xf32>
    %dot_general3A_5 = tpu.matmul %get3A_1, %get3A_4, %dot_general3A {dimension_numbers = #tpu.dot_dimension_numbers<[1], [1], [0], [0], [0, 0, 1, 0], [], []>, transpose_lhs_hint = false} : vector<1000x256xf32>, vector<256x256xf32>, vector<1000x256xf32> -> vector<1000x256xf32>
    %slice3A = vector.extract_strided_slice %dot_general3A_5 {offsets = [0, 0], sizes = [1000, 128], strides = [1, 1]} : vector<1000x256xf32> to vector<1000x128xf32>
    %swap3A = arith.constant 0 : index
    %swap3A_6 = arith.constant 0 : index
    %swap3A_7 = arith.constant 0 : index
    %swap3A_8 = vector.load %arg8[%swap3A, %swap3A_6, %swap3A_7] : memref<2x1000x128xf32, #tpu.memory_space<vmem>>, vector<1x1000x128xf32>
    %swap3A_9 = vector.shape_cast %swap3A_8 : vector<1x1000x128xf32> to vector<1000x128xf32>
    %swap3A_10 = vector.shape_cast %slice3A : vector<1000x128xf32> to vector<1x1000x128xf32>
    tpu.vector_store %arg8[%swap3A, %swap3A_6, %swap3A_7], %swap3A_10 {strides = array<i32>} : memref<2x1000x128xf32, #tpu.memory_space<vmem>>, vector<1x1000x128xf32>,
    %slice3A_11 = vector.extract_strided_slice %dot_general3A_5 {offsets = [0, 128], sizes = [1000, 128], strides = [1, 1]} : vector<1000x256xf32> to vector<1000x128xf32>
    %swap3A_12 = arith.constant 1 : index
    %swap3A_13 = arith.constant 0 : index
    %swap3A_14 = arith.constant 0 : index
    %swap3A_15 = vector.load %arg8[%swap3A_12, %swap3A_13, %swap3A_14] : memref<2x1000x128xf32, #tpu.memory_space<vmem>>, vector<1x1000x128xf32>
    %swap3A_16 = vector.shape_cast %swap3A_15 : vector<1x1000x128xf32> to vector<1000x128xf32>
    %swap3A_17 = vector.shape_cast %slice3A_11 : vector<1000x128xf32> to vector<1x1000x128xf32>
    tpu.vector_store %arg8[%swap3A_12, %swap3A_13, %swap3A_14], %swap3A_17 {strides = array<i32>} : memref<2x1000x128xf32, #tpu.memory_space<vmem>>, vector<1x1000x128xf32>,
    %get3A_18 = arith.constant 0 : index
    %get3A_19 = arith.constant 0 : index
    %get3A_20 = vector.load %arg2[%get3A_18, %get3A_19] : memref<1000x256xf32, #tpu.memory_space<vmem>>, vector<1000x256xf32>
    %get3A_21 = arith.constant 0 : index
    %get3A_22 = arith.constant 0 : index
    %get3A_23 = vector.load %arg4[%get3A_21, %get3A_22] : memref<256x256xf32, #tpu.memory_space<vmem>>, vector<256x256xf32>
    %dot_general3A_24 = arith.constant dense<0.000000e+00> : vector<1000x256xf32>
    %dot_general3A_25 = tpu.matmul %get3A_20, %get3A_23, %dot_general3A_24 {dimension_numbers = #tpu.dot_dimension_numbers<[1], [1], [0], [0], [0, 0, 1, 0], [], []>, transpose_lhs_hint = false} : vector<1000x256xf32>, vector<256x256xf32>, vector<1000x256xf32> -> vector<1000x256xf32>
    %get3A_26 = arith.constant 0 : index
    %get3A_27 = arith.constant 0 : index
    %get3A_28 = vector.load %arg6[%get3A_26, %get3A_27] : memref<1x256xf32, #tpu.memory_space<vmem>>, vector<1x256xf32>
    %add3A = vector.broadcast %get3A_28 : vector<1x256xf32> to vector<1000x256xf32>
    %add3A_29 = arith.addf %dot_general3A_25, %add3A : vector<1000x256xf32>
    %swap3A_30 = arith.constant 0 : index
    %swap3A_31 = arith.constant 0 : index
    %swap3A_32 = vector.load %arg9[%swap3A_30, %swap3A_31] : memref<1000x256xf32, #tpu.memory_space<vmem>>, vector<1000x256xf32>
    tpu.vector_store %arg9[%swap3A_30, %swap3A_31], %add3A_29 {strides = array<i32>} : memref<1000x256xf32, #tpu.memory_space<vmem>>, vector<1000x256xf32>,
    %get3A_33 = arith.constant 0 : index
    %get3A_34 = arith.constant 0 : index
    %get3A_35 = vector.load %arg5[%get3A_33, %get3A_34] : memref<256x256xf32, #tpu.memory_space<vmem>>, vector<256x256xf32>
    %dot_general3A_36 = arith.constant dense<0.000000e+00> : vector<1000x256xf32>
    %dot_general3A_37 = tpu.matmul %get3A_1, %get3A_35, %dot_general3A_36 {dimension_numbers = #tpu.dot_dimension_numbers<[1], [1], [0], [0], [0, 0, 1, 0], [], []>, transpose_lhs_hint = false} : vector<1000x256xf32>, vector<256x256xf32>, vector<1000x256xf32> -> vector<1000x256xf32>
    %get3A_38 = arith.constant 0 : index
    %get3A_39 = arith.constant 0 : index
    %get3A_40 = vector.load %arg7[%get3A_38, %get3A_39] : memref<1x256xf32, #tpu.memory_space<vmem>>, vector<1x256xf32>
    %add3A_41 = vector.broadcast %get3A_40 : vector<1x256xf32> to vector<1000x256xf32>
    %add3A_42 = arith.addf %dot_general3A_37, %add3A_41 : vector<1000x256xf32>
    %swap3A_43 = arith.constant 0 : index
    %swap3A_44 = arith.constant 0 : index
    %swap3A_45 = vector.load %arg10[%swap3A_43, %swap3A_44] : memref<1000x256xf32, #tpu.memory_space<vmem>>, vector<1000x256xf32>
    tpu.vector_store %arg10[%swap3A_43, %swap3A_44], %add3A_42 {strides = array<i32>} : memref<1000x256xf32, #tpu.memory_space<vmem>>, vector<1000x256xf32>,
    return
  }
  func.func @transform_0(%arg0: i32) -> (i32, i32) {
    %c0_i32 = arith.constant 0 : i32
    %c0_i32_0 = arith.constant 0 : i32
    return %arg0, %c0_i32 : i32, i32
  }
  func.func @transform_1(%arg0: i32) -> (i32, i32) {
    %c0_i32 = arith.constant 0 : i32
    %c0_i32_0 = arith.constant 0 : i32
    return %arg0, %c0_i32 : i32, i32
  }
  func.func @transform_2(%arg0: i32) -> (i32, i32) {
    %c0_i32 = arith.constant 0 : i32
    %c0_i32_0 = arith.constant 0 : i32
    %c0_i32_1 = arith.constant 0 : i32
    return %c0_i32, %c0_i32_0 : i32, i32
  }
  func.func @transform_3(%arg0: i32) -> (i32, i32) {
    %c0_i32 = arith.constant 0 : i32
    %c0_i32_0 = arith.constant 0 : i32
    %c0_i32_1 = arith.constant 0 : i32
    return %c0_i32, %c0_i32_0 : i32, i32
  }
  func.func @transform_4(%arg0: i32) -> (i32, i32) {
    %c0_i32 = arith.constant 0 : i32
    %c0_i32_0 = arith.constant 0 : i32
    %c0_i32_1 = arith.constant 0 : i32
    return %c0_i32, %c0_i32_0 : i32, i32
  }
  func.func @transform_5(%arg0: i32) -> (i32, i32) {
    %c0_i32 = arith.constant 0 : i32
    %c0_i32_0 = arith.constant 0 : i32
    %c0_i32_1 = arith.constant 0 : i32
    return %c0_i32, %c0_i32_0 : i32, i32
  }
  func.func @transform_6(%arg0: i32) -> (i32, i32) {
    %c0_i32 = arith.constant 0 : i32
    %c0_i32_0 = arith.constant 0 : i32
    %c0_i32_1 = arith.constant 0 : i32
    return %c0_i32, %c0_i32_0 : i32, i32
  }
  func.func @transform_7(%arg0: i32) -> (i32, i32, i32) {
    %c0_i32 = arith.constant 0 : i32
    %c0_i32_0 = arith.constant 0 : i32
    %c0_i32_1 = arith.constant 0 : i32
    return %c0_i32, %arg0, %c0_i32_0 : i32, i32, i32
  }
  func.func @transform_8(%arg0: i32) -> (i32, i32) {
    %c0_i32 = arith.constant 0 : i32
    %c0_i32_0 = arith.constant 0 : i32
    return %arg0, %c0_i32 : i32, i32
  }
  func.func @transform_9(%arg0: i32) -> (i32, i32) {
    %c0_i32 = arith.constant 0 : i32
    %c0_i32_0 = arith.constant 0 : i32
    return %arg0, %c0_i32 : i32, i32
  }
}

module attributes {stable_mosaic.version = 14 : i64} {
  func.func @_tcb_body(%arg0: i32, %arg1: memref<2x1000x128xf32, #tpu.memory_space<vmem>>, %arg2: memref<1000x1xf32, #tpu.memory_space<vmem>>, %arg3: memref<1000x256xf32, #tpu.memory_space<vmem>>, %arg4: memref<256x256xf32, #tpu.memory_space<vmem>>, %arg5: memref<2x1000x128xf32, #tpu.memory_space<vmem>>) attributes {dimension_semantics = [#tpu.dimension_semantics<arbitrary>], iteration_bounds = array<i64: 10>, scalar_prefetch = 0 : i64, scratch_operands = 0 : i64, tpu.core_type = #tpu.core_type<tc>, window_params = [{transform_indices = @transform_0, window_bounds = array<i64: 2, 1000, 128>}, {transform_indices = @transform_1, window_bounds = array<i64: 1000, 1>}, {transform_indices = @transform_2, window_bounds = array<i64: 1000, 256>}, {pipeline_mode = #tpu.pipeline_mode<synchronous>, transform_indices = @transform_3, window_bounds = array<i64: 256, 256>}, {transform_indices = @transform_4, window_bounds = array<i64: 2, 1000, 128>}]} {
    %get3A = arith.constant 0 : index
    %get3A_0 = arith.constant 0 : index
    %get3A_1 = vector.load %arg2[%get3A, %get3A_0] : memref<1000x1xf32, #tpu.memory_space<vmem>>, vector<1000x1xf32>
    %max3A = arith.constant 1.000000e+00 : f32
    %max3A_2 = vector.broadcast %max3A : f32 to vector<1000x1xf32>
    %max3A_3 = arith.maximumf %get3A_1, %max3A_2 : vector<1000x1xf32>
    %div3A = arith.constant 1.000000e+00 : f32
    %div3A_4 = vector.broadcast %div3A : f32 to vector<1000x1xf32>
    %div3A_5 = arith.divf %div3A_4, %max3A_3 : vector<1000x1xf32>
    %get3A_6 = arith.constant 0 : index
    %get3A_7 = arith.constant 0 : index
    %get3A_8 = arith.constant 0 : index
    %get3A_9 = vector.load %arg1[%get3A_6, %get3A_7, %get3A_8] : memref<2x1000x128xf32, #tpu.memory_space<vmem>>, vector<1x1000x128xf32>
    %get3A_10 = vector.shape_cast %get3A_9 : vector<1x1000x128xf32> to vector<1000x128xf32>
    %get3A_11 = arith.constant 1 : index
    %get3A_12 = arith.constant 0 : index
    %get3A_13 = arith.constant 0 : index
    %get3A_14 = vector.load %arg1[%get3A_11, %get3A_12, %get3A_13] : memref<2x1000x128xf32, #tpu.memory_space<vmem>>, vector<1x1000x128xf32>
    %get3A_15 = vector.shape_cast %get3A_14 : vector<1x1000x128xf32> to vector<1000x128xf32>
    %concatenate3A = tpu.concatenate %get3A_10, %get3A_15 in 1 : vector<1000x128xf32>, vector<1000x128xf32> -> vector<1000x256xf32>
    %mul3A = vector.broadcast %div3A_5 : vector<1000x1xf32> to vector<1000x256xf32>
    %mul3A_16 = arith.mulf %concatenate3A, %mul3A : vector<1000x256xf32>
    %get3A_17 = arith.constant 0 : index
    %get3A_18 = arith.constant 0 : index
    %get3A_19 = vector.load %arg3[%get3A_17, %get3A_18] : memref<1000x256xf32, #tpu.memory_space<vmem>>, vector<1000x256xf32>
    %add3A = arith.addf %mul3A_16, %get3A_19 : vector<1000x256xf32>
    %max3A_20 = arith.constant 0.000000e+00 : f32
    %max3A_21 = vector.broadcast %max3A_20 : f32 to vector<1000x256xf32>
    %max3A_22 = arith.maximumf %add3A, %max3A_21 : vector<1000x256xf32>
    %get3A_23 = arith.constant 0 : index
    %get3A_24 = arith.constant 0 : index
    %get3A_25 = vector.load %arg4[%get3A_23, %get3A_24] : memref<256x256xf32, #tpu.memory_space<vmem>>, vector<256x256xf32>
    %dot_general3A = arith.constant dense<0.000000e+00> : vector<1000x256xf32>
    %dot_general3A_26 = tpu.matmul %max3A_22, %get3A_25, %dot_general3A {dimension_numbers = #tpu.dot_dimension_numbers<[1], [1], [0], [0], [0, 0, 1, 0], [], []>, transpose_lhs_hint = false} : vector<1000x256xf32>, vector<256x256xf32>, vector<1000x256xf32> -> vector<1000x256xf32>
    %slice3A = vector.extract_strided_slice %dot_general3A_26 {offsets = [0, 0], sizes = [1000, 128], strides = [1, 1]} : vector<1000x256xf32> to vector<1000x128xf32>
    %swap3A = arith.constant 0 : index
    %swap3A_27 = arith.constant 0 : index
    %swap3A_28 = arith.constant 0 : index
    %swap3A_29 = vector.load %arg5[%swap3A, %swap3A_27, %swap3A_28] : memref<2x1000x128xf32, #tpu.memory_space<vmem>>, vector<1x1000x128xf32>
    %swap3A_30 = vector.shape_cast %swap3A_29 : vector<1x1000x128xf32> to vector<1000x128xf32>
    %swap3A_31 = vector.shape_cast %slice3A : vector<1000x128xf32> to vector<1x1000x128xf32>
    tpu.vector_store %arg5[%swap3A, %swap3A_27, %swap3A_28], %swap3A_31 {strides = array<i32>} : memref<2x1000x128xf32, #tpu.memory_space<vmem>>, vector<1x1000x128xf32>,
    %slice3A_32 = vector.extract_strided_slice %dot_general3A_26 {offsets = [0, 128], sizes = [1000, 128], strides = [1, 1]} : vector<1000x256xf32> to vector<1000x128xf32>
    %swap3A_33 = arith.constant 1 : index
    %swap3A_34 = arith.constant 0 : index
    %swap3A_35 = arith.constant 0 : index
    %swap3A_36 = vector.load %arg5[%swap3A_33, %swap3A_34, %swap3A_35] : memref<2x1000x128xf32, #tpu.memory_space<vmem>>, vector<1x1000x128xf32>
    %swap3A_37 = vector.shape_cast %swap3A_36 : vector<1x1000x128xf32> to vector<1000x128xf32>
    %swap3A_38 = vector.shape_cast %slice3A_32 : vector<1000x128xf32> to vector<1x1000x128xf32>
    tpu.vector_store %arg5[%swap3A_33, %swap3A_34, %swap3A_35], %swap3A_38 {strides = array<i32>} : memref<2x1000x128xf32, #tpu.memory_space<vmem>>, vector<1x1000x128xf32>,
    return
  }
  func.func @transform_0(%arg0: i32) -> (i32, i32, i32) {
    %c0_i32 = arith.constant 0 : i32
    %c0_i32_0 = arith.constant 0 : i32
    %c0_i32_1 = arith.constant 0 : i32
    return %c0_i32, %arg0, %c0_i32_0 : i32, i32, i32
  }
  func.func @transform_1(%arg0: i32) -> (i32, i32) {
    %c0_i32 = arith.constant 0 : i32
    %c0_i32_0 = arith.constant 0 : i32
    return %arg0, %c0_i32 : i32, i32
  }
  func.func @transform_2(%arg0: i32) -> (i32, i32) {
    %c0_i32 = arith.constant 0 : i32
    %c0_i32_0 = arith.constant 0 : i32
    return %arg0, %c0_i32 : i32, i32
  }
  func.func @transform_3(%arg0: i32) -> (i32, i32) {
    %c0_i32 = arith.constant 0 : i32
    %c0_i32_0 = arith.constant 0 : i32
    %c0_i32_1 = arith.constant 0 : i32
    return %c0_i32, %c0_i32_0 : i32, i32
  }
  func.func @transform_4(%arg0: i32) -> (i32, i32, i32) {
    %c0_i32 = arith.constant 0 : i32
    %c0_i32_0 = arith.constant 0 : i32
    %c0_i32_1 = arith.constant 0 : i32
    return %c0_i32, %arg0, %c0_i32_0 : i32, i32, i32
  }
}

module attributes {stable_mosaic.version = 14 : i64} {
  func.func @_tcc_body(%arg0: i32, %arg1: memref<2x1000x128xf32, #tpu.memory_space<vmem>>, %arg2: memref<1000x1xf32, #tpu.memory_space<vmem>>, %arg3: memref<1000x256xf32, #tpu.memory_space<vmem>>, %arg4: memref<256x256xf32, #tpu.memory_space<vmem>>, %arg5: memref<1x256xf32, #tpu.memory_space<vmem>>, %arg6: memref<1000x256xf32, #tpu.memory_space<vmem>>) attributes {dimension_semantics = [#tpu.dimension_semantics<arbitrary>], iteration_bounds = array<i64: 10>, scalar_prefetch = 0 : i64, scratch_operands = 0 : i64, tpu.core_type = #tpu.core_type<tc>, window_params = [{transform_indices = @transform_0, window_bounds = array<i64: 2, 1000, 128>}, {transform_indices = @transform_1, window_bounds = array<i64: 1000, 1>}, {transform_indices = @transform_2, window_bounds = array<i64: 1000, 256>}, {pipeline_mode = #tpu.pipeline_mode<synchronous>, transform_indices = @transform_3, window_bounds = array<i64: 256, 256>}, {pipeline_mode = #tpu.pipeline_mode<synchronous>, transform_indices = @transform_4, window_bounds = array<i64: 1, 256>}, {transform_indices = @transform_5, window_bounds = array<i64: 1000, 256>}]} {
    %get3A = arith.constant 0 : index
    %get3A_0 = arith.constant 0 : index
    %get3A_1 = vector.load %arg2[%get3A, %get3A_0] : memref<1000x1xf32, #tpu.memory_space<vmem>>, vector<1000x1xf32>
    %max3A = arith.constant 1.000000e+00 : f32
    %max3A_2 = vector.broadcast %max3A : f32 to vector<1000x1xf32>
    %max3A_3 = arith.maximumf %get3A_1, %max3A_2 : vector<1000x1xf32>
    %div3A = arith.constant 1.000000e+00 : f32
    %div3A_4 = vector.broadcast %div3A : f32 to vector<1000x1xf32>
    %div3A_5 = arith.divf %div3A_4, %max3A_3 : vector<1000x1xf32>
    %get3A_6 = arith.constant 0 : index
    %get3A_7 = arith.constant 0 : index
    %get3A_8 = arith.constant 0 : index
    %get3A_9 = vector.load %arg1[%get3A_6, %get3A_7, %get3A_8] : memref<2x1000x128xf32, #tpu.memory_space<vmem>>, vector<1x1000x128xf32>
    %get3A_10 = vector.shape_cast %get3A_9 : vector<1x1000x128xf32> to vector<1000x128xf32>
    %get3A_11 = arith.constant 1 : index
    %get3A_12 = arith.constant 0 : index
    %get3A_13 = arith.constant 0 : index
    %get3A_14 = vector.load %arg1[%get3A_11, %get3A_12, %get3A_13] : memref<2x1000x128xf32, #tpu.memory_space<vmem>>, vector<1x1000x128xf32>
    %get3A_15 = vector.shape_cast %get3A_14 : vector<1x1000x128xf32> to vector<1000x128xf32>
    %concatenate3A = tpu.concatenate %get3A_10, %get3A_15 in 1 : vector<1000x128xf32>, vector<1000x128xf32> -> vector<1000x256xf32>
    %mul3A = vector.broadcast %div3A_5 : vector<1000x1xf32> to vector<1000x256xf32>
    %mul3A_16 = arith.mulf %concatenate3A, %mul3A : vector<1000x256xf32>
    %get3A_17 = arith.constant 0 : index
    %get3A_18 = arith.constant 0 : index
    %get3A_19 = vector.load %arg3[%get3A_17, %get3A_18] : memref<1000x256xf32, #tpu.memory_space<vmem>>, vector<1000x256xf32>
    %add3A = arith.addf %mul3A_16, %get3A_19 : vector<1000x256xf32>
    %max3A_20 = arith.constant 0.000000e+00 : f32
    %max3A_21 = vector.broadcast %max3A_20 : f32 to vector<1000x256xf32>
    %max3A_22 = arith.maximumf %add3A, %max3A_21 : vector<1000x256xf32>
    %get3A_23 = arith.constant 0 : index
    %get3A_24 = arith.constant 0 : index
    %get3A_25 = vector.load %arg4[%get3A_23, %get3A_24] : memref<256x256xf32, #tpu.memory_space<vmem>>, vector<256x256xf32>
    %dot_general3A = arith.constant dense<0.000000e+00> : vector<1000x256xf32>
    %dot_general3A_26 = tpu.matmul %max3A_22, %get3A_25, %dot_general3A {dimension_numbers = #tpu.dot_dimension_numbers<[1], [1], [0], [0], [0, 0, 1, 0], [], []>, transpose_lhs_hint = false} : vector<1000x256xf32>, vector<256x256xf32>, vector<1000x256xf32> -> vector<1000x256xf32>
    %get3A_27 = arith.constant 0 : index
    %get3A_28 = arith.constant 0 : index
    %get3A_29 = vector.load %arg5[%get3A_27, %get3A_28] : memref<1x256xf32, #tpu.memory_space<vmem>>, vector<1x256xf32>
    %add3A_30 = vector.broadcast %get3A_29 : vector<1x256xf32> to vector<1000x256xf32>
    %add3A_31 = arith.addf %dot_general3A_26, %add3A_30 : vector<1000x256xf32>
    %swap3A = arith.constant 0 : index
    %swap3A_32 = arith.constant 0 : index
    %swap3A_33 = vector.load %arg6[%swap3A, %swap3A_32] : memref<1000x256xf32, #tpu.memory_space<vmem>>, vector<1000x256xf32>
    tpu.vector_store %arg6[%swap3A, %swap3A_32], %add3A_31 {strides = array<i32>} : memref<1000x256xf32, #tpu.memory_space<vmem>>, vector<1000x256xf32>,
    return
  }
  func.func @transform_0(%arg0: i32) -> (i32, i32, i32) {
    %c0_i32 = arith.constant 0 : i32
    %c0_i32_0 = arith.constant 0 : i32
    %c0_i32_1 = arith.constant 0 : i32
    return %c0_i32, %arg0, %c0_i32_0 : i32, i32, i32
  }
  func.func @transform_1(%arg0: i32) -> (i32, i32) {
    %c0_i32 = arith.constant 0 : i32
    %c0_i32_0 = arith.constant 0 : i32
    return %arg0, %c0_i32 : i32, i32
  }
  func.func @transform_2(%arg0: i32) -> (i32, i32) {
    %c0_i32 = arith.constant 0 : i32
    %c0_i32_0 = arith.constant 0 : i32
    return %arg0, %c0_i32 : i32, i32
  }
  func.func @transform_3(%arg0: i32) -> (i32, i32) {
    %c0_i32 = arith.constant 0 : i32
    %c0_i32_0 = arith.constant 0 : i32
    %c0_i32_1 = arith.constant 0 : i32
    return %c0_i32, %c0_i32_0 : i32, i32
  }
  func.func @transform_4(%arg0: i32) -> (i32, i32) {
    %c0_i32 = arith.constant 0 : i32
    %c0_i32_0 = arith.constant 0 : i32
    %c0_i32_1 = arith.constant 0 : i32
    return %c0_i32, %c0_i32_0 : i32, i32
  }
  func.func @transform_5(%arg0: i32) -> (i32, i32) {
    %c0_i32 = arith.constant 0 : i32
    %c0_i32_0 = arith.constant 0 : i32
    return %arg0, %c0_i32 : i32, i32
  }
}

</mosaic_0001>

<sc_bundles>
// kernel: kernel.11.cloned.1.call-start
scs
__scs_entry_jumppad:
0x0: {  	(pc) =	sbr.rel $0x88, $3  }
0x1: {  	(tag) =	ssettag $0x0;
	lr =	simm.s32 $0x1  }
0x2: {  	[smem:$0x3F95] =	sst lr;
	_ =	strace $0xD0000000  }
0x3: {  	_ = 	snop  }
0x4: {  	_ = 	snop  }
0x5: {  	_ = 	snop  }
0x6: {  	_ = 	snop  }
0x7: {  	_ = 	snop  }
__scs_overlays_trampoline_lowered:
0x8: {  	[smem:$0x3FA4] =	sst s0  }
0x9: {  	[smem:$0x3FA5] =	sst s1  }
0xa: {  	[smem:$0x3FA6] =	sst s2  }
0xb: {  	[smem:$0x3FA7] =	sst s3  }
0xc: {  	[smem:$0x3FA8] =	sst s4  }
0xd: {  	[smem:$0x3FA9] =	sst s5  }
0xe: {  	[smem:$0x3FAA] =	sst s6  }
0xf: {  	[smem:$0x3FAB] =	sst s7  }
0x10: {  	[smem:$0x3FAC] =	sst s8  }
0x11: {  	[smem:$0x3FAD] =	sst s9;
	s0 =	simm.s32 @!p0 $0x0  }
0x12: {  	s1 =	sld [smem:$0x3F93];
	s0 =	simm.s32 @p0 $0x1  }
0x13: {  	[smem:$0x3FAE] =	sst s0;
	s0 =	simm.s32 @!p1 $0x0  }
0x14: {  	s2 =	sld [smem:$0x3F92];
	s0 =	simm.s32 @p1 $0x1  }
0x15: {  	[smem:$0x3FAF] =	sst s0;
	s0 =	simm.s32 @!p2 $0x0  }
0x16: {  	s3 =	sld [smem:$0x3FDB];
	s0 =	simm.s32 @p2 $0x1  }
0x17: {  	s4 =	simm.s32 $0x1BF5;
	[smem:$0x3FB1] =	sst s0  }
0x18: {  	s0 =	sld [smem:$0x3F94];
	_ =	swait.ge [sflag:s4], $0x0  }
0x19: {  	s7 =	sld [smem:$0x3F95]  }
0x1a: {  	s8 =	sadd.s32 $0xFFFFE003, lr  }
0x1b: {  	s9 =	sadd.s32 $0xFFFFFEF7, lr;
	s5 =	simm.s32 $0xFFFFFFFF;
	p2 =	slt.u32 s8, $0xFFFFF086  }
0x1c: {  	p1 =	slt.u32 s9, $0xF7A;
	s5 =	simm.s32 @!p2 $0x0  }
0x1d: {  	s5 =	simm.s32 @p1 $0x1;
	p0 =	seq.s32 s7, s2  }
0x1e: {  	s7 =	smul.u32 @!p0 $0xF7A, s2;
	p2 =	seq.s32 @!p0 s5, $0x0  }
0x1f: {  	s9 =	smul.u32 $0xF7A, s1;
	s8 =	simm.s32 @!p0 $0x1BF5;
	p2 =	por !p2, p0  }
0x20: {  	[sflag:s8] =	ssyncset.s32 @!p0 $0xFFFFF086;
	s6 =	sadd.s32 @!p0 s3, s7;
	s7 =	simm.s32 @!p0 $0x108  }
0x21: {  	s3 =	sadd.s32 s3, s9;
	s6 =	sadd.s32 @!p0 $0x88, s6;
	s7 =	simm.s32 @p2 $0x1082  }
0x22: {  	[simem:s7], [sflag:s8] =	dma.local @!p0 [hbm:s6], $0xF7A  }
0x23: {  	s9 =	sor.u32 $0xD0000000, s2;
	s6 =	simm.s32 $0x108;
	_ =	swait.ge @!p0 [sflag:s8], $0x0  }
0x24: {  	s3 =	sadd.s32 $0x88, s3;
	s6 =	simm.s32 @!p1 $0x1082;
	[sflag:s4] =	ssyncset.s32 $0xFFFFF086  }
0x25: {  	[simem:s6], [sflag:s4] =	dma.local [hbm:s3], $0xF7A  }
0x26: {  	[smem:$0x3F95] =	sst s1;
	(tag) =	ssettag s2;
	_ =	strace s9  }
0x27: {  	s1 =	sld [smem:$0x3FA5]  }
0x28: {  	s2 =	sld [smem:$0x3FA6]  }
0x29: {  	s4 =	sld [smem:$0x3FA8]  }
0x2a: {  	p0 =	seq.s32 s5, $0x0;
	s5 =	sld [smem:$0x3FA9]  }
0x2b: {  	s6 =	sld [smem:$0x3FAA]  }
0x2c: {  	s7 =	sld [smem:$0x3FAB]  }
0x2d: {  	s3 =	simm.s32 $0x108;
	s8 =	sld [smem:$0x3FAC]  }
0x2e: {  	s3 =	simm.s32 @!p0 $0x1082;
	s9 =	sld [smem:$0x3FAD]  }
0x2f: {  	lr =	sadd.s32 s0, s3;
	s0 =	sld [smem:$0x3FA4]  }
0x30: {  	s3 =	sld [smem:$0x3FA7]  }
0x31: {  	[smem:$0x3FB0] =	sst s10  }
0x32: {  	s10 =	sld [smem:$0x3FAE];
	_ =	sdelay $0x3  }
0x33: {  	p0 =	seq.s32 s10, $0x1;
	s10 =	sld [smem:$0x3FB0];
	_ =	sdelay $0x3  }
0x34: {  	[smem:$0x3FB0] =	sst s10  }
0x35: {  	s10 =	sld [smem:$0x3FAF];
	_ =	sdelay $0x3  }
0x36: {  	p1 =	seq.s32 s10, $0x1;
	s10 =	sld [smem:$0x3FB0];
	_ =	sdelay $0x3  }
0x37: {  	[smem:$0x3FB0] =	sst s10  }
0x38: {  	s10 =	sld [smem:$0x3FB1]  }
0x39: {  	_ = 	snop;
	(pc) =	sbr.ind lr, $3  }
0x3a: {  	_ = 	snop  }
0x3b: {  	_ = 	snop  }
0x3c: {  	p2 =	seq.s32 s10, $0x1;
	s10 =	sld [smem:$0x3FB0]  }
0x3d: {  	_ =	shalt  }
0x3e: {  	_ =	shalt  }
0x3f: {  	_ =	shalt  }
0x40: {  	_ =	shalt  }
0x41: {  	_ =	shalt  }
0x42: {  	_ =	shalt  }
0x43: {  	_ =	shalt  }
0x44: {  	_ =	shalt  }
0x45: {  	_ =	shalt  }
0x46: {  	_ =	shalt  }
0x47: {  	_ =	shalt  }
0x48: {  	_ =	shalt  }
0x49: {  	_ =	shalt  }
0x4a: {  	_ =	shalt  }
0x4b: {  	_ =	shalt  }
0x4c: {  	_ =	shalt  }
0x4d: {  	_ =	shalt  }
0x4e: {  	_ =	shalt  }
0x4f: {  	_ =	shalt  }
0x50: {  	_ =	shalt  }
0x51: {  	_ =	shalt  }
0x52: {  	_ =	shalt  }
0x53: {  	_ =	shalt  }
0x54: {  	_ =	shalt  }
0x55: {  	_ =	shalt  }
0x56: {  	_ =	shalt  }
0x57: {  	_ =	shalt  }
0x58: {  	_ =	shalt  }
0x59: {  	_ =	shalt  }
0x5a: {  	_ =	shalt  }
0x5b: {  	_ =	shalt  }
0x5c: {  	_ =	shalt  }
0x5d: {  	_ =	shalt  }
0x5e: {  	_ =	shalt  }
0x5f: {  	_ =	shalt  }
0x60: {  	_ =	shalt  }
0x61: {  	_ =	shalt  }
0x62: {  	_ =	shalt  }
0x63: {  	_ =	shalt  }
0x64: {  	_ =	shalt  }
0x65: {  	_ =	shalt  }
0x66: {  	_ =	shalt  }
0x67: {  	_ =	shalt  }
0x68: {  	_ =	shalt  }
0x69: {  	_ =	shalt  }
0x6a: {  	_ =	shalt  }
0x6b: {  	_ =	shalt  }
0x6c: {  	_ =	shalt  }
0x6d: {  	_ =	shalt  }
0x6e: {  	_ =	shalt  }
0x6f: {  	_ =	shalt  }
0x70: {  	_ =	shalt  }
0x71: {  	_ =	shalt  }
0x72: {  	_ =	shalt  }
0x73: {  	_ =	shalt  }
0x74: {  	_ =	shalt  }
0x75: {  	_ =	shalt  }
0x76: {  	_ =	shalt  }
0x77: {  	_ =	shalt  }
0x78: {  	_ =	shalt  }
0x79: {  	_ =	shalt  }
0x7a: {  	_ =	shalt  }
0x7b: {  	_ =	shalt  }
0x7c: {  	_ =	shalt  }
0x7d: {  	_ =	shalt  }
0x7e: {  	_ =	shalt  }
0x7f: {  	_ =	shalt  }
0x80: {  	_ =	shalt  }
0x81: {  	_ =	shalt  }
0x82: {  	_ =	shalt  }
0x83: {  	_ =	shalt  }
0x84: {  	_ =	shalt  }
0x85: {  	_ =	shalt  }
0x86: {  	_ =	shalt  }
0x87: {  	_ =	shalt  }
.Lfunc_end0:
.L_simem_size_0:
called_computation.1_lowered:
.L_overlay_start_0:
0x88: {  	s2 =	sld [smem:$0x3FD9]  }
0x89: {  	s3 =	sld [smem:$0x3FFE];
	_ =	sdelay $0x1  }
0x8a: {  	s1 =	srdreg.scid  }
0x8b: {  	s0 =	sand.u32 $0x1, s1  }
0x8c: {  	s17 =	sshll.u32 s0, $0xA;
	s2 =	sadd.s32 s3, s2  }
0x8d: {  	s2 =	sadd.s32 s2, s17  }
0x8e: {  	[smem:$0x3FBC] =	sst s2  }
0x8f: {  	_ = 	snop  }
0x90: {  	s18 =	sld [smem:$0x3FD0];
	(tm) =	ssettm $0x1  }
0x91: {  	s19 =	sld [smem:$0x3FFB];
	_ =	sdelay $0x3  }
0x92: {  	_ =	strace s19  }
0x93: {  	s2 =	sld [smem:$0x3FFC];
	_ =	sdelay $0x3  }
0x94: {  	_ =	strace s2  }
0x95: {  	s2 =	sld [smem:$0x3FFD];
	_ =	sdelay $0x3  }
0x96: {  	_ =	strace s2  }
0x97: {  	_ =	strace $0x8FFFFFFF  }
0x98: {  	s20 =	sld [smem:$0x3FDB];
	_ =	sdelay $0x1  }
0x99: {  	s4 =	simm.s32 $_scs_section_size  }
0x9a: {  	s5 =	simm.s32 $_size__tile_overlayer_lowered;
	s6 =	simm.s32 $_tile_overlayer_lowered  }
0x9b: {  	s7 =	simm.s32 $0x1BFF;
	s21 =	sshll.u32 s6, $0x1;
	s4 =	sadd.s32 s4, s20  }
0x9c: {  	s22 =	simm.s32 $0x0;
	s5 =	sshll.u32 s5, $0x1;
	s6 =	sadd.s32 s21, s4  }
0x9d: {  	[timem:s22], [sflag:s7] =	dma.local [hbm:s6], s5  }
0x9e: {  	_ =	swait.ge [sflag:s7], s5  }
0x9f: {  	s5 =	ssub.s32 $0x0, s5;
	[sflag:s7] =	ssyncset.done $0x0  }
0xa0: {  	[sflag:s7] =	ssyncadd.s32 s5;
	_ =	sdelay $0x1  }
0xa1: {  	s23 =	simm.s32 $0x1B8B  }
0xa2: {  	_ =	swait.ge [sflag:s23], $0x1  }
0xa3: {  	[sflag:s23] =	ssyncset.done $0x0  }
0xa4: {  	[sflag:s23] =	ssyncadd.s32 $0xFFFFFFFF  }
0xa5: {  	s5 =	sld [smem:$0x0]  }
0xa6: {  	s6 =	sand.u32 $0xFFFFFFFE, s1  }
0xa7: {  	p0 =	sne.s32 s1, s6  }
0xa8: {  	s6 =	sshll.u32 @p0 s6, $0xE  }
0xa9: {  	s6 =	sadd.s32 @p0 $0x11B8D, s6;
	s7 =	sshll.u32 @p0 s5, $0x11  }
0xaa: {  	s6 =	sor.u32 @p0 s7, s6  }
0xab: {  	[sflag:s6] =	ssyncadd.remote.s32 @p0 $0x1;
	_ =	sdelay $0x1  }
0xac: {  	s6 =	simm.s32 @p0 $0x1B8D  }
0xad: {  	_ =	swait.eq @p0 [sflag:s6], $0x1  }
0xae: {  	[sflag:s6] =	ssyncadd.s32 @p0 $0xFFFFFFFF  }
0xaf: {  	s7 =	sshll.u32 @!p0 s1, $0xE  }
0xb0: {  	s7 =	sor.u32 @!p0 $0x4000, s7;
	s6 =	simm.s32 @!p0 $0x1B8D  }
0xb1: {  	s5 =	sshll.u32 @!p0 s5, $0x11;
	s7 =	sadd.s32 @!p0 $0x11B8D, s7;
	_ =	swait.eq @!p0 [sflag:s6], $0x1  }
0xb2: {  	s5 =	sor.u32 @!p0 s5, s7;
	[sflag:s6] =	ssyncadd.s32 @!p0 $0xFFFFFFFF  }
0xb3: {  	s25 =	simm.s32 $0x1B8E;
	s24 =	sld [smem:$0x3FFE];
	[sflag:s5] =	ssyncadd.remote.s32 @!p0 $0x1  }
0xb4: {  	s26 =	simm.s32 $execute0_lowered;
	[smem:$0x3FD2] =	sst s25  }
0xb5: {  	s6 =	sshll.u32 s26, $0x1;
	_ =	strace $0x80000049;
	[dreg:$0x1] =	wrdreg $0xFFFFFFFF  }
0xb6: {  	s28 =	simm.s32 $_size_execute0_lowered;
	s4 =	sadd.s32 s4, s6;
	[dreg:$0x0] =	wrdreg $0x0  }
0xb7: {  	s6 =	sshll.u32 s28, $0x1;
	[dreg:$0x2] =	wrdreg s4  }
0xb8: {  	[dreg:$0x3] =	wrdreg s6  }
0xb9: {  	[dreg:$0x4] =	wrdreg $0xC0  }
0xba: {  	_ =	task [dreg:s22], $0x5FFFF  }
0xbb: {  	[dreg:$0x1] =	wrdreg $0xFFFFFFFF  }
0xbc: {  	[dreg:$0x0] =	wrdreg $0x60  }
0xbd: {  	[dreg:$0x2] =	wrdreg s18  }
0xbe: {  	[dreg:$0x3] =	wrdreg s24  }
0xbf: {  	[dreg:$0x4] =	wrdreg $0x0  }
0xc0: {  	[dreg:$0x5] =	wrdreg $0xA  }
0xc1: {  	_ =	task.clear_ibuf [dreg:s22], $0x6FFFF;
	_ =	strace $0x90000049  }
0xc2: {  	s29 =	simm.s32 $0xA;
	_ =	strace $0x8000004B  }
0xc3: {  	_ =	swait.ge [sflag:s29], $0x1  }
0xc4: {  	[sflag:s29] =	ssyncadd.s32 $0xFFFFFFFF  }
0xc5: {  	_ =	strace $0x9000004B  }
0xc6: {  	_ =	sfence  }
0xc7: {  	s30 =	sld [smem:$0x0];
	_ =	sdelay $0x2  }
0xc8: {  	s31 =	sshll.u32 s1, $0xD;
	s1 =	sshrl.u32 s1, $0x2  }
0xc9: {  	s4 =	sand.u32 $0x4000, s31;
	s1 =	sadd.s32 s1, s30  }
0xca: {  	s0 =	sor.u32 s4, s0;
	s1 =	sshll.u32 s1, $0x11  }
0xcb: {  	s0 =	sor.u32 s1, s0  }
0xcc: {  	s0 =	sadd.s32 $0x8F2B, s0  }
0xcd: {  	[sflag:s0] =	ssyncadd.remote.s32 $0x1  }
0xce: {  	_ =	sfence.sel $0xFFFF  }
0xcf: {  	[dreg:$0x0] =	wrdreg $0xFFFFFFFF;
	(pc) =	sbr.abs _section_cstart, $3  }
0xd0: {  	[dreg:$0x1] =	wrdreg $0xFFFFFFFF  }
0xd1: {  	_ =	task.clear_ibuf [dreg:s22], $0x2FFFF;
	_ =	strace $0x9FFFFFFF  }
0xd2: {  	(tm) =	ssettm $0x7FFFFFFF  }
0xd3: {  	_ =	shalt  }
tec
execute0_lowered:
.L_overlay_start_1:
0x0: {  	(tag) =	ssettag $0x1  }
0x1: {  	s1 =	rddreg [dreg:$0x0]  }
0x2: {  	s0 =	srdreg.scid;
	s28 =	stileid.u32  }
0x3: {  	s2 =	rddreg [dreg:$0x1];
	s4 =	sand.u32 $0x1, s0;
	s8 =	smul.u32 $0x50, s28  }
0x4: {  	s3 =	rddreg [dreg:$0x2];
	s29 =	simm.s32 $0x4;
	s5 =	smul.u32 $0x2710, s4  }
0x5: {  	s30 =	simm.s32 $0x80;
	s7 =	sor.u32 $0x10, s28;
	s6 =	smul.u32 $0x27100, s4  }
0x6: {  	s31 =	simm.s32 $0x17A00;
	s10 =	sor.u32 $0x20, s28;
	s11 =	smul.u32 $0x50, s7  }
0x7: {  	s0 =	sadd.s32 $0xBBA00, s2;
	s12 =	sor.u32 $0x30, s28;
	s13 =	smul.u32 $0x50, s10  }
0x8: {  	s9 =	sadd.s32 $0x6800, s2;
	s14 =	sor.u32 $0x40, s28;
	s15 =	smul.u32 $0x50, s12  }
0x9: {  	s2 =	sadd.s32 $0xC5800, s2;
	s21 =	sor.u32 $0x50, s28;
	s17 =	smul.u32 $0x50, s14  }
0xa: {  	s22 =	sor.u32 $0x60, s28;
	s18 =	sor.u32 $0x4E0, s28;
	s25 =	smul.u32 $0x50, s21  }
0xb: {  	s23 =	sor.u32 $0x70, s28;
	p1 =	sgt.u32 s28, $0x1;
	s19 =	smul.u32 $0x50, s22  }
0xc: {  	s4 =	ssub.s32 $0x2, s4;
	s20 =	smul.u32 $0x50, s23;
	s26 =	sshll.u32 s18, $0x7  }
0xd: {  	s7 =	smul.u32 $0xA000, s7;
	p0 =	sgt.u32 s23, $0x7C;
	s16 =	sshrl.u32 s4, $0x1  }
0xe: {  	s23 =	smul.u32 $0xA000, s23;
	s4 =	ssub.s32 s4, s16;
	s8 =	sadd.s32 s5, s8  }
0xf: {  	s11 =	sadd.s32 s5, s11;
	s13 =	sadd.s32 s5, s13;
	s15 =	sadd.s32 s5, s15  }
0x10: {  	s17 =	sadd.s32 s5, s17;
	s16 =	sadd.s32 s5, s25;
	s19 =	sadd.s32 s5, s19  }
0x11: {  	s5 =	sadd.s32 s5, s20;
	s20 =	sadd.s32 s6, s26;
	s8 =	sshll.u32 s8, $0x4  }
0x12: {  	s11 =	sshll.u32 s11, $0x4;
	s13 =	sshll.u32 s13, $0x4;
	s24 =	sshll.u32 s15, $0x4  }
0x13: {  	s25 =	sshll.u32 s17, $0x4;
	s15 =	sshll.u32 s19, $0x4;
	s5 =	sshll.u32 s5, $0x4  }
0x14: {  	s17 =	sshll.u32 s28, $0x7;
	s19 =	sshrl.u32 s20, $0x3;
	s8 =	sadd.s32 s2, s8  }
0x15: {  	s20 =	sshll.u32 s18, $0x4;
	s11 =	sadd.s32 s2, s11;
	[dreg:$0x4] =	wrdreg s8  }
0x16: {  	s18 =	smul.u32 $0xA000, s22;
	s26 =	sadd.s32 s2, s24;
	[dreg:$0x5] =	wrdreg s11  }
0x17: {  	s24 =	sshll.u32 s28, $0x4;
	s8 =	sadd.s32 s2, s13;
	[dreg:$0x7] =	wrdreg s26  }
0x18: {  	s11 =	sadd.s32 s2, s25;
	s13 =	sshll.u32 s16, $0x4;
	s16 =	sadd.s32 s2, s15  }
0x19: {  	s26 =	smul.u32 $0xA000, s10;
	s10 =	sshrl.u32 s7, $0x2;
	[dreg:$0x6] =	wrdreg s8  }
0x1a: {  	s7 =	simm.s32 $0x13980;
	[dreg:$0x8] =	wrdreg s11;
	s8 =	sadd.s32 s2, s13  }
0x1b: {  	[dreg:$0xa] =	wrdreg s16;
	s2 =	sadd.s32 s2, s5;
	s13 =	sadd.s32 s24, s9  }
0x1c: {  	s5 =	sadd.s32 s0, s19;
	s16 =	simm.s32 $0x0;
	[dreg:$0x9] =	wrdreg s8  }
0x1d: {  	s11 =	smul.u32 $0xA000, s14;
	[dreg:$0xb] =	wrdreg s2;
	s8 =	sadd.s32 s9, s20  }
0x1e: {  	s2 =	sadd.s32 s17, s6;
	[dreg:$0xd] =	wrdreg s5;
	s9 =	smul.u32 $0xA000, s12  }
0x1f: {  	[smem:$0x7FF] =	sst s16;
	s20 =	sadd.s32 s10, s3;
	s12 =	smul.u32 $0xA000, s21  }
0x20: {  	s14 =	sshrl.u32 s26, $0x2;
	s26 =	sshrl.u32 s23, $0x2;
	s5 =	simm.s32 $0x3  }
0x21: {  	s10 =	simm.s32 $0x5;
	[dreg:$0xc] =	wrdreg s8;
	s25 =	sadd.s32 $0x800, s2  }
0x22: {  	s2 =	sshrl.u32 s2, $0x3;
	s8 =	smax.u32 s4, $0x1;
	s21 =	sadd.s32 s14, s3  }
0x23: {  	s26 =	sadd.s32 s26, s3;
	s4 =	simm.s32 $0x13900;
	s6 =	sshrl.u32 s25, $0x3  }
0x24: {  	s17 =	sadd.s32 s2, s0;
	_ =	strace $0x8000004A;
	[dreg:$0xe] =	wrdreg s8  }
0x25: {  	s2 =	sshrl.u32 s9, $0x2;
	s25 =	sshrl.u32 s18, $0x2;
	s8 =	simm.s32 $0x1  }
0x26: {  	s9 =	simm.s32 $0x2;
	s15 =	sadd.s32 s6, s0;
	s6 =	smul.u32 $0xA000, s28  }
0x27: {  	s22 =	sadd.s32 s2, s3;
	s25 =	sadd.s32 s25, s3;
	s28 =	simm.s32 $0x1BA80  }
0x28: {  	s2 =	simm.s32 $0x13880;
	s0 =	sshrl.u32 s6, $0x2;
	s6 =	sshrl.u32 s11, $0x2  }
0x29: {  	s19 =	sadd.s32 s0, s3;
	s24 =	sadd.s32 s6, s3;
	s0 =	sshrl.u32 s12, $0x2  }
0x2a: {  	s11 =	simm.s32 $0x0;
	[dreg:$0xf] =	wrdreg s24;
	s0 =	sadd.s32 s0, s3  }
0x2b: {  	v0 =	vimm.f32 $0.0e+00;
	v1 =	vimm.s32 $0x0;
	s6 =	simm.s32 $0x17980;
	[dreg:$0x10] =	wrdreg s0;
	s0 =	simm.s32 $0x17A80  }
.LBB2_1:
0x2c: {  	s12 =	simm.s32 $0x0;
	s14 =	simm.s32 $0x200  }
.LBB2_2:
0x2d: {  	p2 =	sne.s32 s14, $0x9E00;
	[tilespmem:s12+$0x1BAF0] =	vst v0  }
0x2e: {  	[tilespmem:s12+$0x1BA80] =	vst v0  }
0x2f: {  	[tilespmem:s12+$0x1BA90] =	vst v0  }
.Ltmp0:
0x30: {  	[tilespmem:s12+$0x1BAA0] =	vst v0;
	(pc) =	sbr.rel @p2 .LBB2_2-.Ltmp0, $4  }
0x31: {  	[tilespmem:s12+$0x1BAB0] =	vst v0  }
0x32: {  	[tilespmem:s12+$0x1BAC0] =	vst v0  }
0x33: {  	[tilespmem:s12+$0x1BAD0] =	vst v0  }
0x34: {  	[tilespmem:s12+$0x1BAE0] =	vst v0;
	s12 =	sshra.s32 s14, $0x2;
	s14 =	sadd.s32 $0x200, s14  }
0x35: {  	[tilespmem:s12+$0x1BAF0] =	vst v0  }
0x36: {  	[tilespmem:s12+$0x1BA80] =	vst v0  }
0x37: {  	[tilespmem:s12+$0x1BA90] =	vst v0  }
0x38: {  	[tilespmem:s12+$0x1BAA0] =	vst v0  }
0x39: {  	[tilespmem:s12+$0x1BAB0] =	vst v0  }
0x3a: {  	[tilespmem:s12+$0x1BAC0] =	vst v0  }
0x3b: {  	[tilespmem:s12+$0x1BAD0] =	vst v0  }
0x3c: {  	[tilespmem:s12+$0x1BAE0] =	vst v0  }
0x3d: {  	[spmem:s19] =	stream.linear.scatter [tilespmem:s28], [sflag:$0x4], $0x2800, $0x38;
	[tilespmem:$0x1E280] =	vst v63  }
0x3e: {  	_ =	swait.ge [sflag:s29], $0x2800  }
0x3f: {  	[sflag:s29] =	ssyncset.done $0x0  }
0x40: {  	[sflag:s29] =	ssyncadd.s32 $0xFFFFD800  }
0x41: {  	[spmem:s20] =	stream.linear.scatter [tilespmem:s28], [sflag:$0x4], $0x2800, $0x38;
	[tilespmem:$0x1E280] =	vst v63  }
0x42: {  	_ =	swait.ge [sflag:s29], $0x2800  }
0x43: {  	[sflag:s29] =	ssyncset.done $0x0  }
0x44: {  	[sflag:s29] =	ssyncadd.s32 $0xFFFFD800  }
0x45: {  	[spmem:s21] =	stream.linear.scatter [tilespmem:s28], [sflag:$0x4], $0x2800, $0x38;
	[tilespmem:$0x1E280] =	vst v63  }
0x46: {  	_ =	swait.ge [sflag:s29], $0x2800  }
0x47: {  	[sflag:s29] =	ssyncset.done $0x0  }
0x48: {  	[sflag:s29] =	ssyncadd.s32 $0xFFFFD800  }
0x49: {  	[spmem:s22] =	stream.linear.scatter [tilespmem:s28], [sflag:$0x4], $0x2800, $0x38;
	[tilespmem:$0x1E280] =	vst v63  }
0x4a: {  	_ =	swait.ge [sflag:s29], $0x2800  }
0x4b: {  	[sflag:s29] =	ssyncset.done $0x0  }
0x4c: {  	s23 =	smov.u32 s21;
	s21 =	rddreg [dreg:$0xf];
	[sflag:s29] =	ssyncadd.s32 $0xFFFFD800  }
0x4d: {  	[spmem:s21] =	stream.linear.scatter [tilespmem:s28], [sflag:$0x4], $0x2800, $0x38;
	[tilespmem:$0x1E280] =	vst v63  }
0x4e: {  	_ =	swait.ge [sflag:s29], $0x2800  }
0x4f: {  	[sflag:s29] =	ssyncset.done $0x0  }
0x50: {  	s24 =	smov.u32 s22;
	s22 =	rddreg [dreg:$0x10];
	[sflag:s29] =	ssyncadd.s32 $0xFFFFD800  }
0x51: {  	[spmem:s22] =	stream.linear.scatter [tilespmem:s28], [sflag:$0x4], $0x2800, $0x38;
	[tilespmem:$0x1E280] =	vst v63  }
0x52: {  	_ =	swait.ge [sflag:s29], $0x2800  }
0x53: {  	[sflag:s29] =	ssyncset.done $0x0  }
0x54: {  	[sflag:s29] =	ssyncadd.s32 $0xFFFFD800  }
0x55: {  	[spmem:s25] =	stream.linear.scatter [tilespmem:s28], [sflag:$0x4], $0x2800, $0x38;
	[tilespmem:$0x1E280] =	vst v63  }
0x56: {  	_ =	swait.ge [sflag:s29], $0x2800  }
0x57: {  	[sflag:s29] =	ssyncset.done $0x0  }
0x58: {  	s12 =	simm.s32 @!p0 $0x1BA80;
	[sflag:s29] =	ssyncadd.s32 $0xFFFFD800  }
0x59: {  	[spmem:s26] =	stream.linear.scatter @!p0 [tilespmem:s12], [sflag:$0x4], $0x2800, $0x38;
	[tilespmem:$0x1E280] =	vst v63  }
0x5a: {  	s12 =	simm.s32 @!p0 $0x4  }
0x5b: {  	_ =	swait.ge @!p0 [sflag:s12], $0x2800  }
0x5c: {  	[sflag:s12] =	ssyncset.done @!p0 $0x0  }
0x5d: {  	[sflag:s12] =	ssyncadd.s32 @!p0 $0xFFFFD800  }
0x5e: {  	s14 =	simm.s32 $0x200;
	s12 =	simm.s32 $0x0;
	[bflag:$0x0] =	sbarrier.arrive $0xFFFF  }
.LBB2_4:
0x5f: {  	p2 =	sne.s32 s14, $0xFE00;
	[tilespmem:s12+$0x17AF0] =	vst v0  }
0x60: {  	[tilespmem:s12+$0x17A80] =	vst v0  }
0x61: {  	[tilespmem:s12+$0x17A90] =	vst v0  }
.Ltmp1:
0x62: {  	[tilespmem:s12+$0x17AA0] =	vst v0;
	(pc) =	sbr.rel @p2 .LBB2_4-.Ltmp1, $4  }
0x63: {  	[tilespmem:s12+$0x17AB0] =	vst v0  }
0x64: {  	[tilespmem:s12+$0x17AC0] =	vst v0  }
0x65: {  	[tilespmem:s12+$0x17AD0] =	vst v0  }
0x66: {  	[tilespmem:s12+$0x17AE0] =	vst v0;
	s12 =	sshra.s32 s14, $0x2;
	s14 =	sadd.s32 $0x200, s14  }
0x67: {  	[tilespmem:s12+$0x17AF0] =	vst v0  }
0x68: {  	[tilespmem:s12+$0x17A80] =	vst v0  }
0x69: {  	[tilespmem:s12+$0x17A90] =	vst v0  }
0x6a: {  	[tilespmem:s12+$0x17AA0] =	vst v0  }
0x6b: {  	[tilespmem:s12+$0x17AB0] =	vst v0  }
0x6c: {  	[tilespmem:s12+$0x17AC0] =	vst v0  }
0x6d: {  	[tilespmem:s12+$0x17AD0] =	vst v0  }
0x6e: {  	[tilespmem:s12+$0x17AE0] =	vst v0  }
0x6f: {  	[tilespmem:$0x17A00] =	vst v1  }
0x70: {  	[tilespmem:$0x17A10] =	vst v1  }
0x71: {  	[tilespmem:$0x17A20] =	vst v1  }
0x72: {  	[tilespmem:$0x17A30] =	vst v1  }
0x73: {  	[tilespmem:$0x17A40] =	vst v1  }
0x74: {  	[tilespmem:$0x17A50] =	vst v1  }
0x75: {  	[tilespmem:$0x17A60] =	vst v1  }
0x76: {  	[tilespmem:$0x17A70] =	vst v1  }
0x77: {  	[spmem:s3] =	stream.indirect.scatter.add.f32 [tilespmem:s0], [sflag:$0x3], $0x80, s31, s30, $0xb8;
	[tilespmem:$0x1E280] =	vst v63  }
0x78: {  	s21 =	smov.u32 s19;
	s19 =	sadd.s32 $0x0, s17  }
0x79: {  	[tilespmem:s2], [sflag:$0x4] =	stream.linear.gather [hbm4b:s19+s16], $0x80, $0x38;
	[tilespmem:$0x1E280] =	vst v63  }
0x7a: {  	_ =	swait.ge [sflag:s29], $0x80  }
0x7b: {  	[sflag:s29] =	ssyncset.done $0x0  }
0x7c: {  	s22 =	smov.u32 s20;
	s20 =	sadd.s32 $0x0, s13;
	[sflag:s29] =	ssyncadd.s32 $0xFFFFFF80  }
0x7d: {  	[tilespmem:s4], [sflag:$0x4] =	stream.linear.gather [hbm4b:s20+s16], $0x80, $0x38;
	[tilespmem:$0x1E280] =	vst v63  }
0x7e: {  	_ =	swait.ge [sflag:s29], $0x80  }
0x7f: {  	[sflag:s29] =	ssyncset.done $0x0  }
0x80: {  	[sflag:s29] =	ssyncadd.s32 $0xFFFFFF80  }
0x81: {  	_ =	swait.ge [sflag:s5], $0x4000  }
0x82: {  	[sflag:s5] =	ssyncset.done $0x0  }
0x83: {  	s14 =	sadd.s32 $0x0, s15;
	[sflag:s5] =	ssyncadd.s32 $0xFFFFC000  }
0x84: {  	[tilespmem:s6], [sflag:$0x4] =	stream.linear.gather [hbm4b:s14+s16], $0x80, $0x38;
	[tilespmem:$0x1E280] =	vst v63  }
0x85: {  	_ =	swait.ge [sflag:s29], $0x80  }
0x86: {  	[sflag:s29] =	ssyncset.done $0x0  }
0x87: {  	s12 =	sadd.s32 $0x100, s20;
	[sflag:s29] =	ssyncadd.s32 $0xFFFFFF80  }
0x88: {  	[tilespmem:s31], [sflag:$0x4] =	stream.linear.gather [hbm4b:s12+s16], $0x80, $0x38;
	[tilespmem:$0x1E280] =	vst v63  }
0x89: {  	_ =	swait.ge [sflag:s29], $0x80  }
0x8a: {  	[sflag:s29] =	ssyncset.done $0x0  }
0x8b: {  	[sflag:s29] =	ssyncadd.s32 $0xFFFFFF80  }
0x8c: {  	[tilespmem:s7], [sflag:$0x1] =	stream.indirect.gather [hbm4b:s1+s30], $0x80, s2, s30, $0xb8;
	[tilespmem:$0x1E280] =	vst v63  }
0x8d: {  	_ = 	snop  }
0x8e: {  	[tilespmem:s0], [sflag:$0x2] =	stream.indirect.gather [hbm4b:s1+s30], $0x80, s6, s30, $0xb8;
	[tilespmem:$0x1E280] =	vst v63  }
0x8f: {  	_ =	swait.ge [sflag:s8], $0x4000  }
0x90: {  	[sflag:s8] =	ssyncset.done $0x0  }
0x91: {  	[sflag:s8] =	ssyncadd.s32 $0xFFFFC000  }
0x92: {  	[spmem:s3] =	stream.indirect.scatter.add.f32 [tilespmem:s7], [sflag:$0x4], $0x80, s4, s30, $0xb8;
	[tilespmem:$0x1E280] =	vst v63  }
0x93: {  	_ =	swait.ge [sflag:s29], $0x4000  }
0x94: {  	[sflag:s29] =	ssyncset.done $0x0  }
0x95: {  	[sflag:s29] =	ssyncadd.s32 $0xFFFFC000  }
0x96: {  	_ =	swait.ge [sflag:s9], $0x4000  }
0x97: {  	[sflag:s9] =	ssyncset.done $0x0  }
0x98: {  	s12 =	simm.s32 $0x200;
	[sflag:s9] =	ssyncadd.s32 $0xFFFFC000  }
.LBB2_6:
0x99: {  	[spmem:s3] =	stream.indirect.scatter.add.f32 [tilespmem:s0], [sflag:$0x3], $0x80, s31, s30, $0xb8;
	[tilespmem:$0x1E280] =	vst v63  }
0x9a: {  	s14 =	smov.u32 s12  }
0x9b: {  	p2 =	sne.s32 s12, $0x4C00;
	s12 =	sadd.s32 $0x200, s12;
	s18 =	sadd.s32 s14, s17  }
0x9c: {  	[tilespmem:s2], [sflag:$0x4] =	stream.linear.gather [hbm4b:s18+s16], $0x80, $0x38;
	[tilespmem:$0x1E280] =	vst v63  }
0x9d: {  	_ =	swait.ge [sflag:s29], $0x80  }
0x9e: {  	[sflag:s29] =	ssyncset.done $0x0  }
0x9f: {  	s18 =	sadd.s32 s14, s13;
	[sflag:s29] =	ssyncadd.s32 $0xFFFFFF80  }
0xa0: {  	[tilespmem:s4], [sflag:$0x4] =	stream.linear.gather [hbm4b:s18+s16], $0x80, $0x38;
	[tilespmem:$0x1E280] =	vst v63  }
0xa1: {  	_ =	swait.ge [sflag:s29], $0x80  }
0xa2: {  	[sflag:s29] =	ssyncset.done $0x0  }
0xa3: {  	[sflag:s29] =	ssyncadd.s32 $0xFFFFFF80  }
0xa4: {  	_ =	swait.ge [sflag:s5], $0x4000  }
0xa5: {  	[sflag:s5] =	ssyncset.done $0x0  }
0xa6: {  	s14 =	sadd.s32 s14, s15;
	[sflag:s5] =	ssyncadd.s32 $0xFFFFC000  }
0xa7: {  	[tilespmem:s6], [sflag:$0x4] =	stream.linear.gather [hbm4b:s14+s16], $0x80, $0x38;
	[tilespmem:$0x1E280] =	vst v63  }
0xa8: {  	_ =	swait.ge [sflag:s29], $0x80  }
0xa9: {  	[sflag:s29] =	ssyncset.done $0x0  }
0xaa: {  	s14 =	sadd.s32 $0x100, s18;
	[sflag:s29] =	ssyncadd.s32 $0xFFFFFF80  }
0xab: {  	[tilespmem:s31], [sflag:$0x4] =	stream.linear.gather [hbm4b:s14+s16], $0x80, $0x38;
	[tilespmem:$0x1E280] =	vst v63  }
0xac: {  	_ =	swait.ge [sflag:s29], $0x80  }
0xad: {  	[sflag:s29] =	ssyncset.done $0x0  }
0xae: {  	[sflag:s29] =	ssyncadd.s32 $0xFFFFFF80  }
0xaf: {  	[tilespmem:s7], [sflag:$0x1] =	stream.indirect.gather [hbm4b:s1+s30], $0x80, s2, s30, $0xb8;
	[tilespmem:$0x1E280] =	vst v63  }
0xb0: {  	_ = 	snop  }
0xb1: {  	[tilespmem:s0], [sflag:$0x2] =	stream.indirect.gather [hbm4b:s1+s30], $0x80, s6, s30, $0xb8;
	[tilespmem:$0x1E280] =	vst v63  }
0xb2: {  	_ =	swait.ge [sflag:s8], $0x4000  }
0xb3: {  	[sflag:s8] =	ssyncset.done $0x0  }
0xb4: {  	[sflag:s8] =	ssyncadd.s32 $0xFFFFC000  }
0xb5: {  	[spmem:s3] =	stream.indirect.scatter.add.f32 [tilespmem:s7], [sflag:$0x4], $0x80, s4, s30, $0xb8;
	[tilespmem:$0x1E280] =	vst v63  }
0xb6: {  	_ =	swait.ge [sflag:s29], $0x4000  }
.Ltmp2:
0xb7: {  	[sflag:s29] =	ssyncset.done $0x0;
	(pc) =	sbr.rel @p2 .LBB2_6-.Ltmp2, $4  }
0xb8: {  	[sflag:s29] =	ssyncadd.s32 $0xFFFFC000  }
0xb9: {  	_ =	swait.ge [sflag:s9], $0x4000  }
0xba: {  	[sflag:s9] =	ssyncset.done $0x0  }
0xbb: {  	[sflag:s9] =	ssyncadd.s32 $0xFFFFC000  }
0xbc: {  	[spmem:s3] =	stream.indirect.scatter.add.f32 [tilespmem:s0], [sflag:$0x3], $0x80, s31, s30, $0xb8;
	[tilespmem:$0x1E280] =	vst v63  }
0xbd: {  	_ =	swait.ge [sflag:s5], $0x4000  }
0xbe: {  	s12 =	simm.s32 @!p1 $0x0;
	[sflag:s5] =	ssyncset.done $0x0  }
0xbf: {  	s14 =	simm.s32 @!p1 $0x13880;
	s18 =	rddreg [dreg:$0xd];
	[sflag:s5] =	ssyncadd.s32 $0xFFFFC000  }
0xc0: {  	[tilespmem:s14], [sflag:$0x4] =	stream.linear.gather @!p1 [hbm4b:s18+s12], $0x80, $0x38;
	[tilespmem:$0x1E280] =	vst v63  }
0xc1: {  	s18 =	simm.s32 @!p1 $0x4  }
0xc2: {  	_ =	swait.ge @!p1 [sflag:s18], $0x80  }
0xc3: {  	[sflag:s18] =	ssyncset.done @!p1 $0x0  }
0xc4: {  	s19 =	simm.s32 @!p1 $0x13900;
	s20 =	rddreg [dreg:$0xc];
	[sflag:s18] =	ssyncadd.s32 @!p1 $0xFFFFFF80  }
0xc5: {  	[tilespmem:s19], [sflag:$0x4] =	stream.linear.gather @!p1 [hbm4b:s20+s12], $0x80, $0x38;
	[tilespmem:$0x1E280] =	vst v63  }
0xc6: {  	_ =	swait.ge @!p1 [sflag:s18], $0x80  }
0xc7: {  	[sflag:s18] =	ssyncset.done @!p1 $0x0  }
0xc8: {  	s12 =	simm.s32 @!p1 $0x80;
	s20 =	simm.s32 @!p1 $0x13980;
	[sflag:s18] =	ssyncadd.s32 @!p1 $0xFFFFFF80  }
0xc9: {  	[tilespmem:s20], [sflag:$0x1] =	stream.indirect.gather @!p1 [hbm4b:s1+s12], $0x80, s14, s12, $0xb8;
	[tilespmem:$0x1E280] =	vst v63  }
0xca: {  	s14 =	simm.s32 @!p1 $0x1  }
0xcb: {  	_ =	swait.ge @!p1 [sflag:s14], $0x4000  }
0xcc: {  	[sflag:s14] =	ssyncset.done @!p1 $0x0  }
0xcd: {  	[sflag:s14] =	ssyncadd.s32 @!p1 $0xFFFFC000  }
0xce: {  	[spmem:s3] =	stream.indirect.scatter.add.f32 @!p1 [tilespmem:s20], [sflag:$0x4], $0x80, s19, s12, $0xb8;
	[tilespmem:$0x1E280] =	vst v63  }
0xcf: {  	_ =	swait.ge @!p1 [sflag:s18], $0x4000  }
0xd0: {  	[sflag:s18] =	ssyncset.done @!p1 $0x0  }
0xd1: {  	[sflag:s18] =	ssyncadd.s32 @!p1 $0xFFFFC000  }
0xd2: {  	[bflag:$0x0] =	sbarrier.arrive $0xFFFF  }
0xd3: {  	[tilespmem:s28], [sflag:$0x5] =	stream.linear.gather [spmem:s21], $0x2800, $0x38;
	[tilespmem:$0x1E280] =	vst v63  }
0xd4: {  	_ =	swait.ge [sflag:s10], $0x2800  }
0xd5: {  	[sflag:s10] =	ssyncset.done $0x0  }
0xd6: {  	s19 =	smov.u32 s21;
	s21 =	rddreg [dreg:$0x4];
	[sflag:s10] =	ssyncadd.s32 $0xFFFFD800  }
0xd7: {  	[hbm4b:s21+s16] =	stream.linear.scatter [tilespmem:s28], [sflag:$0x4], $0x2800, $0x38;
	[tilespmem:$0x1E280] =	vst v63  }
0xd8: {  	_ =	swait.ge [sflag:s29], $0x2800  }
0xd9: {  	[sflag:s29] =	ssyncset.done $0x0  }
0xda: {  	[sflag:s29] =	ssyncadd.s32 $0xFFFFD800  }
0xdb: {  	[tilespmem:s28], [sflag:$0x5] =	stream.linear.gather [spmem:s22], $0x2800, $0x38;
	[tilespmem:$0x1E280] =	vst v63  }
0xdc: {  	_ =	swait.ge [sflag:s10], $0x2800  }
0xdd: {  	[sflag:s10] =	ssyncset.done $0x0  }
0xde: {  	s20 =	smov.u32 s22;
	s22 =	rddreg [dreg:$0x5];
	[sflag:s10] =	ssyncadd.s32 $0xFFFFD800  }
0xdf: {  	[hbm4b:s22+s16] =	stream.linear.scatter [tilespmem:s28], [sflag:$0x4], $0x2800, $0x38;
	[tilespmem:$0x1E280] =	vst v63  }
0xe0: {  	_ =	swait.ge [sflag:s29], $0x2800  }
0xe1: {  	[sflag:s29] =	ssyncset.done $0x0  }
0xe2: {  	[sflag:s29] =	ssyncadd.s32 $0xFFFFD800  }
0xe3: {  	[tilespmem:s28], [sflag:$0x5] =	stream.linear.gather [spmem:s23], $0x2800, $0x38;
	[tilespmem:$0x1E280] =	vst v63  }
0xe4: {  	_ =	swait.ge [sflag:s10], $0x2800  }
0xe5: {  	[sflag:s10] =	ssyncset.done $0x0  }
0xe6: {  	s14 =	rddreg [dreg:$0x6];
	[sflag:s10] =	ssyncadd.s32 $0xFFFFD800  }
0xe7: {  	[hbm4b:s14+s16] =	stream.linear.scatter [tilespmem:s28], [sflag:$0x4], $0x2800, $0x38;
	[tilespmem:$0x1E280] =	vst v63  }
0xe8: {  	_ =	swait.ge [sflag:s29], $0x2800  }
0xe9: {  	[sflag:s29] =	ssyncset.done $0x0  }
0xea: {  	[sflag:s29] =	ssyncadd.s32 $0xFFFFD800  }
0xeb: {  	[tilespmem:s28], [sflag:$0x5] =	stream.linear.gather [spmem:s24], $0x2800, $0x38;
	[tilespmem:$0x1E280] =	vst v63  }
0xec: {  	_ =	swait.ge [sflag:s10], $0x2800  }
0xed: {  	[sflag:s10] =	ssyncset.done $0x0  }
0xee: {  	s18 =	rddreg [dreg:$0x7];
	[sflag:s10] =	ssyncadd.s32 $0xFFFFD800  }
0xef: {  	[hbm4b:s18+s16] =	stream.linear.scatter [tilespmem:s28], [sflag:$0x4], $0x2800, $0x38;
	[tilespmem:$0x1E280] =	vst v63  }
0xf0: {  	_ =	swait.ge [sflag:s29], $0x2800  }
0xf1: {  	[sflag:s29] =	ssyncset.done $0x0  }
0xf2: {  	s21 =	smov.u32 s23;
	s23 =	rddreg [dreg:$0xf];
	[sflag:s29] =	ssyncadd.s32 $0xFFFFD800  }
0xf3: {  	[tilespmem:s28], [sflag:$0x5] =	stream.linear.gather [spmem:s23], $0x2800, $0x38;
	[tilespmem:$0x1E280] =	vst v63  }
0xf4: {  	_ =	swait.ge [sflag:s10], $0x2800  }
0xf5: {  	[sflag:s10] =	ssyncset.done $0x0  }
0xf6: {  	s22 =	smov.u32 s24;
	s24 =	rddreg [dreg:$0x8];
	[sflag:s10] =	ssyncadd.s32 $0xFFFFD800  }
0xf7: {  	[hbm4b:s24+s16] =	stream.linear.scatter [tilespmem:s28], [sflag:$0x4], $0x2800, $0x38;
	[tilespmem:$0x1E280] =	vst v63  }
0xf8: {  	_ =	swait.ge [sflag:s29], $0x2800  }
0xf9: {  	[sflag:s29] =	ssyncset.done $0x0  }
0xfa: {  	s14 =	rddreg [dreg:$0x10];
	[sflag:s29] =	ssyncadd.s32 $0xFFFFD800  }
0xfb: {  	[tilespmem:s28], [sflag:$0x5] =	stream.linear.gather [spmem:s14], $0x2800, $0x38;
	[tilespmem:$0x1E280] =	vst v63  }
0xfc: {  	_ =	swait.ge [sflag:s10], $0x2800  }
0xfd: {  	[sflag:s10] =	ssyncset.done $0x0  }
0xfe: {  	s18 =	rddreg [dreg:$0x9];
	[sflag:s10] =	ssyncadd.s32 $0xFFFFD800  }
0xff: {  	[hbm4b:s18+s16] =	stream.linear.scatter [tilespmem:s28], [sflag:$0x4], $0x2800, $0x38;
	[tilespmem:$0x1E280] =	vst v63  }
0x100: {  	_ =	swait.ge [sflag:s29], $0x2800  }
0x101: {  	[sflag:s29] =	ssyncset.done $0x0  }
0x102: {  	[sflag:s29] =	ssyncadd.s32 $0xFFFFD800  }
0x103: {  	[tilespmem:s28], [sflag:$0x5] =	stream.linear.gather [spmem:s25], $0x2800, $0x38;
	[tilespmem:$0x1E280] =	vst v63  }
0x104: {  	_ =	swait.ge [sflag:s10], $0x2800  }
0x105: {  	[sflag:s10] =	ssyncset.done $0x0  }
0x106: {  	s23 =	rddreg [dreg:$0xa];
	[sflag:s10] =	ssyncadd.s32 $0xFFFFD800  }
0x107: {  	[hbm4b:s23+s16] =	stream.linear.scatter [tilespmem:s28], [sflag:$0x4], $0x2800, $0x38;
	[tilespmem:$0x1E280] =	vst v63  }
0x108: {  	_ =	swait.ge [sflag:s29], $0x2800  }
0x109: {  	[sflag:s29] =	ssyncset.done $0x0  }
0x10a: {  	s12 =	simm.s32 @!p0 $0x1BA80;
	s14 =	simm.s32 @!p0 $0x5;
	[sflag:s29] =	ssyncadd.s32 $0xFFFFD800  }
0x10b: {  	[tilespmem:s12], [sflag:$0x5] =	stream.linear.gather @!p0 [spmem:s26], $0x2800, $0x38;
	[tilespmem:$0x1E280] =	vst v63  }
0x10c: {  	_ =	swait.ge @!p0 [sflag:s14], $0x2800  }
0x10d: {  	[sflag:s14] =	ssyncset.done @!p0 $0x0  }
0x10e: {  	s18 =	rddreg [dreg:$0xb];
	[sflag:s14] =	ssyncadd.s32 @!p0 $0xFFFFD800;
	s14 =	simm.s32 @!p0 $0x0  }
0x10f: {  	[hbm4b:s18+s14] =	stream.linear.scatter @!p0 [tilespmem:s12], [sflag:$0x4], $0x2800, $0x38;
	[tilespmem:$0x1E280] =	vst v63  }
0x110: {  	s12 =	simm.s32 @!p0 $0x4  }
0x111: {  	_ =	swait.ge @!p0 [sflag:s12], $0x2800  }
0x112: {  	s11 =	sadd.s32 $0x1, s11;
	s24 =	rddreg [dreg:$0xe]  }
0x113: {  	p2 =	sne.s32 s11, s24  }
.Ltmp3:
0x114: {  	_ = 	snop;
	(pc) =	sbr.rel @p2 .LBB2_1-.Ltmp3, $3  }
0x115: {  	_ =	sdelay $0x1  }
0x116: {  	[sflag:s12] =	ssyncset.done @!p0 $0x0  }
0x117: {  	[sflag:s12] =	ssyncadd.s32 @!p0 $0xFFFFD800  }
0x118: {  	_ =	sfence.sel $0x180000  }
0x119: {  	[bflag:$0x0] =	sbarrier.arrive $0xFFFF  }
0x11a: {  	_ =	strace $0x9000004A  }
0x11b: {  	s0 =	stileid.u32;
	[bflag:$0x2] =	sbarrier.arrive $0xFFFF  }
0x11c: {  	p0 =	sne.s32 s0, $0x0;
	s0 =	rddreg [dreg:$0x3]  }
0x11d: {  	s0 =	sadd.s32 @!p0 $0x100000, s0  }
0x11e: {  	[sflag:s0] =	ssyncadd.tile.s32 @!p0 $0x1;
	_ =	shalt  }
.Lfunc_end2:
_tile_overlayer_lowered:
.L_overlay_start_2:
0x11f: {  	(tag) =	ssettag $0x2  }
0x120: {  	s0 =	rddreg [dreg:$0x0];
	s2 =	stileid.u32  }
0x121: {  	s1 =	rddreg [dreg:$0x1];
	p0 =	sne.s32 s2, $0x0  }
0x122: {  	s3 =	rddreg [dreg:$0x2];
	[bflag:$0x3] =	sbarrier.arrive $0xFFFF;
	s2 =	simm.s32 @!p0 $0x1C04  }
0x123: {  	[timem:s3], [sflag:s2] =	dma.local @!p0 [hbm:s0], s1  }
0x124: {  	s0 =	simm.s32 @!p0 $0x4  }
0x125: {  	_ =	swait.ge @!p0 [sflag:s0], s1  }
0x126: {  	s1 =	ssub.s32 @!p0 $0x0, s1;
	[sflag:s0] =	ssyncset.done @!p0 $0x0  }
0x127: {  	[sflag:s0] =	ssyncadd.s32 @!p0 s1  }
0x128: {  	[bflag:$0x3] =	sbarrier.arrive $0xFFFF  }
0x129: {  	_ =	shalt  }

// kernel: kernel.14.cloned.1.call-start
scs
__scs_entry_jumppad:
0x0: {  	(pc) =	sbr.rel $0x88, $3  }
0x1: {  	(tag) =	ssettag $0x0;
	lr =	simm.s32 $0x1  }
0x2: {  	[smem:$0x3F95] =	sst lr;
	_ =	strace $0xD0000000  }
0x3: {  	_ = 	snop  }
0x4: {  	_ = 	snop  }
0x5: {  	_ = 	snop  }
0x6: {  	_ = 	snop  }
0x7: {  	_ = 	snop  }
__scs_overlays_trampoline_lowered:
0x8: {  	[smem:$0x3FA4] =	sst s0  }
0x9: {  	[smem:$0x3FA5] =	sst s1  }
0xa: {  	[smem:$0x3FA6] =	sst s2  }
0xb: {  	[smem:$0x3FA7] =	sst s3  }
0xc: {  	[smem:$0x3FA8] =	sst s4  }
0xd: {  	[smem:$0x3FA9] =	sst s5  }
0xe: {  	[smem:$0x3FAA] =	sst s6  }
0xf: {  	[smem:$0x3FAB] =	sst s7  }
0x10: {  	[smem:$0x3FAC] =	sst s8  }
0x11: {  	[smem:$0x3FAD] =	sst s9;
	s0 =	simm.s32 @!p0 $0x0  }
0x12: {  	s1 =	sld [smem:$0x3F93];
	s0 =	simm.s32 @p0 $0x1  }
0x13: {  	[smem:$0x3FAE] =	sst s0;
	s0 =	simm.s32 @!p1 $0x0  }
0x14: {  	s2 =	sld [smem:$0x3F92];
	s0 =	simm.s32 @p1 $0x1  }
0x15: {  	[smem:$0x3FAF] =	sst s0;
	s0 =	simm.s32 @!p2 $0x0  }
0x16: {  	s3 =	sld [smem:$0x3FDB];
	s0 =	simm.s32 @p2 $0x1  }
0x17: {  	s4 =	simm.s32 $0x1BF5;
	[smem:$0x3FB1] =	sst s0  }
0x18: {  	s0 =	sld [smem:$0x3F94];
	_ =	swait.ge [sflag:s4], $0x0  }
0x19: {  	s7 =	sld [smem:$0x3F95]  }
0x1a: {  	s8 =	sadd.s32 $0xFFFFE003, lr  }
0x1b: {  	s9 =	sadd.s32 $0xFFFFFEF7, lr;
	s5 =	simm.s32 $0xFFFFFFFF;
	p2 =	slt.u32 s8, $0xFFFFF086  }
0x1c: {  	p1 =	slt.u32 s9, $0xF7A;
	s5 =	simm.s32 @!p2 $0x0  }
0x1d: {  	s5 =	simm.s32 @p1 $0x1;
	p0 =	seq.s32 s7, s2  }
0x1e: {  	s7 =	smul.u32 @!p0 $0xF7A, s2;
	p2 =	seq.s32 @!p0 s5, $0x0  }
0x1f: {  	s9 =	smul.u32 $0xF7A, s1;
	s8 =	simm.s32 @!p0 $0x1BF5;
	p2 =	por !p2, p0  }
0x20: {  	[sflag:s8] =	ssyncset.s32 @!p0 $0xFFFFF086;
	s6 =	sadd.s32 @!p0 s3, s7;
	s7 =	simm.s32 @!p0 $0x108  }
0x21: {  	s3 =	sadd.s32 s3, s9;
	s6 =	sadd.s32 @!p0 $0x88, s6;
	s7 =	simm.s32 @p2 $0x1082  }
0x22: {  	[simem:s7], [sflag:s8] =	dma.local @!p0 [hbm:s6], $0xF7A  }
0x23: {  	s9 =	sor.u32 $0xD0000000, s2;
	s6 =	simm.s32 $0x108;
	_ =	swait.ge @!p0 [sflag:s8], $0x0  }
0x24: {  	s3 =	sadd.s32 $0x88, s3;
	s6 =	simm.s32 @!p1 $0x1082;
	[sflag:s4] =	ssyncset.s32 $0xFFFFF086  }
0x25: {  	[simem:s6], [sflag:s4] =	dma.local [hbm:s3], $0xF7A  }
0x26: {  	[smem:$0x3F95] =	sst s1;
	(tag) =	ssettag s2;
	_ =	strace s9  }
0x27: {  	s1 =	sld [smem:$0x3FA5]  }
0x28: {  	s2 =	sld [smem:$0x3FA6]  }
0x29: {  	s4 =	sld [smem:$0x3FA8]  }
0x2a: {  	p0 =	seq.s32 s5, $0x0;
	s5 =	sld [smem:$0x3FA9]  }
0x2b: {  	s6 =	sld [smem:$0x3FAA]  }
0x2c: {  	s7 =	sld [smem:$0x3FAB]  }
0x2d: {  	s3 =	simm.s32 $0x108;
	s8 =	sld [smem:$0x3FAC]  }
0x2e: {  	s3 =	simm.s32 @!p0 $0x1082;
	s9 =	sld [smem:$0x3FAD]  }
0x2f: {  	lr =	sadd.s32 s0, s3;
	s0 =	sld [smem:$0x3FA4]  }
0x30: {  	s3 =	sld [smem:$0x3FA7]  }
0x31: {  	[smem:$0x3FB0] =	sst s10  }
0x32: {  	s10 =	sld [smem:$0x3FAE];
	_ =	sdelay $0x3  }
0x33: {  	p0 =	seq.s32 s10, $0x1;
	s10 =	sld [smem:$0x3FB0];
	_ =	sdelay $0x3  }
0x34: {  	[smem:$0x3FB0] =	sst s10  }
0x35: {  	s10 =	sld [smem:$0x3FAF];
	_ =	sdelay $0x3  }
0x36: {  	p1 =	seq.s32 s10, $0x1;
	s10 =	sld [smem:$0x3FB0];
	_ =	sdelay $0x3  }
0x37: {  	[smem:$0x3FB0] =	sst s10  }
0x38: {  	s10 =	sld [smem:$0x3FB1]  }
0x39: {  	_ = 	snop;
	(pc) =	sbr.ind lr, $3  }
0x3a: {  	_ = 	snop  }
0x3b: {  	_ = 	snop  }
0x3c: {  	p2 =	seq.s32 s10, $0x1;
	s10 =	sld [smem:$0x3FB0]  }
0x3d: {  	_ =	shalt  }
0x3e: {  	_ =	shalt  }
0x3f: {  	_ =	shalt  }
0x40: {  	_ =	shalt  }
0x41: {  	_ =	shalt  }
0x42: {  	_ =	shalt  }
0x43: {  	_ =	shalt  }
0x44: {  	_ =	shalt  }
0x45: {  	_ =	shalt  }
0x46: {  	_ =	shalt  }
0x47: {  	_ =	shalt  }
0x48: {  	_ =	shalt  }
0x49: {  	_ =	shalt  }
0x4a: {  	_ =	shalt  }
0x4b: {  	_ =	shalt  }
0x4c: {  	_ =	shalt  }
0x4d: {  	_ =	shalt  }
0x4e: {  	_ =	shalt  }
0x4f: {  	_ =	shalt  }
0x50: {  	_ =	shalt  }
0x51: {  	_ =	shalt  }
0x52: {  	_ =	shalt  }
0x53: {  	_ =	shalt  }
0x54: {  	_ =	shalt  }
0x55: {  	_ =	shalt  }
0x56: {  	_ =	shalt  }
0x57: {  	_ =	shalt  }
0x58: {  	_ =	shalt  }
0x59: {  	_ =	shalt  }
0x5a: {  	_ =	shalt  }
0x5b: {  	_ =	shalt  }
0x5c: {  	_ =	shalt  }
0x5d: {  	_ =	shalt  }
0x5e: {  	_ =	shalt  }
0x5f: {  	_ =	shalt  }
0x60: {  	_ =	shalt  }
0x61: {  	_ =	shalt  }
0x62: {  	_ =	shalt  }
0x63: {  	_ =	shalt  }
0x64: {  	_ =	shalt  }
0x65: {  	_ =	shalt  }
0x66: {  	_ =	shalt  }
0x67: {  	_ =	shalt  }
0x68: {  	_ =	shalt  }
0x69: {  	_ =	shalt  }
0x6a: {  	_ =	shalt  }
0x6b: {  	_ =	shalt  }
0x6c: {  	_ =	shalt  }
0x6d: {  	_ =	shalt  }
0x6e: {  	_ =	shalt  }
0x6f: {  	_ =	shalt  }
0x70: {  	_ =	shalt  }
0x71: {  	_ =	shalt  }
0x72: {  	_ =	shalt  }
0x73: {  	_ =	shalt  }
0x74: {  	_ =	shalt  }
0x75: {  	_ =	shalt  }
0x76: {  	_ =	shalt  }
0x77: {  	_ =	shalt  }
0x78: {  	_ =	shalt  }
0x79: {  	_ =	shalt  }
0x7a: {  	_ =	shalt  }
0x7b: {  	_ =	shalt  }
0x7c: {  	_ =	shalt  }
0x7d: {  	_ =	shalt  }
0x7e: {  	_ =	shalt  }
0x7f: {  	_ =	shalt  }
0x80: {  	_ =	shalt  }
0x81: {  	_ =	shalt  }
0x82: {  	_ =	shalt  }
0x83: {  	_ =	shalt  }
0x84: {  	_ =	shalt  }
0x85: {  	_ =	shalt  }
0x86: {  	_ =	shalt  }
0x87: {  	_ =	shalt  }
.Lfunc_end0:
.L_simem_size_0:
called_computation.2_lowered:
.L_overlay_start_0:
0x88: {  	s2 =	sld [smem:$0x3FD9]  }
0x89: {  	s3 =	sld [smem:$0x3FFE];
	_ =	sdelay $0x1  }
0x8a: {  	s1 =	srdreg.scid  }
0x8b: {  	s0 =	sand.u32 $0x1, s1  }
0x8c: {  	s17 =	sshll.u32 s0, $0xA;
	s2 =	sadd.s32 s3, s2  }
0x8d: {  	s2 =	sadd.s32 s2, s17  }
0x8e: {  	[smem:$0x3FBC] =	sst s2  }
0x8f: {  	_ = 	snop  }
0x90: {  	s2 =	sld [smem:$0x3FD0];
	(tm) =	ssettm $0x1  }
0x91: {  	s18 =	sld [smem:$0x3FFB];
	_ =	sdelay $0x3  }
0x92: {  	_ =	strace s18  }
0x93: {  	s3 =	sld [smem:$0x3FFC];
	_ =	sdelay $0x3  }
0x94: {  	_ =	strace s3  }
0x95: {  	s3 =	sld [smem:$0x3FFD];
	_ =	sdelay $0x3  }
0x96: {  	_ =	strace s3  }
0x97: {  	_ =	strace $0x8FFFFFFF  }
0x98: {  	s19 =	sld [smem:$0x3FDB];
	_ =	sdelay $0x1  }
0x99: {  	s4 =	simm.s32 $_scs_section_size  }
0x9a: {  	s5 =	simm.s32 $_size__tile_overlayer_lowered;
	s6 =	simm.s32 $_tile_overlayer_lowered  }
0x9b: {  	s22 =	simm.s32 $0x1BFF;
	s21 =	sshll.u32 s6, $0x1;
	s3 =	sadd.s32 s4, s19  }
0x9c: {  	s7 =	simm.s32 $0x0;
	s20 =	sshll.u32 s5, $0x1;
	s5 =	sadd.s32 s21, s3  }
0x9d: {  	[timem:s7], [sflag:s22] =	dma.local [hbm:s5], s20  }
0x9e: {  	_ =	swait.ge [sflag:s22], s20  }
0x9f: {  	s4 =	ssub.s32 $0x0, s20;
	[sflag:s22] =	ssyncset.done $0x0  }
0xa0: {  	[sflag:s22] =	ssyncadd.s32 s4;
	_ =	sdelay $0x1  }
0xa1: {  	s23 =	simm.s32 $0x1B8B  }
0xa2: {  	_ =	swait.ge [sflag:s23], $0x1  }
0xa3: {  	[sflag:s23] =	ssyncset.done $0x0  }
0xa4: {  	s25 =	simm.s32 $0x1B8E;
	s24 =	sld [smem:$0x3FFE];
	[sflag:s23] =	ssyncadd.s32 $0xFFFFFFFF  }
0xa5: {  	s26 =	simm.s32 $execute0_lowered;
	[smem:$0x3FD2] =	sst s25  }
0xa6: {  	s5 =	sshll.u32 s26, $0x1;
	_ =	strace $0x8000004C;
	[dreg:$0x1] =	wrdreg $0xFFFFFFFF  }
0xa7: {  	s28 =	simm.s32 $_size_execute0_lowered;
	s3 =	sadd.s32 s3, s5;
	[dreg:$0x0] =	wrdreg $0x0  }
0xa8: {  	s5 =	sshll.u32 s28, $0x1;
	[dreg:$0x2] =	wrdreg s3  }
0xa9: {  	[dreg:$0x3] =	wrdreg s5  }
0xaa: {  	[dreg:$0x4] =	wrdreg $0xC0  }
0xab: {  	_ =	task [dreg:s7], $0x5FFFF  }
0xac: {  	[dreg:$0x1] =	wrdreg $0xFFFFFFFF  }
0xad: {  	[dreg:$0x0] =	wrdreg $0x60  }
0xae: {  	[dreg:$0x2] =	wrdreg s2  }
0xaf: {  	[dreg:$0x3] =	wrdreg s24  }
0xb0: {  	[dreg:$0x4] =	wrdreg $0x0  }
0xb1: {  	[dreg:$0x5] =	wrdreg $0x9  }
0xb2: {  	_ =	task.clear_ibuf [dreg:s7], $0x6FFFF;
	_ =	strace $0x9000004C  }
0xb3: {  	s29 =	simm.s32 $0x9;
	_ =	strace $0x8000004E  }
0xb4: {  	_ =	swait.ge [sflag:s29], $0x1  }
0xb5: {  	[sflag:s29] =	ssyncadd.s32 $0xFFFFFFFF  }
0xb6: {  	_ =	strace $0x9000004E  }
0xb7: {  	_ =	sfence  }
0xb8: {  	s30 =	sld [smem:$0x0];
	_ =	sdelay $0x2  }
0xb9: {  	s31 =	sshll.u32 s1, $0xD;
	s1 =	sshrl.u32 s1, $0x2  }
0xba: {  	s3 =	sand.u32 $0x4000, s31;
	s1 =	sadd.s32 s1, s30  }
0xbb: {  	s0 =	sor.u32 s3, s0;
	s1 =	sshll.u32 s1, $0x11  }
0xbc: {  	s0 =	sor.u32 s1, s0  }
0xbd: {  	s0 =	sadd.s32 $0x8F2B, s0  }
0xbe: {  	[sflag:s0] =	ssyncadd.remote.s32 $0x1  }
0xbf: {  	_ =	sfence.sel $0xFFFF  }
0xc0: {  	[dreg:$0x0] =	wrdreg $0xFFFFFFFF;
	(pc) =	sbr.abs _section_cstart, $3  }
0xc1: {  	[dreg:$0x1] =	wrdreg $0xFFFFFFFF  }
0xc2: {  	_ =	task.clear_ibuf [dreg:s7], $0x2FFFF;
	_ =	strace $0x9FFFFFFF  }
0xc3: {  	(tm) =	ssettm $0x7FFFFFFF  }
tec
execute0_lowered:
.L_overlay_start_1:
0x0: {  	(tag) =	ssettag $0x1  }
0x1: {  	s1 =	rddreg [dreg:$0x0]  }
0x2: {  	s0 =	srdreg.scid;
	s28 =	stileid.u32  }
0x3: {  	s2 =	rddreg [dreg:$0x1];
	s4 =	sand.u32 $0x1, s0;
	s8 =	smul.u32 $0x50, s28  }
0x4: {  	s3 =	rddreg [dreg:$0x2];
	s29 =	simm.s32 $0x4;
	s5 =	smul.u32 $0x2710, s4  }
0x5: {  	s30 =	simm.s32 $0x80;
	s7 =	sor.u32 $0x10, s28;
	s6 =	smul.u32 $0x27100, s4  }
0x6: {  	s31 =	simm.s32 $0x17A00;
	s10 =	sor.u32 $0x20, s28;
	s11 =	smul.u32 $0x50, s7  }
0x7: {  	s0 =	sadd.s32 $0x113A00, s2;
	s12 =	sor.u32 $0x30, s28;
	s13 =	smul.u32 $0x50, s10  }
0x8: {  	s9 =	sadd.s32 $0x1800, s2;
	s14 =	sor.u32 $0x40, s28;
	s15 =	smul.u32 $0x50, s12  }
0x9: {  	s2 =	sadd.s32 $0x6D800, s2;
	s21 =	sor.u32 $0x50, s28;
	s17 =	smul.u32 $0x50, s14  }
0xa: {  	s22 =	sor.u32 $0x60, s28;
	s18 =	sor.u32 $0x4E0, s28;
	s25 =	smul.u32 $0x50, s21  }
0xb: {  	s23 =	sor.u32 $0x70, s28;
	p1 =	sgt.u32 s28, $0x1;
	s19 =	smul.u32 $0x50, s22  }
0xc: {  	s4 =	ssub.s32 $0x2, s4;
	s20 =	smul.u32 $0x50, s23;
	s26 =	sshll.u32 s18, $0x7  }
0xd: {  	s7 =	smul.u32 $0xA000, s7;
	p0 =	sgt.u32 s23, $0x7C;
	s16 =	sshrl.u32 s4, $0x1  }
0xe: {  	s23 =	smul.u32 $0xA000, s23;
	s4 =	ssub.s32 s4, s16;
	s8 =	sadd.s32 s5, s8  }
0xf: {  	s11 =	sadd.s32 s5, s11;
	s13 =	sadd.s32 s5, s13;
	s15 =	sadd.s32 s5, s15  }
0x10: {  	s17 =	sadd.s32 s5, s17;
	s16 =	sadd.s32 s5, s25;
	s19 =	sadd.s32 s5, s19  }
0x11: {  	s5 =	sadd.s32 s5, s20;
	s20 =	sadd.s32 s6, s26;
	s8 =	sshll.u32 s8, $0x4  }
0x12: {  	s11 =	sshll.u32 s11, $0x4;
	s13 =	sshll.u32 s13, $0x4;
	s24 =	sshll.u32 s15, $0x4  }
0x13: {  	s25 =	sshll.u32 s17, $0x4;
	s15 =	sshll.u32 s19, $0x4;
	s5 =	sshll.u32 s5, $0x4  }
0x14: {  	s17 =	sshll.u32 s28, $0x7;
	s19 =	sshrl.u32 s20, $0x3;
	s8 =	sadd.s32 s2, s8  }
0x15: {  	s20 =	sshll.u32 s18, $0x4;
	s11 =	sadd.s32 s2, s11;
	[dreg:$0x4] =	wrdreg s8  }
0x16: {  	s18 =	smul.u32 $0xA000, s22;
	s26 =	sadd.s32 s2, s24;
	[dreg:$0x5] =	wrdreg s11  }
0x17: {  	s24 =	sshll.u32 s28, $0x4;
	s8 =	sadd.s32 s2, s13;
	[dreg:$0x7] =	wrdreg s26  }
0x18: {  	s11 =	sadd.s32 s2, s25;
	s13 =	sshll.u32 s16, $0x4;
	s16 =	sadd.s32 s2, s15  }
0x19: {  	s26 =	smul.u32 $0xA000, s10;
	s10 =	sshrl.u32 s7, $0x2;
	[dreg:$0x6] =	wrdreg s8  }
0x1a: {  	s7 =	simm.s32 $0x13980;
	[dreg:$0x8] =	wrdreg s11;
	s8 =	sadd.s32 s2, s13  }
0x1b: {  	[dreg:$0xa] =	wrdreg s16;
	s2 =	sadd.s32 s2, s5;
	s13 =	sadd.s32 s24, s9  }
0x1c: {  	s5 =	sadd.s32 s0, s19;
	s16 =	simm.s32 $0x0;
	[dreg:$0x9] =	wrdreg s8  }
0x1d: {  	s11 =	smul.u32 $0xA000, s14;
	[dreg:$0xb] =	wrdreg s2;
	s8 =	sadd.s32 s9, s20  }
0x1e: {  	s2 =	sadd.s32 s17, s6;
	[dreg:$0xd] =	wrdreg s5;
	s9 =	smul.u32 $0xA000, s12  }
0x1f: {  	[smem:$0x7FF] =	sst s16;
	s20 =	sadd.s32 s10, s3;
	s12 =	smul.u32 $0xA000, s21  }
0x20: {  	s14 =	sshrl.u32 s26, $0x2;
	s26 =	sshrl.u32 s23, $0x2;
	s5 =	simm.s32 $0x3  }
0x21: {  	s10 =	simm.s32 $0x5;
	[dreg:$0xc] =	wrdreg s8;
	s25 =	sadd.s32 $0x800, s2  }
0x22: {  	s2 =	sshrl.u32 s2, $0x3;
	s8 =	smax.u32 s4, $0x1;
	s21 =	sadd.s32 s14, s3  }
0x23: {  	s26 =	sadd.s32 s26, s3;
	s4 =	simm.s32 $0x13900;
	s6 =	sshrl.u32 s25, $0x3  }
0x24: {  	s17 =	sadd.s32 s2, s0;
	_ =	strace $0x8000004D;
	[dreg:$0xe] =	wrdreg s8  }
0x25: {  	s2 =	sshrl.u32 s9, $0x2;
	s25 =	sshrl.u32 s18, $0x2;
	s8 =	simm.s32 $0x1  }
0x26: {  	s9 =	simm.s32 $0x2;
	s15 =	sadd.s32 s6, s0;
	s6 =	smul.u32 $0xA000, s28  }
0x27: {  	s22 =	sadd.s32 s2, s3;
	s25 =	sadd.s32 s25, s3;
	s28 =	simm.s32 $0x1BA80  }
0x28: {  	s2 =	simm.s32 $0x13880;
	s0 =	sshrl.u32 s6, $0x2;
	s6 =	sshrl.u32 s11, $0x2  }
0x29: {  	s19 =	sadd.s32 s0, s3;
	s24 =	sadd.s32 s6, s3;
	s0 =	sshrl.u32 s12, $0x2  }
0x2a: {  	s11 =	simm.s32 $0x0;
	[dreg:$0xf] =	wrdreg s24;
	s0 =	sadd.s32 s0, s3  }
0x2b: {  	v0 =	vimm.f32 $0.0e+00;
	v1 =	vimm.s32 $0x0;
	s6 =	simm.s32 $0x17980;
	[dreg:$0x10] =	wrdreg s0;
	s0 =	simm.s32 $0x17A80  }
.LBB2_1:
0x2c: {  	s12 =	simm.s32 $0x0;
	s14 =	simm.s32 $0x200  }
.LBB2_2:
0x2d: {  	p2 =	sne.s32 s14, $0x9E00;
	[tilespmem:s12+$0x1BAF0] =	vst v0  }
0x2e: {  	[tilespmem:s12+$0x1BA80] =	vst v0  }
0x2f: {  	[tilespmem:s12+$0x1BA90] =	vst v0  }
.Ltmp0:
0x30: {  	[tilespmem:s12+$0x1BAA0] =	vst v0;
	(pc) =	sbr.rel @p2 .LBB2_2-.Ltmp0, $4  }
0x31: {  	[tilespmem:s12+$0x1BAB0] =	vst v0  }
0x32: {  	[tilespmem:s12+$0x1BAC0] =	vst v0  }
0x33: {  	[tilespmem:s12+$0x1BAD0] =	vst v0  }
0x34: {  	[tilespmem:s12+$0x1BAE0] =	vst v0;
	s12 =	sshra.s32 s14, $0x2;
	s14 =	sadd.s32 $0x200, s14  }
0x35: {  	[tilespmem:s12+$0x1BAF0] =	vst v0  }
0x36: {  	[tilespmem:s12+$0x1BA80] =	vst v0  }
0x37: {  	[tilespmem:s12+$0x1BA90] =	vst v0  }
0x38: {  	[tilespmem:s12+$0x1BAA0] =	vst v0  }
0x39: {  	[tilespmem:s12+$0x1BAB0] =	vst v0  }
0x3a: {  	[tilespmem:s12+$0x1BAC0] =	vst v0  }
0x3b: {  	[tilespmem:s12+$0x1BAD0] =	vst v0  }
0x3c: {  	[tilespmem:s12+$0x1BAE0] =	vst v0  }
0x3d: {  	[spmem:s19] =	stream.linear.scatter [tilespmem:s28], [sflag:$0x4], $0x2800, $0x38;
	[tilespmem:$0x1E280] =	vst v63  }
0x3e: {  	_ =	swait.ge [sflag:s29], $0x2800  }
0x3f: {  	[sflag:s29] =	ssyncset.done $0x0  }
0x40: {  	[sflag:s29] =	ssyncadd.s32 $0xFFFFD800  }
0x41: {  	[spmem:s20] =	stream.linear.scatter [tilespmem:s28], [sflag:$0x4], $0x2800, $0x38;
	[tilespmem:$0x1E280] =	vst v63  }
0x42: {  	_ =	swait.ge [sflag:s29], $0x2800  }
0x43: {  	[sflag:s29] =	ssyncset.done $0x0  }
0x44: {  	[sflag:s29] =	ssyncadd.s32 $0xFFFFD800  }
0x45: {  	[spmem:s21] =	stream.linear.scatter [tilespmem:s28], [sflag:$0x4], $0x2800, $0x38;
	[tilespmem:$0x1E280] =	vst v63  }
0x46: {  	_ =	swait.ge [sflag:s29], $0x2800  }
0x47: {  	[sflag:s29] =	ssyncset.done $0x0  }
0x48: {  	[sflag:s29] =	ssyncadd.s32 $0xFFFFD800  }
0x49: {  	[spmem:s22] =	stream.linear.scatter [tilespmem:s28], [sflag:$0x4], $0x2800, $0x38;
	[tilespmem:$0x1E280] =	vst v63  }
0x4a: {  	_ =	swait.ge [sflag:s29], $0x2800  }
0x4b: {  	[sflag:s29] =	ssyncset.done $0x0  }
0x4c: {  	s23 =	smov.u32 s21;
	s21 =	rddreg [dreg:$0xf];
	[sflag:s29] =	ssyncadd.s32 $0xFFFFD800  }
0x4d: {  	[spmem:s21] =	stream.linear.scatter [tilespmem:s28], [sflag:$0x4], $0x2800, $0x38;
	[tilespmem:$0x1E280] =	vst v63  }
0x4e: {  	_ =	swait.ge [sflag:s29], $0x2800  }
0x4f: {  	[sflag:s29] =	ssyncset.done $0x0  }
0x50: {  	s24 =	smov.u32 s22;
	s22 =	rddreg [dreg:$0x10];
	[sflag:s29] =	ssyncadd.s32 $0xFFFFD800  }
0x51: {  	[spmem:s22] =	stream.linear.scatter [tilespmem:s28], [sflag:$0x4], $0x2800, $0x38;
	[tilespmem:$0x1E280] =	vst v63  }
0x52: {  	_ =	swait.ge [sflag:s29], $0x2800  }
0x53: {  	[sflag:s29] =	ssyncset.done $0x0  }
0x54: {  	[sflag:s29] =	ssyncadd.s32 $0xFFFFD800  }
0x55: {  	[spmem:s25] =	stream.linear.scatter [tilespmem:s28], [sflag:$0x4], $0x2800, $0x38;
	[tilespmem:$0x1E280] =	vst v63  }
0x56: {  	_ =	swait.ge [sflag:s29], $0x2800  }
0x57: {  	[sflag:s29] =	ssyncset.done $0x0  }
0x58: {  	s12 =	simm.s32 @!p0 $0x1BA80;
	[sflag:s29] =	ssyncadd.s32 $0xFFFFD800  }
0x59: {  	[spmem:s26] =	stream.linear.scatter @!p0 [tilespmem:s12], [sflag:$0x4], $0x2800, $0x38;
	[tilespmem:$0x1E280] =	vst v63  }
0x5a: {  	s12 =	simm.s32 @!p0 $0x4  }
0x5b: {  	_ =	swait.ge @!p0 [sflag:s12], $0x2800  }
0x5c: {  	[sflag:s12] =	ssyncset.done @!p0 $0x0  }
0x5d: {  	[sflag:s12] =	ssyncadd.s32 @!p0 $0xFFFFD800  }
0x5e: {  	s14 =	simm.s32 $0x200;
	s12 =	simm.s32 $0x0;
	[bflag:$0x0] =	sbarrier.arrive $0xFFFF  }
.LBB2_4:
0x5f: {  	p2 =	sne.s32 s14, $0xFE00;
	[tilespmem:s12+$0x17AF0] =	vst v0  }
0x60: {  	[tilespmem:s12+$0x17A80] =	vst v0  }
0x61: {  	[tilespmem:s12+$0x17A90] =	vst v0  }
.Ltmp1:
0x62: {  	[tilespmem:s12+$0x17AA0] =	vst v0;
	(pc) =	sbr.rel @p2 .LBB2_4-.Ltmp1, $4  }
0x63: {  	[tilespmem:s12+$0x17AB0] =	vst v0  }
0x64: {  	[tilespmem:s12+$0x17AC0] =	vst v0  }
0x65: {  	[tilespmem:s12+$0x17AD0] =	vst v0  }
0x66: {  	[tilespmem:s12+$0x17AE0] =	vst v0;
	s12 =	sshra.s32 s14, $0x2;
	s14 =	sadd.s32 $0x200, s14  }
0x67: {  	[tilespmem:s12+$0x17AF0] =	vst v0  }
0x68: {  	[tilespmem:s12+$0x17A80] =	vst v0  }
0x69: {  	[tilespmem:s12+$0x17A90] =	vst v0  }
0x6a: {  	[tilespmem:s12+$0x17AA0] =	vst v0  }
0x6b: {  	[tilespmem:s12+$0x17AB0] =	vst v0  }
0x6c: {  	[tilespmem:s12+$0x17AC0] =	vst v0  }
0x6d: {  	[tilespmem:s12+$0x17AD0] =	vst v0  }
0x6e: {  	[tilespmem:s12+$0x17AE0] =	vst v0  }
0x6f: {  	[tilespmem:$0x17A00] =	vst v1  }
0x70: {  	[tilespmem:$0x17A10] =	vst v1  }
0x71: {  	[tilespmem:$0x17A20] =	vst v1  }
0x72: {  	[tilespmem:$0x17A30] =	vst v1  }
0x73: {  	[tilespmem:$0x17A40] =	vst v1  }
0x74: {  	[tilespmem:$0x17A50] =	vst v1  }
0x75: {  	[tilespmem:$0x17A60] =	vst v1  }
0x76: {  	[tilespmem:$0x17A70] =	vst v1  }
0x77: {  	[spmem:s3] =	stream.indirect.scatter.add.f32 [tilespmem:s0], [sflag:$0x3], $0x80, s31, s30, $0xb8;
	[tilespmem:$0x1E280] =	vst v63  }
0x78: {  	s21 =	smov.u32 s19;
	s19 =	sadd.s32 $0x0, s17  }
0x79: {  	[tilespmem:s2], [sflag:$0x4] =	stream.linear.gather [hbm4b:s19+s16], $0x80, $0x38;
	[tilespmem:$0x1E280] =	vst v63  }
0x7a: {  	_ =	swait.ge [sflag:s29], $0x80  }
0x7b: {  	[sflag:s29] =	ssyncset.done $0x0  }
0x7c: {  	s22 =	smov.u32 s20;
	s20 =	sadd.s32 $0x0, s13;
	[sflag:s29] =	ssyncadd.s32 $0xFFFFFF80  }
0x7d: {  	[tilespmem:s4], [sflag:$0x4] =	stream.linear.gather [hbm4b:s20+s16], $0x80, $0x38;
	[tilespmem:$0x1E280] =	vst v63  }
0x7e: {  	_ =	swait.ge [sflag:s29], $0x80  }
0x7f: {  	[sflag:s29] =	ssyncset.done $0x0  }
0x80: {  	[sflag:s29] =	ssyncadd.s32 $0xFFFFFF80  }
0x81: {  	_ =	swait.ge [sflag:s5], $0x4000  }
0x82: {  	[sflag:s5] =	ssyncset.done $0x0  }
0x83: {  	s14 =	sadd.s32 $0x0, s15;
	[sflag:s5] =	ssyncadd.s32 $0xFFFFC000  }
0x84: {  	[tilespmem:s6], [sflag:$0x4] =	stream.linear.gather [hbm4b:s14+s16], $0x80, $0x38;
	[tilespmem:$0x1E280] =	vst v63  }
0x85: {  	_ =	swait.ge [sflag:s29], $0x80  }
0x86: {  	[sflag:s29] =	ssyncset.done $0x0  }
0x87: {  	s12 =	sadd.s32 $0x100, s20;
	[sflag:s29] =	ssyncadd.s32 $0xFFFFFF80  }
0x88: {  	[tilespmem:s31], [sflag:$0x4] =	stream.linear.gather [hbm4b:s12+s16], $0x80, $0x38;
	[tilespmem:$0x1E280] =	vst v63  }
0x89: {  	_ =	swait.ge [sflag:s29], $0x80  }
0x8a: {  	[sflag:s29] =	ssyncset.done $0x0  }
0x8b: {  	[sflag:s29] =	ssyncadd.s32 $0xFFFFFF80  }
0x8c: {  	[tilespmem:s7], [sflag:$0x1] =	stream.indirect.gather [hbm4b:s1+s30], $0x80, s2, s30, $0xb8;
	[tilespmem:$0x1E280] =	vst v63  }
0x8d: {  	_ = 	snop  }
0x8e: {  	[tilespmem:s0], [sflag:$0x2] =	stream.indirect.gather [hbm4b:s1+s30], $0x80, s6, s30, $0xb8;
	[tilespmem:$0x1E280] =	vst v63  }
0x8f: {  	_ =	swait.ge [sflag:s8], $0x4000  }
0x90: {  	[sflag:s8] =	ssyncset.done $0x0  }
0x91: {  	[sflag:s8] =	ssyncadd.s32 $0xFFFFC000  }
0x92: {  	[spmem:s3] =	stream.indirect.scatter.add.f32 [tilespmem:s7], [sflag:$0x4], $0x80, s4, s30, $0xb8;
	[tilespmem:$0x1E280] =	vst v63  }
0x93: {  	_ =	swait.ge [sflag:s29], $0x4000  }
0x94: {  	[sflag:s29] =	ssyncset.done $0x0  }
0x95: {  	[sflag:s29] =	ssyncadd.s32 $0xFFFFC000  }
0x96: {  	_ =	swait.ge [sflag:s9], $0x4000  }
0x97: {  	[sflag:s9] =	ssyncset.done $0x0  }
0x98: {  	s12 =	simm.s32 $0x200;
	[sflag:s9] =	ssyncadd.s32 $0xFFFFC000  }
.LBB2_6:
0x99: {  	[spmem:s3] =	stream.indirect.scatter.add.f32 [tilespmem:s0], [sflag:$0x3], $0x80, s31, s30, $0xb8;
	[tilespmem:$0x1E280] =	vst v63  }
0x9a: {  	s14 =	smov.u32 s12  }
0x9b: {  	p2 =	sne.s32 s12, $0x4C00;
	s12 =	sadd.s32 $0x200, s12;
	s18 =	sadd.s32 s14, s17  }
0x9c: {  	[tilespmem:s2], [sflag:$0x4] =	stream.linear.gather [hbm4b:s18+s16], $0x80, $0x38;
	[tilespmem:$0x1E280] =	vst v63  }
0x9d: {  	_ =	swait.ge [sflag:s29], $0x80  }
0x9e: {  	[sflag:s29] =	ssyncset.done $0x0  }
0x9f: {  	s18 =	sadd.s32 s14, s13;
	[sflag:s29] =	ssyncadd.s32 $0xFFFFFF80  }
0xa0: {  	[tilespmem:s4], [sflag:$0x4] =	stream.linear.gather [hbm4b:s18+s16], $0x80, $0x38;
	[tilespmem:$0x1E280] =	vst v63  }
0xa1: {  	_ =	swait.ge [sflag:s29], $0x80  }
0xa2: {  	[sflag:s29] =	ssyncset.done $0x0  }
0xa3: {  	[sflag:s29] =	ssyncadd.s32 $0xFFFFFF80  }
0xa4: {  	_ =	swait.ge [sflag:s5], $0x4000  }
0xa5: {  	[sflag:s5] =	ssyncset.done $0x0  }
0xa6: {  	s14 =	sadd.s32 s14, s15;
	[sflag:s5] =	ssyncadd.s32 $0xFFFFC000  }
0xa7: {  	[tilespmem:s6], [sflag:$0x4] =	stream.linear.gather [hbm4b:s14+s16], $0x80, $0x38;
	[tilespmem:$0x1E280] =	vst v63  }
0xa8: {  	_ =	swait.ge [sflag:s29], $0x80  }
0xa9: {  	[sflag:s29] =	ssyncset.done $0x0  }
0xaa: {  	s14 =	sadd.s32 $0x100, s18;
	[sflag:s29] =	ssyncadd.s32 $0xFFFFFF80  }
0xab: {  	[tilespmem:s31], [sflag:$0x4] =	stream.linear.gather [hbm4b:s14+s16], $0x80, $0x38;
	[tilespmem:$0x1E280] =	vst v63  }
0xac: {  	_ =	swait.ge [sflag:s29], $0x80  }
0xad: {  	[sflag:s29] =	ssyncset.done $0x0  }
0xae: {  	[sflag:s29] =	ssyncadd.s32 $0xFFFFFF80  }
0xaf: {  	[tilespmem:s7], [sflag:$0x1] =	stream.indirect.gather [hbm4b:s1+s30], $0x80, s2, s30, $0xb8;
	[tilespmem:$0x1E280] =	vst v63  }
0xb0: {  	_ = 	snop  }
0xb1: {  	[tilespmem:s0], [sflag:$0x2] =	stream.indirect.gather [hbm4b:s1+s30], $0x80, s6, s30, $0xb8;
	[tilespmem:$0x1E280] =	vst v63  }
0xb2: {  	_ =	swait.ge [sflag:s8], $0x4000  }
0xb3: {  	[sflag:s8] =	ssyncset.done $0x0  }
0xb4: {  	[sflag:s8] =	ssyncadd.s32 $0xFFFFC000  }
0xb5: {  	[spmem:s3] =	stream.indirect.scatter.add.f32 [tilespmem:s7], [sflag:$0x4], $0x80, s4, s30, $0xb8;
	[tilespmem:$0x1E280] =	vst v63  }
0xb6: {  	_ =	swait.ge [sflag:s29], $0x4000  }
.Ltmp2:
0xb7: {  	[sflag:s29] =	ssyncset.done $0x0;
	(pc) =	sbr.rel @p2 .LBB2_6-.Ltmp2, $4  }
0xb8: {  	[sflag:s29] =	ssyncadd.s32 $0xFFFFC000  }
0xb9: {  	_ =	swait.ge [sflag:s9], $0x4000  }
0xba: {  	[sflag:s9] =	ssyncset.done $0x0  }
0xbb: {  	[sflag:s9] =	ssyncadd.s32 $0xFFFFC000  }
0xbc: {  	[spmem:s3] =	stream.indirect.scatter.add.f32 [tilespmem:s0], [sflag:$0x3], $0x80, s31, s30, $0xb8;
	[tilespmem:$0x1E280] =	vst v63  }
0xbd: {  	_ =	swait.ge [sflag:s5], $0x4000  }
0xbe: {  	s12 =	simm.s32 @!p1 $0x0;
	[sflag:s5] =	ssyncset.done $0x0  }
0xbf: {  	s14 =	simm.s32 @!p1 $0x13880;
	s18 =	rddreg [dreg:$0xd];
	[sflag:s5] =	ssyncadd.s32 $0xFFFFC000  }
0xc0: {  	[tilespmem:s14], [sflag:$0x4] =	stream.linear.gather @!p1 [hbm4b:s18+s12], $0x80, $0x38;
	[tilespmem:$0x1E280] =	vst v63  }
0xc1: {  	s18 =	simm.s32 @!p1 $0x4  }
0xc2: {  	_ =	swait.ge @!p1 [sflag:s18], $0x80  }
0xc3: {  	[sflag:s18] =	ssyncset.done @!p1 $0x0  }
0xc4: {  	s19 =	simm.s32 @!p1 $0x13900;
	s20 =	rddreg [dreg:$0xc];
	[sflag:s18] =	ssyncadd.s32 @!p1 $0xFFFFFF80  }
0xc5: {  	[tilespmem:s19], [sflag:$0x4] =	stream.linear.gather @!p1 [hbm4b:s20+s12], $0x80, $0x38;
	[tilespmem:$0x1E280] =	vst v63  }
0xc6: {  	_ =	swait.ge @!p1 [sflag:s18], $0x80  }
0xc7: {  	[sflag:s18] =	ssyncset.done @!p1 $0x0  }
0xc8: {  	s12 =	simm.s32 @!p1 $0x80;
	s20 =	simm.s32 @!p1 $0x13980;
	[sflag:s18] =	ssyncadd.s32 @!p1 $0xFFFFFF80  }
0xc9: {  	[tilespmem:s20], [sflag:$0x1] =	stream.indirect.gather @!p1 [hbm4b:s1+s12], $0x80, s14, s12, $0xb8;
	[tilespmem:$0x1E280] =	vst v63  }
0xca: {  	s14 =	simm.s32 @!p1 $0x1  }
0xcb: {  	_ =	swait.ge @!p1 [sflag:s14], $0x4000  }
0xcc: {  	[sflag:s14] =	ssyncset.done @!p1 $0x0  }
0xcd: {  	[sflag:s14] =	ssyncadd.s32 @!p1 $0xFFFFC000  }
0xce: {  	[spmem:s3] =	stream.indirect.scatter.add.f32 @!p1 [tilespmem:s20], [sflag:$0x4], $0x80, s19, s12, $0xb8;
	[tilespmem:$0x1E280] =	vst v63  }
0xcf: {  	_ =	swait.ge @!p1 [sflag:s18], $0x4000  }
0xd0: {  	[sflag:s18] =	ssyncset.done @!p1 $0x0  }
0xd1: {  	[sflag:s18] =	ssyncadd.s32 @!p1 $0xFFFFC000  }
0xd2: {  	[bflag:$0x0] =	sbarrier.arrive $0xFFFF  }
0xd3: {  	[tilespmem:s28], [sflag:$0x5] =	stream.linear.gather [spmem:s21], $0x2800, $0x38;
	[tilespmem:$0x1E280] =	vst v63  }
0xd4: {  	_ =	swait.ge [sflag:s10], $0x2800  }
0xd5: {  	[sflag:s10] =	ssyncset.done $0x0  }
0xd6: {  	s19 =	smov.u32 s21;
	s21 =	rddreg [dreg:$0x4];
	[sflag:s10] =	ssyncadd.s32 $0xFFFFD800  }
0xd7: {  	[hbm4b:s21+s16] =	stream.linear.scatter [tilespmem:s28], [sflag:$0x4], $0x2800, $0x38;
	[tilespmem:$0x1E280] =	vst v63  }
0xd8: {  	_ =	swait.ge [sflag:s29], $0x2800  }
0xd9: {  	[sflag:s29] =	ssyncset.done $0x0  }
0xda: {  	[sflag:s29] =	ssyncadd.s32 $0xFFFFD800  }
0xdb: {  	[tilespmem:s28], [sflag:$0x5] =	stream.linear.gather [spmem:s22], $0x2800, $0x38;
	[tilespmem:$0x1E280] =	vst v63  }
0xdc: {  	_ =	swait.ge [sflag:s10], $0x2800  }
0xdd: {  	[sflag:s10] =	ssyncset.done $0x0  }
0xde: {  	s20 =	smov.u32 s22;
	s22 =	rddreg [dreg:$0x5];
	[sflag:s10] =	ssyncadd.s32 $0xFFFFD800  }
0xdf: {  	[hbm4b:s22+s16] =	stream.linear.scatter [tilespmem:s28], [sflag:$0x4], $0x2800, $0x38;
	[tilespmem:$0x1E280] =	vst v63  }
0xe0: {  	_ =	swait.ge [sflag:s29], $0x2800  }
0xe1: {  	[sflag:s29] =	ssyncset.done $0x0  }
0xe2: {  	[sflag:s29] =	ssyncadd.s32 $0xFFFFD800  }
0xe3: {  	[tilespmem:s28], [sflag:$0x5] =	stream.linear.gather [spmem:s23], $0x2800, $0x38;
	[tilespmem:$0x1E280] =	vst v63  }
0xe4: {  	_ =	swait.ge [sflag:s10], $0x2800  }
0xe5: {  	[sflag:s10] =	ssyncset.done $0x0  }
0xe6: {  	s14 =	rddreg [dreg:$0x6];
	[sflag:s10] =	ssyncadd.s32 $0xFFFFD800  }
0xe7: {  	[hbm4b:s14+s16] =	stream.linear.scatter [tilespmem:s28], [sflag:$0x4], $0x2800, $0x38;
	[tilespmem:$0x1E280] =	vst v63  }
0xe8: {  	_ =	swait.ge [sflag:s29], $0x2800  }
0xe9: {  	[sflag:s29] =	ssyncset.done $0x0  }
0xea: {  	[sflag:s29] =	ssyncadd.s32 $0xFFFFD800  }
0xeb: {  	[tilespmem:s28], [sflag:$0x5] =	stream.linear.gather [spmem:s24], $0x2800, $0x38;
	[tilespmem:$0x1E280] =	vst v63  }
0xec: {  	_ =	swait.ge [sflag:s10], $0x2800  }
0xed: {  	[sflag:s10] =	ssyncset.done $0x0  }
0xee: {  	s18 =	rddreg [dreg:$0x7];
	[sflag:s10] =	ssyncadd.s32 $0xFFFFD800  }
0xef: {  	[hbm4b:s18+s16] =	stream.linear.scatter [tilespmem:s28], [sflag:$0x4], $0x2800, $0x38;
	[tilespmem:$0x1E280] =	vst v63  }
0xf0: {  	_ =	swait.ge [sflag:s29], $0x2800  }
0xf1: {  	[sflag:s29] =	ssyncset.done $0x0  }
0xf2: {  	s21 =	smov.u32 s23;
	s23 =	rddreg [dreg:$0xf];
	[sflag:s29] =	ssyncadd.s32 $0xFFFFD800  }
0xf3: {  	[tilespmem:s28], [sflag:$0x5] =	stream.linear.gather [spmem:s23], $0x2800, $0x38;
	[tilespmem:$0x1E280] =	vst v63  }
0xf4: {  	_ =	swait.ge [sflag:s10], $0x2800  }
0xf5: {  	[sflag:s10] =	ssyncset.done $0x0  }
0xf6: {  	s22 =	smov.u32 s24;
	s24 =	rddreg [dreg:$0x8];
	[sflag:s10] =	ssyncadd.s32 $0xFFFFD800  }
0xf7: {  	[hbm4b:s24+s16] =	stream.linear.scatter [tilespmem:s28], [sflag:$0x4], $0x2800, $0x38;
	[tilespmem:$0x1E280] =	vst v63  }
0xf8: {  	_ =	swait.ge [sflag:s29], $0x2800  }
0xf9: {  	[sflag:s29] =	ssyncset.done $0x0  }
0xfa: {  	s14 =	rddreg [dreg:$0x10];
	[sflag:s29] =	ssyncadd.s32 $0xFFFFD800  }
0xfb: {  	[tilespmem:s28], [sflag:$0x5] =	stream.linear.gather [spmem:s14], $0x2800, $0x38;
	[tilespmem:$0x1E280] =	vst v63  }
0xfc: {  	_ =	swait.ge [sflag:s10], $0x2800  }
0xfd: {  	[sflag:s10] =	ssyncset.done $0x0  }
0xfe: {  	s18 =	rddreg [dreg:$0x9];
	[sflag:s10] =	ssyncadd.s32 $0xFFFFD800  }
0xff: {  	[hbm4b:s18+s16] =	stream.linear.scatter [tilespmem:s28], [sflag:$0x4], $0x2800, $0x38;
	[tilespmem:$0x1E280] =	vst v63  }
0x100: {  	_ =	swait.ge [sflag:s29], $0x2800  }
0x101: {  	[sflag:s29] =	ssyncset.done $0x0  }
0x102: {  	[sflag:s29] =	ssyncadd.s32 $0xFFFFD800  }
0x103: {  	[tilespmem:s28], [sflag:$0x5] =	stream.linear.gather [spmem:s25], $0x2800, $0x38;
	[tilespmem:$0x1E280] =	vst v63  }
0x104: {  	_ =	swait.ge [sflag:s10], $0x2800  }
0x105: {  	[sflag:s10] =	ssyncset.done $0x0  }
0x106: {  	s23 =	rddreg [dreg:$0xa];
	[sflag:s10] =	ssyncadd.s32 $0xFFFFD800  }
0x107: {  	[hbm4b:s23+s16] =	stream.linear.scatter [tilespmem:s28], [sflag:$0x4], $0x2800, $0x38;
	[tilespmem:$0x1E280] =	vst v63  }
0x108: {  	_ =	swait.ge [sflag:s29], $0x2800  }
0x109: {  	[sflag:s29] =	ssyncset.done $0x0  }
0x10a: {  	s12 =	simm.s32 @!p0 $0x1BA80;
	s14 =	simm.s32 @!p0 $0x5;
	[sflag:s29] =	ssyncadd.s32 $0xFFFFD800  }
0x10b: {  	[tilespmem:s12], [sflag:$0x5] =	stream.linear.gather @!p0 [spmem:s26], $0x2800, $0x38;
	[tilespmem:$0x1E280] =	vst v63  }
0x10c: {  	_ =	swait.ge @!p0 [sflag:s14], $0x2800  }
0x10d: {  	[sflag:s14] =	ssyncset.done @!p0 $0x0  }
0x10e: {  	s18 =	rddreg [dreg:$0xb];
	[sflag:s14] =	ssyncadd.s32 @!p0 $0xFFFFD800;
	s14 =	simm.s32 @!p0 $0x0  }
0x10f: {  	[hbm4b:s18+s14] =	stream.linear.scatter @!p0 [tilespmem:s12], [sflag:$0x4], $0x2800, $0x38;
	[tilespmem:$0x1E280] =	vst v63  }
0x110: {  	s12 =	simm.s32 @!p0 $0x4  }
0x111: {  	_ =	swait.ge @!p0 [sflag:s12], $0x2800  }
0x112: {  	s11 =	sadd.s32 $0x1, s11;
	s24 =	rddreg [dreg:$0xe]  }
0x113: {  	p2 =	sne.s32 s11, s24  }
.Ltmp3:
0x114: {  	_ = 	snop;
	(pc) =	sbr.rel @p2 .LBB2_1-.Ltmp3, $3  }
0x115: {  	_ =	sdelay $0x1  }
0x116: {  	[sflag:s12] =	ssyncset.done @!p0 $0x0  }
0x117: {  	[sflag:s12] =	ssyncadd.s32 @!p0 $0xFFFFD800  }
0x118: {  	_ =	sfence.sel $0x180000  }
0x119: {  	[bflag:$0x0] =	sbarrier.arrive $0xFFFF  }
0x11a: {  	_ =	strace $0x9000004D  }
0x11b: {  	s0 =	stileid.u32;
	[bflag:$0x2] =	sbarrier.arrive $0xFFFF  }
0x11c: {  	p0 =	sne.s32 s0, $0x0;
	s0 =	rddreg [dreg:$0x3]  }
0x11d: {  	s0 =	sadd.s32 @!p0 $0x100000, s0  }
0x11e: {  	[sflag:s0] =	ssyncadd.tile.s32 @!p0 $0x1;
	_ =	shalt  }
.Lfunc_end2:
_tile_overlayer_lowered:
.L_overlay_start_2:
0x11f: {  	(tag) =	ssettag $0x2  }
0x120: {  	s0 =	rddreg [dreg:$0x0];
	s2 =	stileid.u32  }
0x121: {  	s1 =	rddreg [dreg:$0x1];
	p0 =	sne.s32 s2, $0x0  }
0x122: {  	s3 =	rddreg [dreg:$0x2];
	[bflag:$0x3] =	sbarrier.arrive $0xFFFF;
	s2 =	simm.s32 @!p0 $0x1C04  }
0x123: {  	[timem:s3], [sflag:s2] =	dma.local @!p0 [hbm:s0], s1  }
0x124: {  	s0 =	simm.s32 @!p0 $0x4  }
0x125: {  	_ =	swait.ge @!p0 [sflag:s0], s1  }
0x126: {  	s1 =	ssub.s32 @!p0 $0x0, s1;
	[sflag:s0] =	ssyncset.done @!p0 $0x0  }
0x127: {  	[sflag:s0] =	ssyncadd.s32 @!p0 s1  }
0x128: {  	[bflag:$0x3] =	sbarrier.arrive $0xFFFF  }
0x129: {  	_ =	shalt  }

// kernel: kernel.8.cloned.1.call-start
scs
__scs_entry_jumppad:
0x0: {  	(pc) =	sbr.rel $0x88, $3  }
0x1: {  	(tag) =	ssettag $0x0;
	lr =	simm.s32 $0x1  }
0x2: {  	[smem:$0x3F95] =	sst lr;
	_ =	strace $0xD0000000  }
0x3: {  	_ = 	snop  }
0x4: {  	_ = 	snop  }
0x5: {  	_ = 	snop  }
0x6: {  	_ = 	snop  }
0x7: {  	_ = 	snop  }
__scs_overlays_trampoline_lowered:
0x8: {  	[smem:$0x3FA4] =	sst s0  }
0x9: {  	[smem:$0x3FA5] =	sst s1  }
0xa: {  	[smem:$0x3FA6] =	sst s2  }
0xb: {  	[smem:$0x3FA7] =	sst s3  }
0xc: {  	[smem:$0x3FA8] =	sst s4  }
0xd: {  	[smem:$0x3FA9] =	sst s5  }
0xe: {  	[smem:$0x3FAA] =	sst s6  }
0xf: {  	[smem:$0x3FAB] =	sst s7  }
0x10: {  	[smem:$0x3FAC] =	sst s8  }
0x11: {  	[smem:$0x3FAD] =	sst s9;
	s0 =	simm.s32 @!p0 $0x0  }
0x12: {  	s1 =	sld [smem:$0x3F93];
	s0 =	simm.s32 @p0 $0x1  }
0x13: {  	[smem:$0x3FAE] =	sst s0;
	s0 =	simm.s32 @!p1 $0x0  }
0x14: {  	s2 =	sld [smem:$0x3F92];
	s0 =	simm.s32 @p1 $0x1  }
0x15: {  	[smem:$0x3FAF] =	sst s0;
	s0 =	simm.s32 @!p2 $0x0  }
0x16: {  	s3 =	sld [smem:$0x3FDB];
	s0 =	simm.s32 @p2 $0x1  }
0x17: {  	s4 =	simm.s32 $0x1BF5;
	[smem:$0x3FB1] =	sst s0  }
0x18: {  	s0 =	sld [smem:$0x3F94];
	_ =	swait.ge [sflag:s4], $0x0  }
0x19: {  	s7 =	sld [smem:$0x3F95]  }
0x1a: {  	s8 =	sadd.s32 $0xFFFFE003, lr  }
0x1b: {  	s9 =	sadd.s32 $0xFFFFFEF7, lr;
	s5 =	simm.s32 $0xFFFFFFFF;
	p2 =	slt.u32 s8, $0xFFFFF086  }
0x1c: {  	p1 =	slt.u32 s9, $0xF7A;
	s5 =	simm.s32 @!p2 $0x0  }
0x1d: {  	s5 =	simm.s32 @p1 $0x1;
	p0 =	seq.s32 s7, s2  }
0x1e: {  	s7 =	smul.u32 @!p0 $0xF7A, s2;
	p2 =	seq.s32 @!p0 s5, $0x0  }
0x1f: {  	s9 =	smul.u32 $0xF7A, s1;
	s8 =	simm.s32 @!p0 $0x1BF5;
	p2 =	por !p2, p0  }
0x20: {  	[sflag:s8] =	ssyncset.s32 @!p0 $0xFFFFF086;
	s6 =	sadd.s32 @!p0 s3, s7;
	s7 =	simm.s32 @!p0 $0x108  }
0x21: {  	s3 =	sadd.s32 s3, s9;
	s6 =	sadd.s32 @!p0 $0x88, s6;
	s7 =	simm.s32 @p2 $0x1082  }
0x22: {  	[simem:s7], [sflag:s8] =	dma.local @!p0 [hbm:s6], $0xF7A  }
0x23: {  	s9 =	sor.u32 $0xD0000000, s2;
	s6 =	simm.s32 $0x108;
	_ =	swait.ge @!p0 [sflag:s8], $0x0  }
0x24: {  	s3 =	sadd.s32 $0x88, s3;
	s6 =	simm.s32 @!p1 $0x1082;
	[sflag:s4] =	ssyncset.s32 $0xFFFFF086  }
0x25: {  	[simem:s6], [sflag:s4] =	dma.local [hbm:s3], $0xF7A  }
0x26: {  	[smem:$0x3F95] =	sst s1;
	(tag) =	ssettag s2;
	_ =	strace s9  }
0x27: {  	s1 =	sld [smem:$0x3FA5]  }
0x28: {  	s2 =	sld [smem:$0x3FA6]  }
0x29: {  	s4 =	sld [smem:$0x3FA8]  }
0x2a: {  	p0 =	seq.s32 s5, $0x0;
	s5 =	sld [smem:$0x3FA9]  }
0x2b: {  	s6 =	sld [smem:$0x3FAA]  }
0x2c: {  	s7 =	sld [smem:$0x3FAB]  }
0x2d: {  	s3 =	simm.s32 $0x108;
	s8 =	sld [smem:$0x3FAC]  }
0x2e: {  	s3 =	simm.s32 @!p0 $0x1082;
	s9 =	sld [smem:$0x3FAD]  }
0x2f: {  	lr =	sadd.s32 s0, s3;
	s0 =	sld [smem:$0x3FA4]  }
0x30: {  	s3 =	sld [smem:$0x3FA7]  }
0x31: {  	[smem:$0x3FB0] =	sst s10  }
0x32: {  	s10 =	sld [smem:$0x3FAE];
	_ =	sdelay $0x3  }
0x33: {  	p0 =	seq.s32 s10, $0x1;
	s10 =	sld [smem:$0x3FB0];
	_ =	sdelay $0x3  }
0x34: {  	[smem:$0x3FB0] =	sst s10  }
0x35: {  	s10 =	sld [smem:$0x3FAF];
	_ =	sdelay $0x3  }
0x36: {  	p1 =	seq.s32 s10, $0x1;
	s10 =	sld [smem:$0x3FB0];
	_ =	sdelay $0x3  }
0x37: {  	[smem:$0x3FB0] =	sst s10  }
0x38: {  	s10 =	sld [smem:$0x3FB1]  }
0x39: {  	_ = 	snop;
	(pc) =	sbr.ind lr, $3  }
0x3a: {  	_ = 	snop  }
0x3b: {  	_ = 	snop  }
0x3c: {  	p2 =	seq.s32 s10, $0x1;
	s10 =	sld [smem:$0x3FB0]  }
0x3d: {  	_ =	shalt  }
0x3e: {  	_ =	shalt  }
0x3f: {  	_ =	shalt  }
0x40: {  	_ =	shalt  }
0x41: {  	_ =	shalt  }
0x42: {  	_ =	shalt  }
0x43: {  	_ =	shalt  }
0x44: {  	_ =	shalt  }
0x45: {  	_ =	shalt  }
0x46: {  	_ =	shalt  }
0x47: {  	_ =	shalt  }
0x48: {  	_ =	shalt  }
0x49: {  	_ =	shalt  }
0x4a: {  	_ =	shalt  }
0x4b: {  	_ =	shalt  }
0x4c: {  	_ =	shalt  }
0x4d: {  	_ =	shalt  }
0x4e: {  	_ =	shalt  }
0x4f: {  	_ =	shalt  }
0x50: {  	_ =	shalt  }
0x51: {  	_ =	shalt  }
0x52: {  	_ =	shalt  }
0x53: {  	_ =	shalt  }
0x54: {  	_ =	shalt  }
0x55: {  	_ =	shalt  }
0x56: {  	_ =	shalt  }
0x57: {  	_ =	shalt  }
0x58: {  	_ =	shalt  }
0x59: {  	_ =	shalt  }
0x5a: {  	_ =	shalt  }
0x5b: {  	_ =	shalt  }
0x5c: {  	_ =	shalt  }
0x5d: {  	_ =	shalt  }
0x5e: {  	_ =	shalt  }
0x5f: {  	_ =	shalt  }
0x60: {  	_ =	shalt  }
0x61: {  	_ =	shalt  }
0x62: {  	_ =	shalt  }
0x63: {  	_ =	shalt  }
0x64: {  	_ =	shalt  }
0x65: {  	_ =	shalt  }
0x66: {  	_ =	shalt  }
0x67: {  	_ =	shalt  }
0x68: {  	_ =	shalt  }
0x69: {  	_ =	shalt  }
0x6a: {  	_ =	shalt  }
0x6b: {  	_ =	shalt  }
0x6c: {  	_ =	shalt  }
0x6d: {  	_ =	shalt  }
0x6e: {  	_ =	shalt  }
0x6f: {  	_ =	shalt  }
0x70: {  	_ =	shalt  }
0x71: {  	_ =	shalt  }
0x72: {  	_ =	shalt  }
0x73: {  	_ =	shalt  }
0x74: {  	_ =	shalt  }
0x75: {  	_ =	shalt  }
0x76: {  	_ =	shalt  }
0x77: {  	_ =	shalt  }
0x78: {  	_ =	shalt  }
0x79: {  	_ =	shalt  }
0x7a: {  	_ =	shalt  }
0x7b: {  	_ =	shalt  }
0x7c: {  	_ =	shalt  }
0x7d: {  	_ =	shalt  }
0x7e: {  	_ =	shalt  }
0x7f: {  	_ =	shalt  }
0x80: {  	_ =	shalt  }
0x81: {  	_ =	shalt  }
0x82: {  	_ =	shalt  }
0x83: {  	_ =	shalt  }
0x84: {  	_ =	shalt  }
0x85: {  	_ =	shalt  }
0x86: {  	_ =	shalt  }
0x87: {  	_ =	shalt  }
.Lfunc_end0:
.L_simem_size_0:
called_computation_lowered:
.L_overlay_start_0:
0x88: {  	s2 =	sld [smem:$0x3FD9]  }
0x89: {  	s3 =	sld [smem:$0x3FFE];
	_ =	sdelay $0x1  }
0x8a: {  	s1 =	srdreg.scid  }
0x8b: {  	s0 =	sand.u32 $0x1, s1  }
0x8c: {  	s16 =	sshll.u32 s0, $0xA;
	s2 =	sadd.s32 s3, s2  }
0x8d: {  	s2 =	sadd.s32 s2, s16  }
0x8e: {  	[smem:$0x3FBC] =	sst s2  }
0x8f: {  	_ = 	snop  }
0x90: {  	(tm) =	ssettm $0x1  }
0x91: {  	s17 =	sld [smem:$0x3FFB];
	_ =	sdelay $0x3  }
0x92: {  	_ =	strace s17  }
0x93: {  	s2 =	sld [smem:$0x3FFC];
	_ =	sdelay $0x3  }
0x94: {  	_ =	strace s2  }
0x95: {  	s2 =	sld [smem:$0x3FFD];
	_ =	sdelay $0x3  }
0x96: {  	_ =	strace s2  }
0x97: {  	_ =	strace $0x8FFFFFFF  }
0x98: {  	s18 =	sld [smem:$0x3FDB];
	_ =	sdelay $0x1  }
0x99: {  	s19 =	simm.s32 $_scs_section_size  }
0x9a: {  	s4 =	simm.s32 $_size__tile_overlayer_lowered;
	s5 =	simm.s32 $_tile_overlayer_lowered  }
0x9b: {  	s22 =	simm.s32 $0x1BFF;
	s21 =	sshll.u32 s5, $0x1;
	s2 =	sadd.s32 s19, s18  }
0x9c: {  	s6 =	simm.s32 $0x0;
	s20 =	sshll.u32 s4, $0x1;
	s4 =	sadd.s32 s21, s2  }
0x9d: {  	[timem:s6], [sflag:s22] =	dma.local [hbm:s4], s20  }
0x9e: {  	_ =	swait.ge [sflag:s22], s20  }
0x9f: {  	s3 =	ssub.s32 $0x0, s20;
	[sflag:s22] =	ssyncset.done $0x0  }
0xa0: {  	[sflag:s22] =	ssyncadd.s32 s3;
	_ =	sdelay $0x1  }
0xa1: {  	s23 =	simm.s32 $0x1B8B  }
0xa2: {  	_ =	swait.ge [sflag:s23], $0x1  }
0xa3: {  	[sflag:s23] =	ssyncset.done $0x0  }
0xa4: {  	s25 =	simm.s32 $0x1B8E;
	s24 =	sld [smem:$0x3FFE];
	[sflag:s23] =	ssyncadd.s32 $0xFFFFFFFF  }
0xa5: {  	s26 =	simm.s32 $execute0_lowered;
	[smem:$0x3FD2] =	sst s25  }
0xa6: {  	s4 =	sshll.u32 s26, $0x1;
	_ =	strace $0x80000046;
	[dreg:$0x1] =	wrdreg $0xFFFFFFFF  }
0xa7: {  	s28 =	simm.s32 $_size_execute0_lowered;
	s2 =	sadd.s32 s2, s4;
	[dreg:$0x0] =	wrdreg $0x0  }
0xa8: {  	s4 =	sshll.u32 s28, $0x1;
	[dreg:$0x2] =	wrdreg s2  }
0xa9: {  	[dreg:$0x3] =	wrdreg s4  }
0xaa: {  	[dreg:$0x4] =	wrdreg $0xC0  }
0xab: {  	_ =	task [dreg:s6], $0x5FFFF  }
0xac: {  	[dreg:$0x1] =	wrdreg $0xFFFFFFFF  }
0xad: {  	[dreg:$0x0] =	wrdreg $0x60  }
0xae: {  	[dreg:$0x2] =	wrdreg s24  }
0xaf: {  	[dreg:$0x3] =	wrdreg $0x0  }
0xb0: {  	[dreg:$0x4] =	wrdreg $0x9  }
0xb1: {  	_ =	task.clear_ibuf [dreg:s6], $0x5FFFF;
	_ =	strace $0x90000046  }
0xb2: {  	s29 =	simm.s32 $0x9;
	_ =	strace $0x80000048  }
0xb3: {  	_ =	swait.ge [sflag:s29], $0x1  }
0xb4: {  	[sflag:s29] =	ssyncadd.s32 $0xFFFFFFFF  }
0xb5: {  	_ =	strace $0x90000048  }
0xb6: {  	_ =	sfence  }
0xb7: {  	s30 =	sld [smem:$0x0];
	_ =	sdelay $0x2  }
0xb8: {  	s31 =	sshll.u32 s1, $0xD;
	s1 =	sshrl.u32 s1, $0x2  }
0xb9: {  	s3 =	sand.u32 $0x4000, s31;
	s1 =	sadd.s32 s1, s30  }
0xba: {  	s0 =	sor.u32 s3, s0;
	s1 =	sshll.u32 s1, $0x11  }
0xbb: {  	s0 =	sor.u32 s1, s0  }
0xbc: {  	s0 =	sadd.s32 $0x8F2B, s0  }
0xbd: {  	[sflag:s0] =	ssyncadd.remote.s32 $0x1  }
0xbe: {  	_ =	sfence.sel $0xFFFF  }
0xbf: {  	[dreg:$0x0] =	wrdreg $0xFFFFFFFF;
	(pc) =	sbr.abs _section_cstart, $3  }
0xc0: {  	[dreg:$0x1] =	wrdreg $0xFFFFFFFF  }
0xc1: {  	_ =	task.clear_ibuf [dreg:s6], $0x2FFFF;
	_ =	strace $0x9FFFFFFF  }
0xc2: {  	(tm) =	ssettm $0x7FFFFFFF  }
0xc3: {  	_ =	shalt  }
tec
execute0_lowered:
.L_overlay_start_1:
0x0: {  	(tag) =	ssettag $0x1  }
0x1: {  	s20 =	stileid.u32  }
0x2: {  	s0 =	srdreg.scid;
	s13 =	smul.u32 $0x50, s20  }
0x3: {  	s0 =	sand.u32 $0x1, s0;
	s6 =	smul.u32 $0x1400, s20  }
0x4: {  	s4 =	smul.u32 $0x500, s0  }
0x5: {  	s14 =	sor.u32 $0x10, s20;
	s19 =	smul.u32 $0x2710, s0  }
0x6: {  	s30 =	sor.u32 $0x20, s20;
	s7 =	smul.u32 $0x1400, s14  }
0x7: {  	s15 =	sor.u32 $0x30, s20;
	s8 =	smul.u32 $0x1400, s30  }
0x8: {  	s16 =	sor.u32 $0x40, s20;
	s9 =	smul.u32 $0x1400, s15  }
0x9: {  	s1 =	rddreg [dreg:$0x0];
	s17 =	sor.u32 $0x50, s20;
	s10 =	smul.u32 $0x1400, s16  }
0xa: {  	s2 =	rddreg [dreg:$0x1];
	s18 =	sor.u32 $0x60, s20;
	s11 =	smul.u32 $0x1400, s17  }
0xb: {  	s3 =	simm.s32 $0x0;
	s24 =	sor.u32 $0x70, s20;
	s12 =	smul.u32 $0x1400, s18  }
0xc: {  	s28 =	simm.s32 $0x1;
	s29 =	simm.s32 $0x2;
	s20 =	smul.u32 $0x1400, s24  }
0xd: {  	s31 =	simm.s32 $0x4;
	[smem:$0x7FF] =	sst s3;
	s21 =	smul.u32 $0x50, s14  }
0xe: {  	_ =	strace $0x80000047;
	s5 =	ssub.s32 $0x2, s0;
	s25 =	smul.u32 $0x50, s15  }
0xf: {  	s14 =	smul.u32 $0x50, s24;
	p0 =	sgt.u32 s24, $0x7C;
	s24 =	simm.s32 $0x5718  }
0x10: {  	s26 =	sshrl.u32 s5, $0x1;
	s6 =	sshrl.u32 s6, $0x2;
	s4 =	sadd.s32 s13, s4  }
0x11: {  	s0 =	ssub.s32 s5, s26;
	s7 =	sshrl.u32 s7, $0x2;
	s6 =	sadd.s32 s6, s2  }
0x12: {  	s8 =	sshrl.u32 s8, $0x2;
	s9 =	sshrl.u32 s9, $0x2;
	s10 =	sshrl.u32 s10, $0x2  }
0x13: {  	s11 =	sshrl.u32 s11, $0x2;
	s12 =	sshrl.u32 s12, $0x2;
	s13 =	sadd.s32 s19, s13  }
0x14: {  	s23 =	sadd.s32 s19, s21;
	s26 =	smul.u32 $0x50, s16;
	s4 =	sshll.u32 s4, $0x4  }
0x15: {  	s0 =	smax.u32 s0, $0x1;
	s7 =	sadd.s32 s7, s2;
	s8 =	sadd.s32 s8, s2  }
0x16: {  	s9 =	sadd.s32 s9, s2;
	s10 =	sadd.s32 s10, s2;
	s11 =	sadd.s32 s11, s2  }
0x17: {  	s12 =	sadd.s32 s12, s2;
	s5 =	sshll.u32 s13, $0x1;
	s4 =	sadd.s32 s4, s1  }
0x18: {  	s1 =	sadd.s32 $0x15800, s1;
	[dreg:$0x4] =	wrdreg s0;
	s4 =	sadd.s32 $0xB800, s4  }
0x19: {  	s0 =	smul.u32 $0x50, s30;
	s22 =	sadd.s32 s1, s5;
	[dreg:$0x3] =	wrdreg s4  }
0x1a: {  	s30 =	sadd.s32 s19, s25;
	s4 =	sshrl.u32 s20, $0x2;
	[dreg:$0x5] =	wrdreg s22  }
0x1b: {  	s20 =	sshll.u32 s23, $0x1;
	s0 =	sadd.s32 s19, s0;
	s22 =	smul.u32 $0x50, s18  }
0x1c: {  	s13 =	sadd.s32 s4, s2;
	s15 =	sadd.s32 s1, s20;
	s0 =	sshll.u32 s0, $0x1  }
0x1d: {  	s4 =	smul.u32 $0x50, s17;
	s20 =	sadd.s32 s19, s26;
	s26 =	sadd.s32 s19, s14  }
0x1e: {  	s16 =	sadd.s32 s1, s0;
	s0 =	sshll.u32 s30, $0x1;
	s5 =	sshll.u32 s20, $0x1  }
0x1f: {  	s25 =	sadd.s32 s19, s22;
	s30 =	sshll.u32 s26, $0x1;
	s22 =	simm.s32 $0x2718  }
0x20: {  	s26 =	simm.s32 $0x4F18;
	s17 =	sadd.s32 s1, s0;
	s18 =	sadd.s32 s1, s5  }
0x21: {  	s23 =	sadd.s32 s19, s4;
	s21 =	sshll.u32 s25, $0x1;
	s25 =	simm.s32 $0x80  }
0x22: {  	s0 =	sshll.u32 s23, $0x1;
	s20 =	sadd.s32 s1, s21;
	s21 =	sadd.s32 s1, s30  }
0x23: {  	v0 =	vimm.f32 $1.000000000e+00;
	v1 =	vimm.f32 $0.0e+00;
	s23 =	simm.s32 $0x3;
	s19 =	sadd.s32 s1, s0;
	s1 =	simm.s32 $0x0  }
.LBB2_1:
0x24: {  	s0 =	rddreg [dreg:$0x3]  }
0x25: {  	[tilespmem:s22], [sflag:$0x3] =	stream.linear.gather [hbm4b:s0+s3], $0x2800, $0x38;
	[tilespmem:$0x5C18] =	vst v63  }
0x26: {  	_ =	swait.ge [sflag:s23], $0x2800  }
0x27: {  	[sflag:s23] =	ssyncset.done $0x0  }
0x28: {  	s0 =	simm.s32 $0x0;
	[sflag:s23] =	ssyncadd.s32 $0xFFFFD800  }
.LBB2_2:
0x29: {  	p1 =	sne.s32 s0, $0x1FC0  }
.Ltmp0:
0x2a: {  	_ = 	snop;
	(pc) =	sbr.rel @p1 .LBB2_2-.Ltmp0, $3  }
0x2b: {  	_ =	sdelay $0x1  }
0x2c: {  	s30 =	sshra.s32 s0, $0x2  }
0x2d: {  	s0 =	sadd.s32 $0x40, s0;
	[tilespmem:s30+$0x4F18] =	vst v0  }
0x2e: {  	s0 =	simm.s32 $0x40;
	s30 =	simm.s32 $0x0  }
.LBB2_4:
0x2f: {  	p1 =	sne.s32 s0, $0x13C0;
	[tilespmem:s30+$0x5718] =	vst v1;
	s30 =	smov.u32 s0;
	s0 =	sadd.s32 $0x40, s0  }
.Ltmp1:
0x30: {  	(pc) =	sbr.rel @p1 .LBB2_4-.Ltmp1, $2  }
0x31: {  	_ =	sdelay $0x2  }
0x32: {  	s30 =	sshra.s32 s30, $0x2  }
0x33: {  	[tilespmem:s30+$0x5718] =	vst v1  }
0x34: {  	[spmem:s6] =	stream.linear.scatter [tilespmem:s24], [sflag:$0x3], $0x500, $0x38;
	[tilespmem:$0x5C18] =	vst v63  }
0x35: {  	_ =	swait.ge [sflag:s23], $0x500  }
0x36: {  	[sflag:s23] =	ssyncset.done $0x0  }
0x37: {  	[sflag:s23] =	ssyncadd.s32 $0xFFFFFB00  }
0x38: {  	[spmem:s7] =	stream.linear.scatter [tilespmem:s24], [sflag:$0x3], $0x500, $0x38;
	[tilespmem:$0x5C18] =	vst v63  }
0x39: {  	_ =	swait.ge [sflag:s23], $0x500  }
0x3a: {  	[sflag:s23] =	ssyncset.done $0x0  }
0x3b: {  	[sflag:s23] =	ssyncadd.s32 $0xFFFFFB00  }
0x3c: {  	[spmem:s8] =	stream.linear.scatter [tilespmem:s24], [sflag:$0x3], $0x500, $0x38;
	[tilespmem:$0x5C18] =	vst v63  }
0x3d: {  	_ =	swait.ge [sflag:s23], $0x500  }
0x3e: {  	[sflag:s23] =	ssyncset.done $0x0  }
0x3f: {  	[sflag:s23] =	ssyncadd.s32 $0xFFFFFB00  }
0x40: {  	[spmem:s9] =	stream.linear.scatter [tilespmem:s24], [sflag:$0x3], $0x500, $0x38;
	[tilespmem:$0x5C18] =	vst v63  }
0x41: {  	_ =	swait.ge [sflag:s23], $0x500  }
0x42: {  	[sflag:s23] =	ssyncset.done $0x0  }
0x43: {  	[sflag:s23] =	ssyncadd.s32 $0xFFFFFB00  }
0x44: {  	[spmem:s10] =	stream.linear.scatter [tilespmem:s24], [sflag:$0x3], $0x500, $0x38;
	[tilespmem:$0x5C18] =	vst v63  }
0x45: {  	_ =	swait.ge [sflag:s23], $0x500  }
0x46: {  	[sflag:s23] =	ssyncset.done $0x0  }
0x47: {  	[sflag:s23] =	ssyncadd.s32 $0xFFFFFB00  }
0x48: {  	[spmem:s11] =	stream.linear.scatter [tilespmem:s24], [sflag:$0x3], $0x500, $0x38;
	[tilespmem:$0x5C18] =	vst v63  }
0x49: {  	_ =	swait.ge [sflag:s23], $0x500  }
0x4a: {  	[sflag:s23] =	ssyncset.done $0x0  }
0x4b: {  	[sflag:s23] =	ssyncadd.s32 $0xFFFFFB00  }
0x4c: {  	[spmem:s12] =	stream.linear.scatter [tilespmem:s24], [sflag:$0x3], $0x500, $0x38;
	[tilespmem:$0x5C18] =	vst v63  }
0x4d: {  	_ =	swait.ge [sflag:s23], $0x500  }
0x4e: {  	[sflag:s23] =	ssyncset.done $0x0  }
0x4f: {  	s0 =	simm.s32 @!p0 $0x5718;
	[sflag:s23] =	ssyncadd.s32 $0xFFFFFB00  }
0x50: {  	[spmem:s13] =	stream.linear.scatter @!p0 [tilespmem:s0], [sflag:$0x3], $0x500, $0x38;
	[tilespmem:$0x5C18] =	vst v63  }
0x51: {  	s0 =	simm.s32 @!p0 $0x3  }
0x52: {  	_ =	swait.ge @!p0 [sflag:s0], $0x500  }
0x53: {  	[sflag:s0] =	ssyncset.done @!p0 $0x0  }
0x54: {  	[sflag:s0] =	ssyncadd.s32 @!p0 $0xFFFFFB00  }
0x55: {  	[bflag:$0x0] =	sbarrier.arrive $0xFFFF  }
0x56: {  	[spmem:s2] =	stream.indirect.scatter.add.f32 [tilespmem:s26], [sflag:$0x1], $0x10, s22, s25, $0xb8;
	[tilespmem:$0x5C18] =	vst v63  }
0x57: {  	s5 =	simm.s32 $0x2798  }
0x58: {  	[spmem:s2] =	stream.indirect.scatter.add.f32 [tilespmem:s26], [sflag:$0x2], $0x10, s5, s25, $0xb8;
	[tilespmem:$0x5C18] =	vst v63  }
0x59: {  	_ =	swait.ge [sflag:s28], $0x800  }
0x5a: {  	[sflag:s28] =	ssyncset.done $0x0  }
0x5b: {  	s14 =	simm.s32 $0x2818;
	[sflag:s28] =	ssyncadd.s32 $0xFFFFF800  }
0x5c: {  	[spmem:s2] =	stream.indirect.scatter.add.f32 [tilespmem:s26], [sflag:$0x1], $0x10, s14, s25, $0xb8;
	[tilespmem:$0x5C18] =	vst v63  }
0x5d: {  	_ =	swait.ge [sflag:s29], $0x800  }
0x5e: {  	s30 =	simm.s32 $0xFFFF6C00;
	s0 =	simm.s32 $0xFFFFDA00;
	[sflag:s29] =	ssyncset.done $0x0  }
.LBB2_6:
0x5f: {  	s4 =	sadd.s32 $0x4E98, s0  }
0x60: {  	[sflag:s29] =	ssyncadd.s32 $0xFFFFF800;
	s5 =	smov.u32 s30;
	s14 =	sadd.s32 $0x400, s30  }
0x61: {  	[spmem:s2] =	stream.indirect.scatter.add.f32 [tilespmem:s26], [sflag:$0x2], $0x10, s4, s25, $0xb8;
	[tilespmem:$0x5C18] =	vst v63  }
0x62: {  	p1 =	sne.s32 s30, $0xFFFFFC00;
	_ =	swait.ge [sflag:s28], $0x800  }
.Ltmp2:
0x63: {  	[sflag:s28] =	ssyncset.done $0x0;
	(pc) =	sbr.rel @p1 .LBB2_6-.Ltmp2, $4  }
0x64: {  	s0 =	sadd.s32 $0x4F18, s0;
	[sflag:s28] =	ssyncadd.s32 $0xFFFFF800  }
0x65: {  	[spmem:s2] =	stream.indirect.scatter.add.f32 [tilespmem:s26], [sflag:$0x1], $0x10, s0, s25, $0xb8;
	[tilespmem:$0x5C18] =	vst v63  }
0x66: {  	_ =	swait.ge [sflag:s29], $0x800  }
0x67: {  	s30 =	smov.u32 s14;
	s0 =	sshra.s32 s5, $0x2;
	[sflag:s29] =	ssyncset.done $0x0  }
0x68: {  	s4 =	sadd.s32 $0x4E98, s0;
	[sflag:s29] =	ssyncadd.s32 $0xFFFFF800  }
0x69: {  	[spmem:s2] =	stream.indirect.scatter.add.f32 [tilespmem:s26], [sflag:$0x2], $0x10, s4, s25, $0xb8;
	[tilespmem:$0x5C18] =	vst v63  }
0x6a: {  	_ =	swait.ge [sflag:s28], $0x800  }
0x6b: {  	[sflag:s28] =	ssyncset.done $0x0  }
0x6c: {  	s4 =	sadd.s32 $0x4F18, s0;
	[sflag:s28] =	ssyncadd.s32 $0xFFFFF800  }
0x6d: {  	[spmem:s2] =	stream.indirect.scatter.add.f32 [tilespmem:s26], [sflag:$0x1], $0x10, s4, s25, $0xb8;
	[tilespmem:$0x5C18] =	vst v63  }
0x6e: {  	_ =	swait.ge [sflag:s29], $0x800  }
0x6f: {  	[sflag:s29] =	ssyncset.done $0x0  }
0x70: {  	s5 =	simm.s32 $0x4E98;
	[sflag:s29] =	ssyncadd.s32 $0xFFFFF800  }
0x71: {  	[spmem:s2] =	stream.indirect.scatter.add.f32 [tilespmem:s26], [sflag:$0x2], $0x10, s5, s25, $0xb8;
	[tilespmem:$0x5C18] =	vst v63  }
0x72: {  	_ =	swait.ge [sflag:s28], $0x800  }
0x73: {  	[sflag:s28] =	ssyncset.done $0x0  }
0x74: {  	[sflag:s28] =	ssyncadd.s32 $0xFFFFF800  }
0x75: {  	_ =	swait.ge [sflag:s29], $0x800  }
0x76: {  	[sflag:s29] =	ssyncset.done $0x0  }
0x77: {  	[sflag:s29] =	ssyncadd.s32 $0xFFFFF800  }
0x78: {  	[bflag:$0x0] =	sbarrier.arrive $0xFFFF  }
0x79: {  	[tilespmem:s24], [sflag:$0x4] =	stream.linear.gather [spmem:s6], $0x500, $0x38;
	[tilespmem:$0x5C18] =	vst v63  }
0x7a: {  	_ =	swait.ge [sflag:s31], $0x500  }
0x7b: {  	[sflag:s31] =	ssyncset.done $0x0  }
0x7c: {  	s14 =	rddreg [dreg:$0x5];
	[sflag:s31] =	ssyncadd.s32 $0xFFFFFB00  }
0x7d: {  	[hbm4b:s14+s3] =	stream.linear.scatter [tilespmem:s24], [sflag:$0x3], $0x500, $0x38;
	[tilespmem:$0x5C18] =	vst v63  }
0x7e: {  	_ =	swait.ge [sflag:s23], $0x500  }
0x7f: {  	[sflag:s23] =	ssyncset.done $0x0  }
0x80: {  	[sflag:s23] =	ssyncadd.s32 $0xFFFFFB00  }
0x81: {  	[tilespmem:s24], [sflag:$0x4] =	stream.linear.gather [spmem:s7], $0x500, $0x38;
	[tilespmem:$0x5C18] =	vst v63  }
0x82: {  	_ =	swait.ge [sflag:s31], $0x500  }
0x83: {  	[sflag:s31] =	ssyncset.done $0x0  }
0x84: {  	[sflag:s31] =	ssyncadd.s32 $0xFFFFFB00  }
0x85: {  	[hbm4b:s15+s3] =	stream.linear.scatter [tilespmem:s24], [sflag:$0x3], $0x500, $0x38;
	[tilespmem:$0x5C18] =	vst v63  }
0x86: {  	_ =	swait.ge [sflag:s23], $0x500  }
0x87: {  	[sflag:s23] =	ssyncset.done $0x0  }
0x88: {  	[sflag:s23] =	ssyncadd.s32 $0xFFFFFB00  }
0x89: {  	[tilespmem:s24], [sflag:$0x4] =	stream.linear.gather [spmem:s8], $0x500, $0x38;
	[tilespmem:$0x5C18] =	vst v63  }
0x8a: {  	_ =	swait.ge [sflag:s31], $0x500  }
0x8b: {  	[sflag:s31] =	ssyncset.done $0x0  }
0x8c: {  	[sflag:s31] =	ssyncadd.s32 $0xFFFFFB00  }
0x8d: {  	[hbm4b:s16+s3] =	stream.linear.scatter [tilespmem:s24], [sflag:$0x3], $0x500, $0x38;
	[tilespmem:$0x5C18] =	vst v63  }
0x8e: {  	_ =	swait.ge [sflag:s23], $0x500  }
0x8f: {  	[sflag:s23] =	ssyncset.done $0x0  }
0x90: {  	[sflag:s23] =	ssyncadd.s32 $0xFFFFFB00  }
0x91: {  	[tilespmem:s24], [sflag:$0x4] =	stream.linear.gather [spmem:s9], $0x500, $0x38;
	[tilespmem:$0x5C18] =	vst v63  }
0x92: {  	_ =	swait.ge [sflag:s31], $0x500  }
0x93: {  	[sflag:s31] =	ssyncset.done $0x0  }
0x94: {  	[sflag:s31] =	ssyncadd.s32 $0xFFFFFB00  }
0x95: {  	[hbm4b:s17+s3] =	stream.linear.scatter [tilespmem:s24], [sflag:$0x3], $0x500, $0x38;
	[tilespmem:$0x5C18] =	vst v63  }
0x96: {  	_ =	swait.ge [sflag:s23], $0x500  }
0x97: {  	[sflag:s23] =	ssyncset.done $0x0  }
0x98: {  	[sflag:s23] =	ssyncadd.s32 $0xFFFFFB00  }
0x99: {  	[tilespmem:s24], [sflag:$0x4] =	stream.linear.gather [spmem:s10], $0x500, $0x38;
	[tilespmem:$0x5C18] =	vst v63  }
0x9a: {  	_ =	swait.ge [sflag:s31], $0x500  }
0x9b: {  	[sflag:s31] =	ssyncset.done $0x0  }
0x9c: {  	[sflag:s31] =	ssyncadd.s32 $0xFFFFFB00  }
0x9d: {  	[hbm4b:s18+s3] =	stream.linear.scatter [tilespmem:s24], [sflag:$0x3], $0x500, $0x38;
	[tilespmem:$0x5C18] =	vst v63  }
0x9e: {  	_ =	swait.ge [sflag:s23], $0x500  }
0x9f: {  	[sflag:s23] =	ssyncset.done $0x0  }
0xa0: {  	[sflag:s23] =	ssyncadd.s32 $0xFFFFFB00  }
0xa1: {  	[tilespmem:s24], [sflag:$0x4] =	stream.linear.gather [spmem:s11], $0x500, $0x38;
	[tilespmem:$0x5C18] =	vst v63  }
0xa2: {  	_ =	swait.ge [sflag:s31], $0x500  }
0xa3: {  	[sflag:s31] =	ssyncset.done $0x0  }
0xa4: {  	[sflag:s31] =	ssyncadd.s32 $0xFFFFFB00  }
0xa5: {  	[hbm4b:s19+s3] =	stream.linear.scatter [tilespmem:s24], [sflag:$0x3], $0x500, $0x38;
	[tilespmem:$0x5C18] =	vst v63  }
0xa6: {  	_ =	swait.ge [sflag:s23], $0x500  }
0xa7: {  	[sflag:s23] =	ssyncset.done $0x0  }
0xa8: {  	[sflag:s23] =	ssyncadd.s32 $0xFFFFFB00  }
0xa9: {  	[tilespmem:s24], [sflag:$0x4] =	stream.linear.gather [spmem:s12], $0x500, $0x38;
	[tilespmem:$0x5C18] =	vst v63  }
0xaa: {  	_ =	swait.ge [sflag:s31], $0x500  }
0xab: {  	[sflag:s31] =	ssyncset.done $0x0  }
0xac: {  	[sflag:s31] =	ssyncadd.s32 $0xFFFFFB00  }
0xad: {  	[hbm4b:s20+s3] =	stream.linear.scatter [tilespmem:s24], [sflag:$0x3], $0x500, $0x38;
	[tilespmem:$0x5C18] =	vst v63  }
0xae: {  	_ =	swait.ge [sflag:s23], $0x500  }
0xaf: {  	[sflag:s23] =	ssyncset.done $0x0  }
0xb0: {  	s0 =	simm.s32 @!p0 $0x5718;
	s4 =	simm.s32 @!p0 $0x4;
	[sflag:s23] =	ssyncadd.s32 $0xFFFFFB00  }
0xb1: {  	[tilespmem:s0], [sflag:$0x4] =	stream.linear.gather @!p0 [spmem:s13], $0x500, $0x38;
	[tilespmem:$0x5C18] =	vst v63  }
0xb2: {  	_ =	swait.ge @!p0 [sflag:s4], $0x500  }
0xb3: {  	[sflag:s4] =	ssyncset.done @!p0 $0x0  }
0xb4: {  	[sflag:s4] =	ssyncadd.s32 @!p0 $0xFFFFFB00;
	s4 =	simm.s32 @!p0 $0x0  }
0xb5: {  	[hbm4b:s21+s4] =	stream.linear.scatter @!p0 [tilespmem:s0], [sflag:$0x3], $0x500, $0x38;
	[tilespmem:$0x5C18] =	vst v63  }
0xb6: {  	s0 =	simm.s32 @!p0 $0x3  }
0xb7: {  	_ =	swait.ge @!p0 [sflag:s0], $0x500  }
0xb8: {  	s1 =	sadd.s32 $0x1, s1;
	s30 =	rddreg [dreg:$0x4]  }
0xb9: {  	p1 =	sne.s32 s1, s30  }
.Ltmp3:
0xba: {  	_ = 	snop;
	(pc) =	sbr.rel @p1 .LBB2_1-.Ltmp3, $3  }
0xbb: {  	_ =	sdelay $0x1  }
0xbc: {  	[sflag:s0] =	ssyncset.done @!p0 $0x0  }
0xbd: {  	[sflag:s0] =	ssyncadd.s32 @!p0 $0xFFFFFB00  }
0xbe: {  	_ =	sfence.sel $0x180000  }
0xbf: {  	[bflag:$0x0] =	sbarrier.arrive $0xFFFF  }
0xc0: {  	_ =	strace $0x90000047  }
0xc1: {  	s0 =	stileid.u32;
	[bflag:$0x2] =	sbarrier.arrive $0xFFFF  }
0xc2: {  	p0 =	sne.s32 s0, $0x0;
	s0 =	rddreg [dreg:$0x2]  }
0xc3: {  	s0 =	sadd.s32 @!p0 $0x100000, s0  }
0xc4: {  	[sflag:s0] =	ssyncadd.tile.s32 @!p0 $0x1;
	_ =	shalt  }
.Lfunc_end2:
_tile_overlayer_lowered:
.L_overlay_start_2:
0xc5: {  	(tag) =	ssettag $0x2  }
0xc6: {  	s0 =	rddreg [dreg:$0x0];
	s2 =	stileid.u32  }
0xc7: {  	s1 =	rddreg [dreg:$0x1];
	p0 =	sne.s32 s2, $0x0  }
0xc8: {  	s3 =	rddreg [dreg:$0x2];
	[bflag:$0x3] =	sbarrier.arrive $0xFFFF;
	s2 =	simm.s32 @!p0 $0x1C03  }
0xc9: {  	[timem:s3], [sflag:s2] =	dma.local @!p0 [hbm:s0], s1  }
0xca: {  	s0 =	simm.s32 @!p0 $0x3  }
0xcb: {  	_ =	swait.ge @!p0 [sflag:s0], s1  }
0xcc: {  	s1 =	ssub.s32 @!p0 $0x0, s1;
	[sflag:s0] =	ssyncset.done @!p0 $0x0  }
0xcd: {  	[sflag:s0] =	ssyncadd.s32 @!p0 s1  }
0xce: {  	[bflag:$0x3] =	sbarrier.arrive $0xFFFF  }
0xcf: {  	_ =	shalt  }

</sc_bundles>
